<compile_context>
chip_gen: v7x
topology: tpu7x:2x2x1
jax: 0.10.2.dev20260603
libtpu: 0.0.44.dev20260713+nightly
codegen_flags: <defaults>
</compile_context>

<pallas_src>
import functools

import jax
import jax.numpy as jnp
from jax import lax
from jax.experimental import pallas as pl
from jax.experimental.pallas import tpu as pltpu
from jax.experimental.pallas import tpu_sc as plsc

_NC, _NS, _L = 2, 16, 16
_NW = _NC * _NS
_CHUNK = 128


def kernel(users, items, user_table, movie_table):
    B = users.shape[0]
    N, D = user_table.shape
    DW = 4 * D
    b_per_w = B // _NW
    n_chunks = b_per_w // _CHUNK
    ut4 = user_table.reshape(N // 4, DW)
    mt4 = movie_table.reshape(N // 4, DW)
    mesh = plsc.VectorSubcoreMesh(core_axis_name="c", subcore_axis_name="s")

    @functools.partial(
        pl.kernel,
        out_type=jax.ShapeDtypeStruct((B,), jnp.float32),
        mesh=mesh,
        scratch_types=[
            pltpu.VMEM((b_per_w,), jnp.int32),
            pltpu.VMEM((b_per_w,), jnp.int32),
            pltpu.VMEM((b_per_w,), jnp.int32),
            pltpu.VMEM((b_per_w,), jnp.int32),
            pltpu.VMEM((_CHUNK, DW), jnp.float32),
            pltpu.VMEM((_CHUNK, DW), jnp.float32),
            pltpu.VMEM((_CHUNK, DW), jnp.float32),
            pltpu.VMEM((_CHUNK, DW), jnp.float32),
            pltpu.VMEM((b_per_w,), jnp.float32),
            pltpu.SemaphoreType.DMA,
            pltpu.SemaphoreType.DMA,
        ],
        compiler_params=pltpu.CompilerParams(
            needs_layout_passes=False, use_tc_tiling_on_sc=False),
    )
    def mf_kernel(users_hbm, items_hbm, ut_hbm, mt_hbm, out_hbm,
                  uidx_v, iidx_v, uidx4_v, iidx4_v,
                  ubuf0, ubuf1, mbuf0, mbuf1, out_v, usem, msem):
        wid = lax.axis_index("s") * _NC + lax.axis_index("c")
        base = wid * b_per_w
        pltpu.sync_copy(users_hbm.at[pl.ds(base, b_per_w)], uidx_v)
        pltpu.sync_copy(items_hbm.at[pl.ds(base, b_per_w)], iidx_v)

        def phys_body(j, carry):
            sl = pl.ds(j * _L, _L)
            uidx4_v[sl] = lax.shift_right_logical(uidx_v[sl], 2)
            iidx4_v[sl] = lax.shift_right_logical(iidx_v[sl], 2)
            return carry

        lax.fori_loop(0, b_per_w // _L, phys_body, 0)

        ubufs = (ubuf0, ubuf1)
        mbufs = (mbuf0, mbuf1)

        def gather_chunk(c):
            sl = pl.ds(c * _CHUNK, _CHUNK)
            return (
                pltpu.async_copy(ut_hbm.at[uidx4_v.at[sl]], ubufs[c % 2], usem),
                pltpu.async_copy(mt_hbm.at[iidx4_v.at[sl]], mbufs[c % 2], msem),
            )

        pending = gather_chunk(0)
        for c in range(n_chunks):
            nxt = gather_chunk(c + 1) if c + 1 < n_chunks else None
            for cp in pending:
                cp.wait()
            pending = nxt
            ub, mb = ubufs[c % 2], mbufs[c % 2]

            def group_body(g, carry, ub=ub, mb=mb, c=c):
                k = g * _L + lax.iota(jnp.int32, _L)
                sl_b = pl.ds(c * _CHUNK + g * _L, _L)
                ucb = lax.shift_left(uidx_v[sl_b] & 3, 5)
                mcb = lax.shift_left(iidx_v[sl_b] & 3, 5)
                acc = jnp.zeros((_L,), jnp.float32)
                for d in range(D):
                    u = plsc.load_gather(ub, [k, ucb + d])
                    m = plsc.load_gather(mb, [k, mcb + d])
                    acc = acc + u * m
                out_v[sl_b] = 1.0 / (1.0 + jnp.exp(-acc))
                return carry

            lax.fori_loop(0, _CHUNK // _L, group_body, 0)

        pltpu.sync_copy(out_v, out_hbm.at[pl.ds(base, b_per_w)])

    return mf_kernel(users, items, ut4, mt4)

# --- scband reference (transcript-rebuilt; emitter-appended) ---
"""Pipeline reference for scband-matrix-factorization-model-19370302505716 (READ-ONLY COPY).

The authoritative reference and input builder live on the scoring server;
editing this copy changes nothing except your own understanding.
"""

import jax, jax.numpy as jnp
import numpy as np

N_USERS = 1000000
N_MOVIES = 1000000
EMBED_DIM = 32
BATCH = 16384

def setup_inputs(seed: int = 0) -> dict:
    key = jax.random.key(seed)
    k1, k2, k3, k4 = jax.random.split(key, 4)
    users = jax.random.randint(k1, (BATCH,), 0, N_USERS, dtype=jnp.int64 if jax.config.jax_enable_x64 else jnp.int32)
    items = jax.random.randint(k2, (BATCH,), 0, N_MOVIES, dtype=jnp.int64 if jax.config.jax_enable_x64 else jnp.int32)
    user_table = jax.random.normal(k3, (N_USERS, EMBED_DIM), dtype=jnp.float32)
    movie_table = jax.random.normal(k4, (N_MOVIES, EMBED_DIM), dtype=jnp.float32)
    return {"users": users, "items": items, "user_table": user_table, "movie_table": movie_table}

def reference(users, items, user_table, movie_table):
    user_emb = jnp.take(user_table, users, axis=0)
    item_emb = jnp.take(movie_table, items, axis=0)
    interaction = jnp.sum(user_emb * item_emb, axis=1)
    interaction = jax.nn.sigmoid(interaction)
    return interaction

if __name__ == "__main__":
    import jax
    _d = setup_inputs()
    print(jax.jit(kernel)(*tuple(_d.values())))

</pallas_src>

<mosaic_0001>
#map = affine_map<(d0, d1) -> (0)>
#map1 = affine_map<(d0, d1) -> (0, 0)>
module attributes {stable_mosaic.version = 14 : i64} {
  func.func @mf_kernel(%arg0: i32, %arg1: i32, %arg2: memref<16384xi32, #tpu.memory_space<hbm>>, %arg3: memref<16384xi32, #tpu.memory_space<hbm>>, %arg4: memref<250000x128xf32, #tpu.memory_space<hbm>>, %arg5: memref<250000x128xf32, #tpu.memory_space<hbm>>, %arg6: memref<16384xf32, #tpu.memory_space<hbm>>, %arg7: memref<512xi32, #tpu.memory_space<vmem>>, %arg8: memref<512xi32, #tpu.memory_space<vmem>>, %arg9: memref<512xi32, #tpu.memory_space<vmem>>, %arg10: memref<512xi32, #tpu.memory_space<vmem>>, %arg11: memref<128x128xf32, #tpu.memory_space<vmem>>, %arg12: memref<128x128xf32, #tpu.memory_space<vmem>>, %arg13: memref<128x128xf32, #tpu.memory_space<vmem>>, %arg14: memref<128x128xf32, #tpu.memory_space<vmem>>, %arg15: memref<512xf32, #tpu.memory_space<vmem>>, %arg16: memref<!tpu.dma_semaphore, #tpu.memory_space<semaphore_mem>>, %arg17: memref<!tpu.dma_semaphore, #tpu.memory_space<semaphore_mem>>) attributes {dimension_semantics = [#tpu.dimension_semantics<core_parallel>, #tpu.dimension_semantics<subcore_parallel>], iteration_bounds = array<i64: 2, 16>, scalar_prefetch = 0 : i64, scratch_operands = 11 : i64, tpu.core_type = #tpu.core_type<sc_vector_subcore>, window_params = [{transform_indices = #map}, {transform_indices = #map}, {transform_indices = #map1}, {transform_indices = #map1}, {transform_indices = #map}]} {
    %mul3A = arith.constant 2 : i32
    %mul3A_0 = arith.muli %arg1, %mul3A : i32
    %add3A = arith.addi %mul3A_0, %arg0 : i32
    %mul3A_1 = arith.constant 512 : i32
    %mul3A_2 = arith.muli %add3A, %mul3A_1 : i32
    "tpu.region"() ({
      %run_scoped3A = tpu.sem_alloc : memref<!tpu.dma_semaphore, #tpu.memory_space<semaphore_mem>>
      %dma_start3A_110 = tpu.memref_slice %arg2[%mul3A_2] : memref<16384xi32, #tpu.memory_space<hbm>> -> memref<512xi32, #tpu.memory_space<hbm>>
      %dma_start3A_111 = tpu.memref_slice %arg2[%mul3A_2] : memref<16384xi32, #tpu.memory_space<hbm>> -> memref<512xi32, #tpu.memory_space<hbm>>
      tpu.enqueue_dma source(%dma_start3A_111 : memref<512xi32, #tpu.memory_space<hbm>>) target(%arg7 : memref<512xi32, #tpu.memory_space<vmem>>) target_semaphore(%run_scoped3A : memref<!tpu.dma_semaphore, #tpu.memory_space<semaphore_mem>>)
      %dma_wait3A_112 = tpu.memref_slice %arg2[%mul3A_2] : memref<16384xi32, #tpu.memory_space<hbm>> -> memref<512xi32, #tpu.memory_space<hbm>>
      %dma_wait3A_113 = tpu.memref_slice %arg2[%mul3A_2] : memref<16384xi32, #tpu.memory_space<hbm>> -> memref<512xi32, #tpu.memory_space<hbm>>
      tpu.wait_dma2 semaphore(%run_scoped3A : memref<!tpu.dma_semaphore, #tpu.memory_space<semaphore_mem>>) src(%dma_wait3A_113 : memref<512xi32, #tpu.memory_space<hbm>>) dst(%arg7 : memref<512xi32, #tpu.memory_space<vmem>>)
      tpu.yield
    }) : () -> ()
    "tpu.region"() ({
      %run_scoped3A = tpu.sem_alloc : memref<!tpu.dma_semaphore, #tpu.memory_space<semaphore_mem>>
      %dma_start3A_110 = tpu.memref_slice %arg3[%mul3A_2] : memref<16384xi32, #tpu.memory_space<hbm>> -> memref<512xi32, #tpu.memory_space<hbm>>
      %dma_start3A_111 = tpu.memref_slice %arg3[%mul3A_2] : memref<16384xi32, #tpu.memory_space<hbm>> -> memref<512xi32, #tpu.memory_space<hbm>>
      tpu.enqueue_dma source(%dma_start3A_111 : memref<512xi32, #tpu.memory_space<hbm>>) target(%arg8 : memref<512xi32, #tpu.memory_space<vmem>>) target_semaphore(%run_scoped3A : memref<!tpu.dma_semaphore, #tpu.memory_space<semaphore_mem>>)
      %dma_wait3A_112 = tpu.memref_slice %arg3[%mul3A_2] : memref<16384xi32, #tpu.memory_space<hbm>> -> memref<512xi32, #tpu.memory_space<hbm>>
      %dma_wait3A_113 = tpu.memref_slice %arg3[%mul3A_2] : memref<16384xi32, #tpu.memory_space<hbm>> -> memref<512xi32, #tpu.memory_space<hbm>>
      tpu.wait_dma2 semaphore(%run_scoped3A : memref<!tpu.dma_semaphore, #tpu.memory_space<semaphore_mem>>) src(%dma_wait3A_113 : memref<512xi32, #tpu.memory_space<hbm>>) dst(%arg8 : memref<512xi32, #tpu.memory_space<vmem>>)
      tpu.yield
    }) : () -> ()
    %scan3A = arith.constant 0 : i32
    %scan3A_3 = arith.constant 0 : i32
    %scan3A_4 = arith.constant 32 : i32
    %scan3A_5 = arith.addi %scan3A_3, %scan3A_4 : i32
    %scan3A_6 = arith.constant 1 : i32
    scf.for %scan3A_110 = %scan3A_3 to %scan3A_5 step %scan3A_6  : i32 {
      %mul3A_111 = arith.constant 16 : i32
      %mul3A_112 = arith.muli %scan3A_110, %mul3A_111 : i32
      %get3A = arith.index_cast %mul3A_112 : i32 to index
      %get3A_113 = tpu.vector_load %arg7[%get3A] {strides = array<i32>} : memref<512xi32, #tpu.memory_space<vmem>>, vector<16xi32>,
      %shift_right_logical3A = arith.constant 2 : i32
      %shift_right_logical3A_114 = vector.broadcast %shift_right_logical3A : i32 to vector<16xi32>
      %shift_right_logical3A_115 = arith.shrui %get3A_113, %shift_right_logical3A_114 : vector<16xi32>
      %swap3A = arith.index_cast %mul3A_112 : i32 to index
      %swap3A_116 = tpu.vector_load %arg9[%swap3A] {strides = array<i32>} : memref<512xi32, #tpu.memory_space<vmem>>, vector<16xi32>,
      tpu.vector_store %arg9[%swap3A], %shift_right_logical3A_115 {strides = array<i32>} : memref<512xi32, #tpu.memory_space<vmem>>, vector<16xi32>,
      %get3A_117 = arith.index_cast %mul3A_112 : i32 to index
      %get3A_118 = tpu.vector_load %arg8[%get3A_117] {strides = array<i32>} : memref<512xi32, #tpu.memory_space<vmem>>, vector<16xi32>,
      %shift_right_logical3A_119 = arith.constant 2 : i32
      %shift_right_logical3A_120 = vector.broadcast %shift_right_logical3A_119 : i32 to vector<16xi32>
      %shift_right_logical3A_121 = arith.shrui %get3A_118, %shift_right_logical3A_120 : vector<16xi32>
      %swap3A_122 = arith.index_cast %mul3A_112 : i32 to index
      %swap3A_123 = tpu.vector_load %arg10[%swap3A_122] {strides = array<i32>} : memref<512xi32, #tpu.memory_space<vmem>>, vector<16xi32>,
      tpu.vector_store %arg10[%swap3A_122], %shift_right_logical3A_121 {strides = array<i32>} : memref<512xi32, #tpu.memory_space<vmem>>, vector<16xi32>,
    }
    %scan3A_7 = arith.constant 32 : i32
    %dma_start3A = arith.constant 0 : i32
    %dma_start3A_8 = tpu.memref_slice %arg9[%dma_start3A] : memref<512xi32, #tpu.memory_space<vmem>> -> memref<128xi32, #tpu.memory_space<vmem>>
    %dma_start3A_9 = arith.constant 0 : i32
    %dma_start3A_10 = arith.constant 0 : i32
    %dma_start3A_11 = tpu.memref_slice %arg4[%dma_start3A_9, %dma_start3A_10] : memref<250000x128xf32, #tpu.memory_space<hbm>> -> memref<250000x128xf32, #tpu.memory_space<hbm>>
    tpu.enqueue_indirect_dma source(%dma_start3A_11 : memref<250000x128xf32, #tpu.memory_space<hbm>>) target(%arg11 : memref<128x128xf32, #tpu.memory_space<vmem>>) offsets(%dma_start3A_8 : memref<128xi32, #tpu.memory_space<vmem>>) semaphore(%arg16 : memref<!tpu.dma_semaphore, #tpu.memory_space<semaphore_mem>>)
    %dma_start3A_12 = arith.constant 0 : i32
    %dma_start3A_13 = tpu.memref_slice %arg10[%dma_start3A_12] : memref<512xi32, #tpu.memory_space<vmem>> -> memref<128xi32, #tpu.memory_space<vmem>>
    %dma_start3A_14 = arith.constant 0 : i32
    %dma_start3A_15 = arith.constant 0 : i32
    %dma_start3A_16 = tpu.memref_slice %arg5[%dma_start3A_14, %dma_start3A_15] : memref<250000x128xf32, #tpu.memory_space<hbm>> -> memref<250000x128xf32, #tpu.memory_space<hbm>>
    tpu.enqueue_indirect_dma source(%dma_start3A_16 : memref<250000x128xf32, #tpu.memory_space<hbm>>) target(%arg13 : memref<128x128xf32, #tpu.memory_space<vmem>>) offsets(%dma_start3A_13 : memref<128xi32, #tpu.memory_space<vmem>>) semaphore(%arg17 : memref<!tpu.dma_semaphore, #tpu.memory_space<semaphore_mem>>)
    %dma_start3A_17 = arith.constant 128 : i32
    %dma_start3A_18 = tpu.memref_slice %arg9[%dma_start3A_17] : memref<512xi32, #tpu.memory_space<vmem>> -> memref<128xi32, #tpu.memory_space<vmem>>
    %dma_start3A_19 = arith.constant 0 : i32
    %dma_start3A_20 = arith.constant 0 : i32
    %dma_start3A_21 = tpu.memref_slice %arg4[%dma_start3A_19, %dma_start3A_20] : memref<250000x128xf32, #tpu.memory_space<hbm>> -> memref<250000x128xf32, #tpu.memory_space<hbm>>
    tpu.enqueue_indirect_dma source(%dma_start3A_21 : memref<250000x128xf32, #tpu.memory_space<hbm>>) target(%arg12 : memref<128x128xf32, #tpu.memory_space<vmem>>) offsets(%dma_start3A_18 : memref<128xi32, #tpu.memory_space<vmem>>) semaphore(%arg16 : memref<!tpu.dma_semaphore, #tpu.memory_space<semaphore_mem>>)
    %dma_start3A_22 = arith.constant 128 : i32
    %dma_start3A_23 = tpu.memref_slice %arg10[%dma_start3A_22] : memref<512xi32, #tpu.memory_space<vmem>> -> memref<128xi32, #tpu.memory_space<vmem>>
    %dma_start3A_24 = arith.constant 0 : i32
    %dma_start3A_25 = arith.constant 0 : i32
    %dma_start3A_26 = tpu.memref_slice %arg5[%dma_start3A_24, %dma_start3A_25] : memref<250000x128xf32, #tpu.memory_space<hbm>> -> memref<250000x128xf32, #tpu.memory_space<hbm>>
    tpu.enqueue_indirect_dma source(%dma_start3A_26 : memref<250000x128xf32, #tpu.memory_space<hbm>>) target(%arg14 : memref<128x128xf32, #tpu.memory_space<vmem>>) offsets(%dma_start3A_23 : memref<128xi32, #tpu.memory_space<vmem>>) semaphore(%arg17 : memref<!tpu.dma_semaphore, #tpu.memory_space<semaphore_mem>>)
    %dma_wait3A = arith.constant 0 : i32
    %dma_wait3A_27 = tpu.memref_slice %arg9[%dma_wait3A] : memref<512xi32, #tpu.memory_space<vmem>> -> memref<128xi32, #tpu.memory_space<vmem>>
    %dma_wait3A_28 = arith.constant 0 : i32
    %dma_wait3A_29 = arith.constant 0 : i32
    %dma_wait3A_30 = tpu.memref_slice %arg4[%dma_wait3A_28, %dma_wait3A_29] : memref<250000x128xf32, #tpu.memory_space<hbm>> -> memref<250000x128xf32, #tpu.memory_space<hbm>>
    tpu.wait_indirect_dma semaphore(%arg16 : memref<!tpu.dma_semaphore, #tpu.memory_space<semaphore_mem>>) src(%dma_wait3A_30 : memref<250000x128xf32, #tpu.memory_space<hbm>>) dst(%arg11 : memref<128x128xf32, #tpu.memory_space<vmem>>)
    %dma_wait3A_31 = arith.constant 0 : i32
    %dma_wait3A_32 = tpu.memref_slice %arg10[%dma_wait3A_31] : memref<512xi32, #tpu.memory_space<vmem>> -> memref<128xi32, #tpu.memory_space<vmem>>
    %dma_wait3A_33 = arith.constant 0 : i32
    %dma_wait3A_34 = arith.constant 0 : i32
    %dma_wait3A_35 = tpu.memref_slice %arg5[%dma_wait3A_33, %dma_wait3A_34] : memref<250000x128xf32, #tpu.memory_space<hbm>> -> memref<250000x128xf32, #tpu.memory_space<hbm>>
    tpu.wait_indirect_dma semaphore(%arg17 : memref<!tpu.dma_semaphore, #tpu.memory_space<semaphore_mem>>) src(%dma_wait3A_35 : memref<250000x128xf32, #tpu.memory_space<hbm>>) dst(%arg13 : memref<128x128xf32, #tpu.memory_space<vmem>>)
    %scan3A_36 = arith.constant 0 : i32
    %scan3A_37 = arith.constant 0 : i32
    %scan3A_38 = arith.constant 8 : i32
    %scan3A_39 = arith.addi %scan3A_37, %scan3A_38 : i32
    %scan3A_40 = arith.constant 1 : i32
    scf.for %scan3A_110 = %scan3A_37 to %scan3A_39 step %scan3A_40  : i32 {
      %mul3A_111 = arith.constant 16 : i32
      %mul3A_112 = arith.muli %scan3A_110, %mul3A_111 : i32
      %iota3A = tpu.iota {dimensions = array<i32: 0>} : vector<16xi32>
      %add3A_113 = vector.broadcast %mul3A_112 : i32 to vector<16xi32>
      %add3A_114 = arith.addi %add3A_113, %iota3A : vector<16xi32>
      %mul3A_115 = arith.constant 16 : i32
      %mul3A_116 = arith.muli %scan3A_110, %mul3A_115 : i32
      %add3A_117 = arith.constant 0 : i32
      %add3A_118 = arith.addi %add3A_117, %mul3A_116 : i32
      %get3A = arith.index_cast %add3A_118 : i32 to index
      %get3A_119 = tpu.vector_load %arg7[%get3A] {strides = array<i32>} : memref<512xi32, #tpu.memory_space<vmem>>, vector<16xi32>,
      %and3A = arith.constant 3 : i32
      %and3A_120 = vector.broadcast %and3A : i32 to vector<16xi32>
      %and3A_121 = arith.andi %get3A_119, %and3A_120 : vector<16xi32>
      %shift_left3A = arith.constant 5 : i32
      %shift_left3A_122 = vector.broadcast %shift_left3A : i32 to vector<16xi32>
      %shift_left3A_123 = arith.shli %and3A_121, %shift_left3A_122 : vector<16xi32>
      %get3A_124 = arith.index_cast %add3A_118 : i32 to index
      %get3A_125 = tpu.vector_load %arg8[%get3A_124] {strides = array<i32>} : memref<512xi32, #tpu.memory_space<vmem>>, vector<16xi32>,
      %and3A_126 = arith.constant 3 : i32
      %and3A_127 = vector.broadcast %and3A_126 : i32 to vector<16xi32>
      %and3A_128 = arith.andi %get3A_125, %and3A_127 : vector<16xi32>
      %shift_left3A_129 = arith.constant 5 : i32
      %shift_left3A_130 = vector.broadcast %shift_left3A_129 : i32 to vector<16xi32>
      %shift_left3A_131 = arith.shli %and3A_128, %shift_left3A_130 : vector<16xi32>
      %broadcast_in_dim3A = arith.constant 0.000000e+00 : f32
      %broadcast_in_dim3A_132 = vector.broadcast %broadcast_in_dim3A : f32 to vector<16xf32>
      %add3A_133 = arith.constant 0 : i32
      %add3A_134 = vector.broadcast %add3A_133 : i32 to vector<16xi32>
      %add3A_135 = arith.addi %shift_left3A_123, %add3A_134 : vector<16xi32>
      %gather3A = tpu.vector_load_idx %arg11[%add3A_114, %add3A_135] : memref<128x128xf32, #tpu.memory_space<vmem>>[vector<16xi32>, vector<16xi32>], vector<16xf32>,
      %add3A_136 = arith.constant 0 : i32
      %add3A_137 = vector.broadcast %add3A_136 : i32 to vector<16xi32>
      %add3A_138 = arith.addi %shift_left3A_131, %add3A_137 : vector<16xi32>
      %gather3A_139 = tpu.vector_load_idx %arg13[%add3A_114, %add3A_138] : memref<128x128xf32, #tpu.memory_space<vmem>>[vector<16xi32>, vector<16xi32>], vector<16xf32>,
      %mul3A_140 = arith.mulf %gather3A, %gather3A_139 : vector<16xf32>
      %add3A_141 = arith.addf %broadcast_in_dim3A_132, %mul3A_140 : vector<16xf32>
      %add3A_142 = arith.constant 1 : i32
      %add3A_143 = vector.broadcast %add3A_142 : i32 to vector<16xi32>
      %add3A_144 = arith.addi %shift_left3A_123, %add3A_143 : vector<16xi32>
      %gather3A_145 = tpu.vector_load_idx %arg11[%add3A_114, %add3A_144] : memref<128x128xf32, #tpu.memory_space<vmem>>[vector<16xi32>, vector<16xi32>], vector<16xf32>,
      %add3A_146 = arith.constant 1 : i32
      %add3A_147 = vector.broadcast %add3A_146 : i32 to vector<16xi32>
      %add3A_148 = arith.addi %shift_left3A_131, %add3A_147 : vector<16xi32>
      %gather3A_149 = tpu.vector_load_idx %arg13[%add3A_114, %add3A_148] : memref<128x128xf32, #tpu.memory_space<vmem>>[vector<16xi32>, vector<16xi32>], vector<16xf32>,
      %mul3A_150 = arith.mulf %gather3A_145, %gather3A_149 : vector<16xf32>
      %add3A_151 = arith.addf %add3A_141, %mul3A_150 : vector<16xf32>
      %add3A_152 = arith.constant 2 : i32
      %add3A_153 = vector.broadcast %add3A_152 : i32 to vector<16xi32>
      %add3A_154 = arith.addi %shift_left3A_123, %add3A_153 : vector<16xi32>
      %gather3A_155 = tpu.vector_load_idx %arg11[%add3A_114, %add3A_154] : memref<128x128xf32, #tpu.memory_space<vmem>>[vector<16xi32>, vector<16xi32>], vector<16xf32>,
      %add3A_156 = arith.constant 2 : i32
      %add3A_157 = vector.broadcast %add3A_156 : i32 to vector<16xi32>
      %add3A_158 = arith.addi %shift_left3A_131, %add3A_157 : vector<16xi32>
      %gather3A_159 = tpu.vector_load_idx %arg13[%add3A_114, %add3A_158] : memref<128x128xf32, #tpu.memory_space<vmem>>[vector<16xi32>, vector<16xi32>], vector<16xf32>,
      %mul3A_160 = arith.mulf %gather3A_155, %gather3A_159 : vector<16xf32>
      %add3A_161 = arith.addf %add3A_151, %mul3A_160 : vector<16xf32>
      %add3A_162 = arith.constant 3 : i32
      %add3A_163 = vector.broadcast %add3A_162 : i32 to vector<16xi32>
      %add3A_164 = arith.addi %shift_left3A_123, %add3A_163 : vector<16xi32>
      %gather3A_165 = tpu.vector_load_idx %arg11[%add3A_114, %add3A_164] : memref<128x128xf32, #tpu.memory_space<vmem>>[vector<16xi32>, vector<16xi32>], vector<16xf32>,
      %add3A_166 = arith.constant 3 : i32
      %add3A_167 = vector.broadcast %add3A_166 : i32 to vector<16xi32>
      %add3A_168 = arith.addi %shift_left3A_131, %add3A_167 : vector<16xi32>
      %gather3A_169 = tpu.vector_load_idx %arg13[%add3A_114, %add3A_168] : memref<128x128xf32, #tpu.memory_space<vmem>>[vector<16xi32>, vector<16xi32>], vector<16xf32>,
      %mul3A_170 = arith.mulf %gather3A_165, %gather3A_169 : vector<16xf32>
      %add3A_171 = arith.addf %add3A_161, %mul3A_170 : vector<16xf32>
      %add3A_172 = arith.constant 4 : i32
      %add3A_173 = vector.broadcast %add3A_172 : i32 to vector<16xi32>
      %add3A_174 = arith.addi %shift_left3A_123, %add3A_173 : vector<16xi32>
      %gather3A_175 = tpu.vector_load_idx %arg11[%add3A_114, %add3A_174] : memref<128x128xf32, #tpu.memory_space<vmem>>[vector<16xi32>, vector<16xi32>], vector<16xf32>,
      %add3A_176 = arith.constant 4 : i32
      %add3A_177 = vector.broadcast %add3A_176 : i32 to vector<16xi32>
      %add3A_178 = arith.addi %shift_left3A_131, %add3A_177 : vector<16xi32>
      %gather3A_179 = tpu.vector_load_idx %arg13[%add3A_114, %add3A_178] : memref<128x128xf32, #tpu.memory_space<vmem>>[vector<16xi32>, vector<16xi32>], vector<16xf32>,
      %mul3A_180 = arith.mulf %gather3A_175, %gather3A_179 : vector<16xf32>
      %add3A_181 = arith.addf %add3A_171, %mul3A_180 : vector<16xf32>
      %add3A_182 = arith.constant 5 : i32
      %add3A_183 = vector.broadcast %add3A_182 : i32 to vector<16xi32>
      %add3A_184 = arith.addi %shift_left3A_123, %add3A_183 : vector<16xi32>
      %gather3A_185 = tpu.vector_load_idx %arg11[%add3A_114, %add3A_184] : memref<128x128xf32, #tpu.memory_space<vmem>>[vector<16xi32>, vector<16xi32>], vector<16xf32>,
      %add3A_186 = arith.constant 5 : i32
      %add3A_187 = vector.broadcast %add3A_186 : i32 to vector<16xi32>
      %add3A_188 = arith.addi %shift_left3A_131, %add3A_187 : vector<16xi32>
      %gather3A_189 = tpu.vector_load_idx %arg13[%add3A_114, %add3A_188] : memref<128x128xf32, #tpu.memory_space<vmem>>[vector<16xi32>, vector<16xi32>], vector<16xf32>,
      %mul3A_190 = arith.mulf %gather3A_185, %gather3A_189 : vector<16xf32>
      %add3A_191 = arith.addf %add3A_181, %mul3A_190 : vector<16xf32>
      %add3A_192 = arith.constant 6 : i32
      %add3A_193 = vector.broadcast %add3A_192 : i32 to vector<16xi32>
      %add3A_194 = arith.addi %shift_left3A_123, %add3A_193 : vector<16xi32>
      %gather3A_195 = tpu.vector_load_idx %arg11[%add3A_114, %add3A_194] : memref<128x128xf32, #tpu.memory_space<vmem>>[vector<16xi32>, vector<16xi32>], vector<16xf32>,
      %add3A_196 = arith.constant 6 : i32
      %add3A_197 = vector.broadcast %add3A_196 : i32 to vector<16xi32>
      %add3A_198 = arith.addi %shift_left3A_131, %add3A_197 : vector<16xi32>
      %gather3A_199 = tpu.vector_load_idx %arg13[%add3A_114, %add3A_198] : memref<128x128xf32, #tpu.memory_space<vmem>>[vector<16xi32>, vector<16xi32>], vector<16xf32>,
      %mul3A_200 = arith.mulf %gather3A_195, %gather3A_199 : vector<16xf32>
      %add3A_201 = arith.addf %add3A_191, %mul3A_200 : vector<16xf32>
      %add3A_202 = arith.constant 7 : i32
      %add3A_203 = vector.broadcast %add3A_202 : i32 to vector<16xi32>
      %add3A_204 = arith.addi %shift_left3A_123, %add3A_203 : vector<16xi32>
      %gather3A_205 = tpu.vector_load_idx %arg11[%add3A_114, %add3A_204] : memref<128x128xf32, #tpu.memory_space<vmem>>[vector<16xi32>, vector<16xi32>], vector<16xf32>,
      %add3A_206 = arith.constant 7 : i32
      %add3A_207 = vector.broadcast %add3A_206 : i32 to vector<16xi32>
      %add3A_208 = arith.addi %shift_left3A_131, %add3A_207 : vector<16xi32>
      %gather3A_209 = tpu.vector_load_idx %arg13[%add3A_114, %add3A_208] : memref<128x128xf32, #tpu.memory_space<vmem>>[vector<16xi32>, vector<16xi32>], vector<16xf32>,
      %mul3A_210 = arith.mulf %gather3A_205, %gather3A_209 : vector<16xf32>
      %add3A_211 = arith.addf %add3A_201, %mul3A_210 : vector<16xf32>
      %add3A_212 = arith.constant 8 : i32
      %add3A_213 = vector.broadcast %add3A_212 : i32 to vector<16xi32>
      %add3A_214 = arith.addi %shift_left3A_123, %add3A_213 : vector<16xi32>
      %gather3A_215 = tpu.vector_load_idx %arg11[%add3A_114, %add3A_214] : memref<128x128xf32, #tpu.memory_space<vmem>>[vector<16xi32>, vector<16xi32>], vector<16xf32>,
      %add3A_216 = arith.constant 8 : i32
      %add3A_217 = vector.broadcast %add3A_216 : i32 to vector<16xi32>
      %add3A_218 = arith.addi %shift_left3A_131, %add3A_217 : vector<16xi32>
      %gather3A_219 = tpu.vector_load_idx %arg13[%add3A_114, %add3A_218] : memref<128x128xf32, #tpu.memory_space<vmem>>[vector<16xi32>, vector<16xi32>], vector<16xf32>,
      %mul3A_220 = arith.mulf %gather3A_215, %gather3A_219 : vector<16xf32>
      %add3A_221 = arith.addf %add3A_211, %mul3A_220 : vector<16xf32>
      %add3A_222 = arith.constant 9 : i32
      %add3A_223 = vector.broadcast %add3A_222 : i32 to vector<16xi32>
      %add3A_224 = arith.addi %shift_left3A_123, %add3A_223 : vector<16xi32>
      %gather3A_225 = tpu.vector_load_idx %arg11[%add3A_114, %add3A_224] : memref<128x128xf32, #tpu.memory_space<vmem>>[vector<16xi32>, vector<16xi32>], vector<16xf32>,
      %add3A_226 = arith.constant 9 : i32
      %add3A_227 = vector.broadcast %add3A_226 : i32 to vector<16xi32>
      %add3A_228 = arith.addi %shift_left3A_131, %add3A_227 : vector<16xi32>
      %gather3A_229 = tpu.vector_load_idx %arg13[%add3A_114, %add3A_228] : memref<128x128xf32, #tpu.memory_space<vmem>>[vector<16xi32>, vector<16xi32>], vector<16xf32>,
      %mul3A_230 = arith.mulf %gather3A_225, %gather3A_229 : vector<16xf32>
      %add3A_231 = arith.addf %add3A_221, %mul3A_230 : vector<16xf32>
      %add3A_232 = arith.constant 10 : i32
      %add3A_233 = vector.broadcast %add3A_232 : i32 to vector<16xi32>
      %add3A_234 = arith.addi %shift_left3A_123, %add3A_233 : vector<16xi32>
      %gather3A_235 = tpu.vector_load_idx %arg11[%add3A_114, %add3A_234] : memref<128x128xf32, #tpu.memory_space<vmem>>[vector<16xi32>, vector<16xi32>], vector<16xf32>,
      %add3A_236 = arith.constant 10 : i32
      %add3A_237 = vector.broadcast %add3A_236 : i32 to vector<16xi32>
      %add3A_238 = arith.addi %shift_left3A_131, %add3A_237 : vector<16xi32>
      %gather3A_239 = tpu.vector_load_idx %arg13[%add3A_114, %add3A_238] : memref<128x128xf32, #tpu.memory_space<vmem>>[vector<16xi32>, vector<16xi32>], vector<16xf32>,
      %mul3A_240 = arith.mulf %gather3A_235, %gather3A_239 : vector<16xf32>
      %add3A_241 = arith.addf %add3A_231, %mul3A_240 : vector<16xf32>
      %add3A_242 = arith.constant 11 : i32
      %add3A_243 = vector.broadcast %add3A_242 : i32 to vector<16xi32>
      %add3A_244 = arith.addi %shift_left3A_123, %add3A_243 : vector<16xi32>
      %gather3A_245 = tpu.vector_load_idx %arg11[%add3A_114, %add3A_244] : memref<128x128xf32, #tpu.memory_space<vmem>>[vector<16xi32>, vector<16xi32>], vector<16xf32>,
      %add3A_246 = arith.constant 11 : i32
      %add3A_247 = vector.broadcast %add3A_246 : i32 to vector<16xi32>
      %add3A_248 = arith.addi %shift_left3A_131, %add3A_247 : vector<16xi32>
      %gather3A_249 = tpu.vector_load_idx %arg13[%add3A_114, %add3A_248] : memref<128x128xf32, #tpu.memory_space<vmem>>[vector<16xi32>, vector<16xi32>], vector<16xf32>,
      %mul3A_250 = arith.mulf %gather3A_245, %gather3A_249 : vector<16xf32>
      %add3A_251 = arith.addf %add3A_241, %mul3A_250 : vector<16xf32>
      %add3A_252 = arith.constant 12 : i32
      %add3A_253 = vector.broadcast %add3A_252 : i32 to vector<16xi32>
      %add3A_254 = arith.addi %shift_left3A_123, %add3A_253 : vector<16xi32>
      %gather3A_255 = tpu.vector_load_idx %arg11[%add3A_114, %add3A_254] : memref<128x128xf32, #tpu.memory_space<vmem>>[vector<16xi32>, vector<16xi32>], vector<16xf32>,
      %add3A_256 = arith.constant 12 : i32
      %add3A_257 = vector.broadcast %add3A_256 : i32 to vector<16xi32>
      %add3A_258 = arith.addi %shift_left3A_131, %add3A_257 : vector<16xi32>
      %gather3A_259 = tpu.vector_load_idx %arg13[%add3A_114, %add3A_258] : memref<128x128xf32, #tpu.memory_space<vmem>>[vector<16xi32>, vector<16xi32>], vector<16xf32>,
      %mul3A_260 = arith.mulf %gather3A_255, %gather3A_259 : vector<16xf32>
      %add3A_261 = arith.addf %add3A_251, %mul3A_260 : vector<16xf32>
      %add3A_262 = arith.constant 13 : i32
      %add3A_263 = vector.broadcast %add3A_262 : i32 to vector<16xi32>
      %add3A_264 = arith.addi %shift_left3A_123, %add3A_263 : vector<16xi32>
      %gather3A_265 = tpu.vector_load_idx %arg11[%add3A_114, %add3A_264] : memref<128x128xf32, #tpu.memory_space<vmem>>[vector<16xi32>, vector<16xi32>], vector<16xf32>,
      %add3A_266 = arith.constant 13 : i32
      %add3A_267 = vector.broadcast %add3A_266 : i32 to vector<16xi32>
      %add3A_268 = arith.addi %shift_left3A_131, %add3A_267 : vector<16xi32>
      %gather3A_269 = tpu.vector_load_idx %arg13[%add3A_114, %add3A_268] : memref<128x128xf32, #tpu.memory_space<vmem>>[vector<16xi32>, vector<16xi32>], vector<16xf32>,
      %mul3A_270 = arith.mulf %gather3A_265, %gather3A_269 : vector<16xf32>
      %add3A_271 = arith.addf %add3A_261, %mul3A_270 : vector<16xf32>
      %add3A_272 = arith.constant 14 : i32
      %add3A_273 = vector.broadcast %add3A_272 : i32 to vector<16xi32>
      %add3A_274 = arith.addi %shift_left3A_123, %add3A_273 : vector<16xi32>
      %gather3A_275 = tpu.vector_load_idx %arg11[%add3A_114, %add3A_274] : memref<128x128xf32, #tpu.memory_space<vmem>>[vector<16xi32>, vector<16xi32>], vector<16xf32>,
      %add3A_276 = arith.constant 14 : i32
      %add3A_277 = vector.broadcast %add3A_276 : i32 to vector<16xi32>
      %add3A_278 = arith.addi %shift_left3A_131, %add3A_277 : vector<16xi32>
      %gather3A_279 = tpu.vector_load_idx %arg13[%add3A_114, %add3A_278] : memref<128x128xf32, #tpu.memory_space<vmem>>[vector<16xi32>, vector<16xi32>], vector<16xf32>,
      %mul3A_280 = arith.mulf %gather3A_275, %gather3A_279 : vector<16xf32>
      %add3A_281 = arith.addf %add3A_271, %mul3A_280 : vector<16xf32>
      %add3A_282 = arith.constant 15 : i32
      %add3A_283 = vector.broadcast %add3A_282 : i32 to vector<16xi32>
      %add3A_284 = arith.addi %shift_left3A_123, %add3A_283 : vector<16xi32>
      %gather3A_285 = tpu.vector_load_idx %arg11[%add3A_114, %add3A_284] : memref<128x128xf32, #tpu.memory_space<vmem>>[vector<16xi32>, vector<16xi32>], vector<16xf32>,
      %add3A_286 = arith.constant 15 : i32
      %add3A_287 = vector.broadcast %add3A_286 : i32 to vector<16xi32>
      %add3A_288 = arith.addi %shift_left3A_131, %add3A_287 : vector<16xi32>
      %gather3A_289 = tpu.vector_load_idx %arg13[%add3A_114, %add3A_288] : memref<128x128xf32, #tpu.memory_space<vmem>>[vector<16xi32>, vector<16xi32>], vector<16xf32>,
      %mul3A_290 = arith.mulf %gather3A_285, %gather3A_289 : vector<16xf32>
      %add3A_291 = arith.addf %add3A_281, %mul3A_290 : vector<16xf32>
      %add3A_292 = arith.constant 16 : i32
      %add3A_293 = vector.broadcast %add3A_292 : i32 to vector<16xi32>
      %add3A_294 = arith.addi %shift_left3A_123, %add3A_293 : vector<16xi32>
      %gather3A_295 = tpu.vector_load_idx %arg11[%add3A_114, %add3A_294] : memref<128x128xf32, #tpu.memory_space<vmem>>[vector<16xi32>, vector<16xi32>], vector<16xf32>,
      %add3A_296 = arith.constant 16 : i32
      %add3A_297 = vector.broadcast %add3A_296 : i32 to vector<16xi32>
      %add3A_298 = arith.addi %shift_left3A_131, %add3A_297 : vector<16xi32>
      %gather3A_299 = tpu.vector_load_idx %arg13[%add3A_114, %add3A_298] : memref<128x128xf32, #tpu.memory_space<vmem>>[vector<16xi32>, vector<16xi32>], vector<16xf32>,
      %mul3A_300 = arith.mulf %gather3A_295, %gather3A_299 : vector<16xf32>
      %add3A_301 = arith.addf %add3A_291, %mul3A_300 : vector<16xf32>
      %add3A_302 = arith.constant 17 : i32
      %add3A_303 = vector.broadcast %add3A_302 : i32 to vector<16xi32>
      %add3A_304 = arith.addi %shift_left3A_123, %add3A_303 : vector<16xi32>
      %gather3A_305 = tpu.vector_load_idx %arg11[%add3A_114, %add3A_304] : memref<128x128xf32, #tpu.memory_space<vmem>>[vector<16xi32>, vector<16xi32>], vector<16xf32>,
      %add3A_306 = arith.constant 17 : i32
      %add3A_307 = vector.broadcast %add3A_306 : i32 to vector<16xi32>
      %add3A_308 = arith.addi %shift_left3A_131, %add3A_307 : vector<16xi32>
      %gather3A_309 = tpu.vector_load_idx %arg13[%add3A_114, %add3A_308] : memref<128x128xf32, #tpu.memory_space<vmem>>[vector<16xi32>, vector<16xi32>], vector<16xf32>,
      %mul3A_310 = arith.mulf %gather3A_305, %gather3A_309 : vector<16xf32>
      %add3A_311 = arith.addf %add3A_301, %mul3A_310 : vector<16xf32>
      %add3A_312 = arith.constant 18 : i32
      %add3A_313 = vector.broadcast %add3A_312 : i32 to vector<16xi32>
      %add3A_314 = arith.addi %shift_left3A_123, %add3A_313 : vector<16xi32>
      %gather3A_315 = tpu.vector_load_idx %arg11[%add3A_114, %add3A_314] : memref<128x128xf32, #tpu.memory_space<vmem>>[vector<16xi32>, vector<16xi32>], vector<16xf32>,
      %add3A_316 = arith.constant 18 : i32
      %add3A_317 = vector.broadcast %add3A_316 : i32 to vector<16xi32>
      %add3A_318 = arith.addi %shift_left3A_131, %add3A_317 : vector<16xi32>
      %gather3A_319 = tpu.vector_load_idx %arg13[%add3A_114, %add3A_318] : memref<128x128xf32, #tpu.memory_space<vmem>>[vector<16xi32>, vector<16xi32>], vector<16xf32>,
      %mul3A_320 = arith.mulf %gather3A_315, %gather3A_319 : vector<16xf32>
      %add3A_321 = arith.addf %add3A_311, %mul3A_320 : vector<16xf32>
      %add3A_322 = arith.constant 19 : i32
      %add3A_323 = vector.broadcast %add3A_322 : i32 to vector<16xi32>
      %add3A_324 = arith.addi %shift_left3A_123, %add3A_323 : vector<16xi32>
      %gather3A_325 = tpu.vector_load_idx %arg11[%add3A_114, %add3A_324] : memref<128x128xf32, #tpu.memory_space<vmem>>[vector<16xi32>, vector<16xi32>], vector<16xf32>,
      %add3A_326 = arith.constant 19 : i32
      %add3A_327 = vector.broadcast %add3A_326 : i32 to vector<16xi32>
      %add3A_328 = arith.addi %shift_left3A_131, %add3A_327 : vector<16xi32>
      %gather3A_329 = tpu.vector_load_idx %arg13[%add3A_114, %add3A_328] : memref<128x128xf32, #tpu.memory_space<vmem>>[vector<16xi32>, vector<16xi32>], vector<16xf32>,
      %mul3A_330 = arith.mulf %gather3A_325, %gather3A_329 : vector<16xf32>
      %add3A_331 = arith.addf %add3A_321, %mul3A_330 : vector<16xf32>
      %add3A_332 = arith.constant 20 : i32
      %add3A_333 = vector.broadcast %add3A_332 : i32 to vector<16xi32>
      %add3A_334 = arith.addi %shift_left3A_123, %add3A_333 : vector<16xi32>
      %gather3A_335 = tpu.vector_load_idx %arg11[%add3A_114, %add3A_334] : memref<128x128xf32, #tpu.memory_space<vmem>>[vector<16xi32>, vector<16xi32>], vector<16xf32>,
      %add3A_336 = arith.constant 20 : i32
      %add3A_337 = vector.broadcast %add3A_336 : i32 to vector<16xi32>
      %add3A_338 = arith.addi %shift_left3A_131, %add3A_337 : vector<16xi32>
      %gather3A_339 = tpu.vector_load_idx %arg13[%add3A_114, %add3A_338] : memref<128x128xf32, #tpu.memory_space<vmem>>[vector<16xi32>, vector<16xi32>], vector<16xf32>,
      %mul3A_340 = arith.mulf %gather3A_335, %gather3A_339 : vector<16xf32>
      %add3A_341 = arith.addf %add3A_331, %mul3A_340 : vector<16xf32>
      %add3A_342 = arith.constant 21 : i32
      %add3A_343 = vector.broadcast %add3A_342 : i32 to vector<16xi32>
      %add3A_344 = arith.addi %shift_left3A_123, %add3A_343 : vector<16xi32>
      %gather3A_345 = tpu.vector_load_idx %arg11[%add3A_114, %add3A_344] : memref<128x128xf32, #tpu.memory_space<vmem>>[vector<16xi32>, vector<16xi32>], vector<16xf32>,
      %add3A_346 = arith.constant 21 : i32
      %add3A_347 = vector.broadcast %add3A_346 : i32 to vector<16xi32>
      %add3A_348 = arith.addi %shift_left3A_131, %add3A_347 : vector<16xi32>
      %gather3A_349 = tpu.vector_load_idx %arg13[%add3A_114, %add3A_348] : memref<128x128xf32, #tpu.memory_space<vmem>>[vector<16xi32>, vector<16xi32>], vector<16xf32>,
      %mul3A_350 = arith.mulf %gather3A_345, %gather3A_349 : vector<16xf32>
      %add3A_351 = arith.addf %add3A_341, %mul3A_350 : vector<16xf32>
      %add3A_352 = arith.constant 22 : i32
      %add3A_353 = vector.broadcast %add3A_352 : i32 to vector<16xi32>
      %add3A_354 = arith.addi %shift_left3A_123, %add3A_353 : vector<16xi32>
      %gather3A_355 = tpu.vector_load_idx %arg11[%add3A_114, %add3A_354] : memref<128x128xf32, #tpu.memory_space<vmem>>[vector<16xi32>, vector<16xi32>], vector<16xf32>,
      %add3A_356 = arith.constant 22 : i32
      %add3A_357 = vector.broadcast %add3A_356 : i32 to vector<16xi32>
      %add3A_358 = arith.addi %shift_left3A_131, %add3A_357 : vector<16xi32>
      %gather3A_359 = tpu.vector_load_idx %arg13[%add3A_114, %add3A_358] : memref<128x128xf32, #tpu.memory_space<vmem>>[vector<16xi32>, vector<16xi32>], vector<16xf32>,
      %mul3A_360 = arith.mulf %gather3A_355, %gather3A_359 : vector<16xf32>
      %add3A_361 = arith.addf %add3A_351, %mul3A_360 : vector<16xf32>
      %add3A_362 = arith.constant 23 : i32
      %add3A_363 = vector.broadcast %add3A_362 : i32 to vector<16xi32>
      %add3A_364 = arith.addi %shift_left3A_123, %add3A_363 : vector<16xi32>
      %gather3A_365 = tpu.vector_load_idx %arg11[%add3A_114, %add3A_364] : memref<128x128xf32, #tpu.memory_space<vmem>>[vector<16xi32>, vector<16xi32>], vector<16xf32>,
      %add3A_366 = arith.constant 23 : i32
      %add3A_367 = vector.broadcast %add3A_366 : i32 to vector<16xi32>
      %add3A_368 = arith.addi %shift_left3A_131, %add3A_367 : vector<16xi32>
      %gather3A_369 = tpu.vector_load_idx %arg13[%add3A_114, %add3A_368] : memref<128x128xf32, #tpu.memory_space<vmem>>[vector<16xi32>, vector<16xi32>], vector<16xf32>,
      %mul3A_370 = arith.mulf %gather3A_365, %gather3A_369 : vector<16xf32>
      %add3A_371 = arith.addf %add3A_361, %mul3A_370 : vector<16xf32>
      %add3A_372 = arith.constant 24 : i32
      %add3A_373 = vector.broadcast %add3A_372 : i32 to vector<16xi32>
      %add3A_374 = arith.addi %shift_left3A_123, %add3A_373 : vector<16xi32>
      %gather3A_375 = tpu.vector_load_idx %arg11[%add3A_114, %add3A_374] : memref<128x128xf32, #tpu.memory_space<vmem>>[vector<16xi32>, vector<16xi32>], vector<16xf32>,
      %add3A_376 = arith.constant 24 : i32
      %add3A_377 = vector.broadcast %add3A_376 : i32 to vector<16xi32>
      %add3A_378 = arith.addi %shift_left3A_131, %add3A_377 : vector<16xi32>
      %gather3A_379 = tpu.vector_load_idx %arg13[%add3A_114, %add3A_378] : memref<128x128xf32, #tpu.memory_space<vmem>>[vector<16xi32>, vector<16xi32>], vector<16xf32>,
      %mul3A_380 = arith.mulf %gather3A_375, %gather3A_379 : vector<16xf32>
      %add3A_381 = arith.addf %add3A_371, %mul3A_380 : vector<16xf32>
      %add3A_382 = arith.constant 25 : i32
      %add3A_383 = vector.broadcast %add3A_382 : i32 to vector<16xi32>
      %add3A_384 = arith.addi %shift_left3A_123, %add3A_383 : vector<16xi32>
      %gather3A_385 = tpu.vector_load_idx %arg11[%add3A_114, %add3A_384] : memref<128x128xf32, #tpu.memory_space<vmem>>[vector<16xi32>, vector<16xi32>], vector<16xf32>,
      %add3A_386 = arith.constant 25 : i32
      %add3A_387 = vector.broadcast %add3A_386 : i32 to vector<16xi32>
      %add3A_388 = arith.addi %shift_left3A_131, %add3A_387 : vector<16xi32>
      %gather3A_389 = tpu.vector_load_idx %arg13[%add3A_114, %add3A_388] : memref<128x128xf32, #tpu.memory_space<vmem>>[vector<16xi32>, vector<16xi32>], vector<16xf32>,
      %mul3A_390 = arith.mulf %gather3A_385, %gather3A_389 : vector<16xf32>
      %add3A_391 = arith.addf %add3A_381, %mul3A_390 : vector<16xf32>
      %add3A_392 = arith.constant 26 : i32
      %add3A_393 = vector.broadcast %add3A_392 : i32 to vector<16xi32>
      %add3A_394 = arith.addi %shift_left3A_123, %add3A_393 : vector<16xi32>
      %gather3A_395 = tpu.vector_load_idx %arg11[%add3A_114, %add3A_394] : memref<128x128xf32, #tpu.memory_space<vmem>>[vector<16xi32>, vector<16xi32>], vector<16xf32>,
      %add3A_396 = arith.constant 26 : i32
      %add3A_397 = vector.broadcast %add3A_396 : i32 to vector<16xi32>
      %add3A_398 = arith.addi %shift_left3A_131, %add3A_397 : vector<16xi32>
      %gather3A_399 = tpu.vector_load_idx %arg13[%add3A_114, %add3A_398] : memref<128x128xf32, #tpu.memory_space<vmem>>[vector<16xi32>, vector<16xi32>], vector<16xf32>,
      %mul3A_400 = arith.mulf %gather3A_395, %gather3A_399 : vector<16xf32>
      %add3A_401 = arith.addf %add3A_391, %mul3A_400 : vector<16xf32>
      %add3A_402 = arith.constant 27 : i32
      %add3A_403 = vector.broadcast %add3A_402 : i32 to vector<16xi32>
      %add3A_404 = arith.addi %shift_left3A_123, %add3A_403 : vector<16xi32>
      %gather3A_405 = tpu.vector_load_idx %arg11[%add3A_114, %add3A_404] : memref<128x128xf32, #tpu.memory_space<vmem>>[vector<16xi32>, vector<16xi32>], vector<16xf32>,
      %add3A_406 = arith.constant 27 : i32
      %add3A_407 = vector.broadcast %add3A_406 : i32 to vector<16xi32>
      %add3A_408 = arith.addi %shift_left3A_131, %add3A_407 : vector<16xi32>
      %gather3A_409 = tpu.vector_load_idx %arg13[%add3A_114, %add3A_408] : memref<128x128xf32, #tpu.memory_space<vmem>>[vector<16xi32>, vector<16xi32>], vector<16xf32>,
      %mul3A_410 = arith.mulf %gather3A_405, %gather3A_409 : vector<16xf32>
      %add3A_411 = arith.addf %add3A_401, %mul3A_410 : vector<16xf32>
      %add3A_412 = arith.constant 28 : i32
      %add3A_413 = vector.broadcast %add3A_412 : i32 to vector<16xi32>
      %add3A_414 = arith.addi %shift_left3A_123, %add3A_413 : vector<16xi32>
      %gather3A_415 = tpu.vector_load_idx %arg11[%add3A_114, %add3A_414] : memref<128x128xf32, #tpu.memory_space<vmem>>[vector<16xi32>, vector<16xi32>], vector<16xf32>,
      %add3A_416 = arith.constant 28 : i32
      %add3A_417 = vector.broadcast %add3A_416 : i32 to vector<16xi32>
      %add3A_418 = arith.addi %shift_left3A_131, %add3A_417 : vector<16xi32>
      %gather3A_419 = tpu.vector_load_idx %arg13[%add3A_114, %add3A_418] : memref<128x128xf32, #tpu.memory_space<vmem>>[vector<16xi32>, vector<16xi32>], vector<16xf32>,
      %mul3A_420 = arith.mulf %gather3A_415, %gather3A_419 : vector<16xf32>
      %add3A_421 = arith.addf %add3A_411, %mul3A_420 : vector<16xf32>
      %add3A_422 = arith.constant 29 : i32
      %add3A_423 = vector.broadcast %add3A_422 : i32 to vector<16xi32>
      %add3A_424 = arith.addi %shift_left3A_123, %add3A_423 : vector<16xi32>
      %gather3A_425 = tpu.vector_load_idx %arg11[%add3A_114, %add3A_424] : memref<128x128xf32, #tpu.memory_space<vmem>>[vector<16xi32>, vector<16xi32>], vector<16xf32>,
      %add3A_426 = arith.constant 29 : i32
      %add3A_427 = vector.broadcast %add3A_426 : i32 to vector<16xi32>
      %add3A_428 = arith.addi %shift_left3A_131, %add3A_427 : vector<16xi32>
      %gather3A_429 = tpu.vector_load_idx %arg13[%add3A_114, %add3A_428] : memref<128x128xf32, #tpu.memory_space<vmem>>[vector<16xi32>, vector<16xi32>], vector<16xf32>,
      %mul3A_430 = arith.mulf %gather3A_425, %gather3A_429 : vector<16xf32>
      %add3A_431 = arith.addf %add3A_421, %mul3A_430 : vector<16xf32>
      %add3A_432 = arith.constant 30 : i32
      %add3A_433 = vector.broadcast %add3A_432 : i32 to vector<16xi32>
      %add3A_434 = arith.addi %shift_left3A_123, %add3A_433 : vector<16xi32>
      %gather3A_435 = tpu.vector_load_idx %arg11[%add3A_114, %add3A_434] : memref<128x128xf32, #tpu.memory_space<vmem>>[vector<16xi32>, vector<16xi32>], vector<16xf32>,
      %add3A_436 = arith.constant 30 : i32
      %add3A_437 = vector.broadcast %add3A_436 : i32 to vector<16xi32>
      %add3A_438 = arith.addi %shift_left3A_131, %add3A_437 : vector<16xi32>
      %gather3A_439 = tpu.vector_load_idx %arg13[%add3A_114, %add3A_438] : memref<128x128xf32, #tpu.memory_space<vmem>>[vector<16xi32>, vector<16xi32>], vector<16xf32>,
      %mul3A_440 = arith.mulf %gather3A_435, %gather3A_439 : vector<16xf32>
      %add3A_441 = arith.addf %add3A_431, %mul3A_440 : vector<16xf32>
      %add3A_442 = arith.constant 31 : i32
      %add3A_443 = vector.broadcast %add3A_442 : i32 to vector<16xi32>
      %add3A_444 = arith.addi %shift_left3A_123, %add3A_443 : vector<16xi32>
      %gather3A_445 = tpu.vector_load_idx %arg11[%add3A_114, %add3A_444] : memref<128x128xf32, #tpu.memory_space<vmem>>[vector<16xi32>, vector<16xi32>], vector<16xf32>,
      %add3A_446 = arith.constant 31 : i32
      %add3A_447 = vector.broadcast %add3A_446 : i32 to vector<16xi32>
      %add3A_448 = arith.addi %shift_left3A_131, %add3A_447 : vector<16xi32>
      %gather3A_449 = tpu.vector_load_idx %arg13[%add3A_114, %add3A_448] : memref<128x128xf32, #tpu.memory_space<vmem>>[vector<16xi32>, vector<16xi32>], vector<16xf32>,
      %mul3A_450 = arith.mulf %gather3A_445, %gather3A_449 : vector<16xf32>
      %add3A_451 = arith.addf %add3A_441, %mul3A_450 : vector<16xf32>
      %neg3A = arith.constant 0.000000e+00 : f32
      %neg3A_452 = vector.broadcast %neg3A : f32 to vector<16xf32>
      %neg3A_453 = arith.subf %neg3A_452, %add3A_451 : vector<16xf32>
      %exp3A = math.exp %neg3A_453 : vector<16xf32>
      %add3A_454 = arith.constant 1.000000e+00 : f32
      %add3A_455 = vector.broadcast %add3A_454 : f32 to vector<16xf32>
      %add3A_456 = arith.addf %add3A_455, %exp3A : vector<16xf32>
      %div3A = arith.constant 1.000000e+00 : f32
      %div3A_457 = vector.broadcast %div3A : f32 to vector<16xf32>
      %div3A_458 = arith.divf %div3A_457, %add3A_456 : vector<16xf32>
      %swap3A = arith.index_cast %add3A_118 : i32 to index
      %swap3A_459 = tpu.vector_load %arg15[%swap3A] {strides = array<i32>} : memref<512xf32, #tpu.memory_space<vmem>>, vector<16xf32>,
      tpu.vector_store %arg15[%swap3A], %div3A_458 {strides = array<i32>} : memref<512xf32, #tpu.memory_space<vmem>>, vector<16xf32>,
    }
    %scan3A_41 = arith.constant 8 : i32
    %dma_start3A_42 = arith.constant 256 : i32
    %dma_start3A_43 = tpu.memref_slice %arg9[%dma_start3A_42] : memref<512xi32, #tpu.memory_space<vmem>> -> memref<128xi32, #tpu.memory_space<vmem>>
    %dma_start3A_44 = arith.constant 0 : i32
    %dma_start3A_45 = arith.constant 0 : i32
    %dma_start3A_46 = tpu.memref_slice %arg4[%dma_start3A_44, %dma_start3A_45] : memref<250000x128xf32, #tpu.memory_space<hbm>> -> memref<250000x128xf32, #tpu.memory_space<hbm>>
    tpu.enqueue_indirect_dma source(%dma_start3A_46 : memref<250000x128xf32, #tpu.memory_space<hbm>>) target(%arg11 : memref<128x128xf32, #tpu.memory_space<vmem>>) offsets(%dma_start3A_43 : memref<128xi32, #tpu.memory_space<vmem>>) semaphore(%arg16 : memref<!tpu.dma_semaphore, #tpu.memory_space<semaphore_mem>>)
    %dma_start3A_47 = arith.constant 256 : i32
    %dma_start3A_48 = tpu.memref_slice %arg10[%dma_start3A_47] : memref<512xi32, #tpu.memory_space<vmem>> -> memref<128xi32, #tpu.memory_space<vmem>>
    %dma_start3A_49 = arith.constant 0 : i32
    %dma_start3A_50 = arith.constant 0 : i32
    %dma_start3A_51 = tpu.memref_slice %arg5[%dma_start3A_49, %dma_start3A_50] : memref<250000x128xf32, #tpu.memory_space<hbm>> -> memref<250000x128xf32, #tpu.memory_space<hbm>>
    tpu.enqueue_indirect_dma source(%dma_start3A_51 : memref<250000x128xf32, #tpu.memory_space<hbm>>) target(%arg13 : memref<128x128xf32, #tpu.memory_space<vmem>>) offsets(%dma_start3A_48 : memref<128xi32, #tpu.memory_space<vmem>>) semaphore(%arg17 : memref<!tpu.dma_semaphore, #tpu.memory_space<semaphore_mem>>)
    %dma_wait3A_52 = arith.constant 128 : i32
    %dma_wait3A_53 = tpu.memref_slice %arg9[%dma_wait3A_52] : memref<512xi32, #tpu.memory_space<vmem>> -> memref<128xi32, #tpu.memory_space<vmem>>
    %dma_wait3A_54 = arith.constant 0 : i32
    %dma_wait3A_55 = arith.constant 0 : i32
    %dma_wait3A_56 = tpu.memref_slice %arg4[%dma_wait3A_54, %dma_wait3A_55] : memref<250000x128xf32, #tpu.memory_space<hbm>> -> memref<250000x128xf32, #tpu.memory_space<hbm>>
    tpu.wait_indirect_dma semaphore(%arg16 : memref<!tpu.dma_semaphore, #tpu.memory_space<semaphore_mem>>) src(%dma_wait3A_56 : memref<250000x128xf32, #tpu.memory_space<hbm>>) dst(%arg12 : memref<128x128xf32, #tpu.memory_space<vmem>>)
    %dma_wait3A_57 = arith.constant 128 : i32
    %dma_wait3A_58 = tpu.memref_slice %arg10[%dma_wait3A_57] : memref<512xi32, #tpu.memory_space<vmem>> -> memref<128xi32, #tpu.memory_space<vmem>>
    %dma_wait3A_59 = arith.constant 0 : i32
    %dma_wait3A_60 = arith.constant 0 : i32
    %dma_wait3A_61 = tpu.memref_slice %arg5[%dma_wait3A_59, %dma_wait3A_60] : memref<250000x128xf32, #tpu.memory_space<hbm>> -> memref<250000x128xf32, #tpu.memory_space<hbm>>
    tpu.wait_indirect_dma semaphore(%arg17 : memref<!tpu.dma_semaphore, #tpu.memory_space<semaphore_mem>>) src(%dma_wait3A_61 : memref<250000x128xf32, #tpu.memory_space<hbm>>) dst(%arg14 : memref<128x128xf32, #tpu.memory_space<vmem>>)
    %scan3A_62 = arith.constant 0 : i32
    %scan3A_63 = arith.constant 0 : i32
    %scan3A_64 = arith.constant 8 : i32
    %scan3A_65 = arith.addi %scan3A_63, %scan3A_64 : i32
    %scan3A_66 = arith.constant 1 : i32
    scf.for %scan3A_110 = %scan3A_63 to %scan3A_65 step %scan3A_66  : i32 {
      %mul3A_111 = arith.constant 16 : i32
      %mul3A_112 = arith.muli %scan3A_110, %mul3A_111 : i32
      %iota3A = tpu.iota {dimensions = array<i32: 0>} : vector<16xi32>
      %add3A_113 = vector.broadcast %mul3A_112 : i32 to vector<16xi32>
      %add3A_114 = arith.addi %add3A_113, %iota3A : vector<16xi32>
      %mul3A_115 = arith.constant 16 : i32
      %mul3A_116 = arith.muli %scan3A_110, %mul3A_115 : i32
      %add3A_117 = arith.constant 128 : i32
      %add3A_118 = arith.addi %add3A_117, %mul3A_116 : i32
      %get3A = arith.index_cast %add3A_118 : i32 to index
      %get3A_119 = tpu.vector_load %arg7[%get3A] {strides = array<i32>} : memref<512xi32, #tpu.memory_space<vmem>>, vector<16xi32>,
      %and3A = arith.constant 3 : i32
      %and3A_120 = vector.broadcast %and3A : i32 to vector<16xi32>
      %and3A_121 = arith.andi %get3A_119, %and3A_120 : vector<16xi32>
      %shift_left3A = arith.constant 5 : i32
      %shift_left3A_122 = vector.broadcast %shift_left3A : i32 to vector<16xi32>
      %shift_left3A_123 = arith.shli %and3A_121, %shift_left3A_122 : vector<16xi32>
      %get3A_124 = arith.index_cast %add3A_118 : i32 to index
      %get3A_125 = tpu.vector_load %arg8[%get3A_124] {strides = array<i32>} : memref<512xi32, #tpu.memory_space<vmem>>, vector<16xi32>,
      %and3A_126 = arith.constant 3 : i32
      %and3A_127 = vector.broadcast %and3A_126 : i32 to vector<16xi32>
      %and3A_128 = arith.andi %get3A_125, %and3A_127 : vector<16xi32>
      %shift_left3A_129 = arith.constant 5 : i32
      %shift_left3A_130 = vector.broadcast %shift_left3A_129 : i32 to vector<16xi32>
      %shift_left3A_131 = arith.shli %and3A_128, %shift_left3A_130 : vector<16xi32>
      %broadcast_in_dim3A = arith.constant 0.000000e+00 : f32
      %broadcast_in_dim3A_132 = vector.broadcast %broadcast_in_dim3A : f32 to vector<16xf32>
      %add3A_133 = arith.constant 0 : i32
      %add3A_134 = vector.broadcast %add3A_133 : i32 to vector<16xi32>
      %add3A_135 = arith.addi %shift_left3A_123, %add3A_134 : vector<16xi32>
      %gather3A = tpu.vector_load_idx %arg12[%add3A_114, %add3A_135] : memref<128x128xf32, #tpu.memory_space<vmem>>[vector<16xi32>, vector<16xi32>], vector<16xf32>,
      %add3A_136 = arith.constant 0 : i32
      %add3A_137 = vector.broadcast %add3A_136 : i32 to vector<16xi32>
      %add3A_138 = arith.addi %shift_left3A_131, %add3A_137 : vector<16xi32>
      %gather3A_139 = tpu.vector_load_idx %arg14[%add3A_114, %add3A_138] : memref<128x128xf32, #tpu.memory_space<vmem>>[vector<16xi32>, vector<16xi32>], vector<16xf32>,
      %mul3A_140 = arith.mulf %gather3A, %gather3A_139 : vector<16xf32>
      %add3A_141 = arith.addf %broadcast_in_dim3A_132, %mul3A_140 : vector<16xf32>
      %add3A_142 = arith.constant 1 : i32
      %add3A_143 = vector.broadcast %add3A_142 : i32 to vector<16xi32>
      %add3A_144 = arith.addi %shift_left3A_123, %add3A_143 : vector<16xi32>
      %gather3A_145 = tpu.vector_load_idx %arg12[%add3A_114, %add3A_144] : memref<128x128xf32, #tpu.memory_space<vmem>>[vector<16xi32>, vector<16xi32>], vector<16xf32>,
      %add3A_146 = arith.constant 1 : i32
      %add3A_147 = vector.broadcast %add3A_146 : i32 to vector<16xi32>
      %add3A_148 = arith.addi %shift_left3A_131, %add3A_147 : vector<16xi32>
      %gather3A_149 = tpu.vector_load_idx %arg14[%add3A_114, %add3A_148] : memref<128x128xf32, #tpu.memory_space<vmem>>[vector<16xi32>, vector<16xi32>], vector<16xf32>,
      %mul3A_150 = arith.mulf %gather3A_145, %gather3A_149 : vector<16xf32>
      %add3A_151 = arith.addf %add3A_141, %mul3A_150 : vector<16xf32>
      %add3A_152 = arith.constant 2 : i32
      %add3A_153 = vector.broadcast %add3A_152 : i32 to vector<16xi32>
      %add3A_154 = arith.addi %shift_left3A_123, %add3A_153 : vector<16xi32>
      %gather3A_155 = tpu.vector_load_idx %arg12[%add3A_114, %add3A_154] : memref<128x128xf32, #tpu.memory_space<vmem>>[vector<16xi32>, vector<16xi32>], vector<16xf32>,
      %add3A_156 = arith.constant 2 : i32
      %add3A_157 = vector.broadcast %add3A_156 : i32 to vector<16xi32>
      %add3A_158 = arith.addi %shift_left3A_131, %add3A_157 : vector<16xi32>
      %gather3A_159 = tpu.vector_load_idx %arg14[%add3A_114, %add3A_158] : memref<128x128xf32, #tpu.memory_space<vmem>>[vector<16xi32>, vector<16xi32>], vector<16xf32>,
      %mul3A_160 = arith.mulf %gather3A_155, %gather3A_159 : vector<16xf32>
      %add3A_161 = arith.addf %add3A_151, %mul3A_160 : vector<16xf32>
      %add3A_162 = arith.constant 3 : i32
      %add3A_163 = vector.broadcast %add3A_162 : i32 to vector<16xi32>
      %add3A_164 = arith.addi %shift_left3A_123, %add3A_163 : vector<16xi32>
      %gather3A_165 = tpu.vector_load_idx %arg12[%add3A_114, %add3A_164] : memref<128x128xf32, #tpu.memory_space<vmem>>[vector<16xi32>, vector<16xi32>], vector<16xf32>,
      %add3A_166 = arith.constant 3 : i32
      %add3A_167 = vector.broadcast %add3A_166 : i32 to vector<16xi32>
      %add3A_168 = arith.addi %shift_left3A_131, %add3A_167 : vector<16xi32>
      %gather3A_169 = tpu.vector_load_idx %arg14[%add3A_114, %add3A_168] : memref<128x128xf32, #tpu.memory_space<vmem>>[vector<16xi32>, vector<16xi32>], vector<16xf32>,
      %mul3A_170 = arith.mulf %gather3A_165, %gather3A_169 : vector<16xf32>
      %add3A_171 = arith.addf %add3A_161, %mul3A_170 : vector<16xf32>
      %add3A_172 = arith.constant 4 : i32
      %add3A_173 = vector.broadcast %add3A_172 : i32 to vector<16xi32>
      %add3A_174 = arith.addi %shift_left3A_123, %add3A_173 : vector<16xi32>
      %gather3A_175 = tpu.vector_load_idx %arg12[%add3A_114, %add3A_174] : memref<128x128xf32, #tpu.memory_space<vmem>>[vector<16xi32>, vector<16xi32>], vector<16xf32>,
      %add3A_176 = arith.constant 4 : i32
      %add3A_177 = vector.broadcast %add3A_176 : i32 to vector<16xi32>
      %add3A_178 = arith.addi %shift_left3A_131, %add3A_177 : vector<16xi32>
      %gather3A_179 = tpu.vector_load_idx %arg14[%add3A_114, %add3A_178] : memref<128x128xf32, #tpu.memory_space<vmem>>[vector<16xi32>, vector<16xi32>], vector<16xf32>,
      %mul3A_180 = arith.mulf %gather3A_175, %gather3A_179 : vector<16xf32>
      %add3A_181 = arith.addf %add3A_171, %mul3A_180 : vector<16xf32>
      %add3A_182 = arith.constant 5 : i32
      %add3A_183 = vector.broadcast %add3A_182 : i32 to vector<16xi32>
      %add3A_184 = arith.addi %shift_left3A_123, %add3A_183 : vector<16xi32>
      %gather3A_185 = tpu.vector_load_idx %arg12[%add3A_114, %add3A_184] : memref<128x128xf32, #tpu.memory_space<vmem>>[vector<16xi32>, vector<16xi32>], vector<16xf32>,
      %add3A_186 = arith.constant 5 : i32
      %add3A_187 = vector.broadcast %add3A_186 : i32 to vector<16xi32>
      %add3A_188 = arith.addi %shift_left3A_131, %add3A_187 : vector<16xi32>
      %gather3A_189 = tpu.vector_load_idx %arg14[%add3A_114, %add3A_188] : memref<128x128xf32, #tpu.memory_space<vmem>>[vector<16xi32>, vector<16xi32>], vector<16xf32>,
      %mul3A_190 = arith.mulf %gather3A_185, %gather3A_189 : vector<16xf32>
      %add3A_191 = arith.addf %add3A_181, %mul3A_190 : vector<16xf32>
      %add3A_192 = arith.constant 6 : i32
      %add3A_193 = vector.broadcast %add3A_192 : i32 to vector<16xi32>
      %add3A_194 = arith.addi %shift_left3A_123, %add3A_193 : vector<16xi32>
      %gather3A_195 = tpu.vector_load_idx %arg12[%add3A_114, %add3A_194] : memref<128x128xf32, #tpu.memory_space<vmem>>[vector<16xi32>, vector<16xi32>], vector<16xf32>,
      %add3A_196 = arith.constant 6 : i32
      %add3A_197 = vector.broadcast %add3A_196 : i32 to vector<16xi32>
      %add3A_198 = arith.addi %shift_left3A_131, %add3A_197 : vector<16xi32>
      %gather3A_199 = tpu.vector_load_idx %arg14[%add3A_114, %add3A_198] : memref<128x128xf32, #tpu.memory_space<vmem>>[vector<16xi32>, vector<16xi32>], vector<16xf32>,
      %mul3A_200 = arith.mulf %gather3A_195, %gather3A_199 : vector<16xf32>
      %add3A_201 = arith.addf %add3A_191, %mul3A_200 : vector<16xf32>
      %add3A_202 = arith.constant 7 : i32
      %add3A_203 = vector.broadcast %add3A_202 : i32 to vector<16xi32>
      %add3A_204 = arith.addi %shift_left3A_123, %add3A_203 : vector<16xi32>
      %gather3A_205 = tpu.vector_load_idx %arg12[%add3A_114, %add3A_204] : memref<128x128xf32, #tpu.memory_space<vmem>>[vector<16xi32>, vector<16xi32>], vector<16xf32>,
      %add3A_206 = arith.constant 7 : i32
      %add3A_207 = vector.broadcast %add3A_206 : i32 to vector<16xi32>
      %add3A_208 = arith.addi %shift_left3A_131, %add3A_207 : vector<16xi32>
      %gather3A_209 = tpu.vector_load_idx %arg14[%add3A_114, %add3A_208] : memref<128x128xf32, #tpu.memory_space<vmem>>[vector<16xi32>, vector<16xi32>], vector<16xf32>,
      %mul3A_210 = arith.mulf %gather3A_205, %gather3A_209 : vector<16xf32>
      %add3A_211 = arith.addf %add3A_201, %mul3A_210 : vector<16xf32>
      %add3A_212 = arith.constant 8 : i32
      %add3A_213 = vector.broadcast %add3A_212 : i32 to vector<16xi32>
      %add3A_214 = arith.addi %shift_left3A_123, %add3A_213 : vector<16xi32>
      %gather3A_215 = tpu.vector_load_idx %arg12[%add3A_114, %add3A_214] : memref<128x128xf32, #tpu.memory_space<vmem>>[vector<16xi32>, vector<16xi32>], vector<16xf32>,
      %add3A_216 = arith.constant 8 : i32
      %add3A_217 = vector.broadcast %add3A_216 : i32 to vector<16xi32>
      %add3A_218 = arith.addi %shift_left3A_131, %add3A_217 : vector<16xi32>
      %gather3A_219 = tpu.vector_load_idx %arg14[%add3A_114, %add3A_218] : memref<128x128xf32, #tpu.memory_space<vmem>>[vector<16xi32>, vector<16xi32>], vector<16xf32>,
      %mul3A_220 = arith.mulf %gather3A_215, %gather3A_219 : vector<16xf32>
      %add3A_221 = arith.addf %add3A_211, %mul3A_220 : vector<16xf32>
      %add3A_222 = arith.constant 9 : i32
      %add3A_223 = vector.broadcast %add3A_222 : i32 to vector<16xi32>
      %add3A_224 = arith.addi %shift_left3A_123, %add3A_223 : vector<16xi32>
      %gather3A_225 = tpu.vector_load_idx %arg12[%add3A_114, %add3A_224] : memref<128x128xf32, #tpu.memory_space<vmem>>[vector<16xi32>, vector<16xi32>], vector<16xf32>,
      %add3A_226 = arith.constant 9 : i32
      %add3A_227 = vector.broadcast %add3A_226 : i32 to vector<16xi32>
      %add3A_228 = arith.addi %shift_left3A_131, %add3A_227 : vector<16xi32>
      %gather3A_229 = tpu.vector_load_idx %arg14[%add3A_114, %add3A_228] : memref<128x128xf32, #tpu.memory_space<vmem>>[vector<16xi32>, vector<16xi32>], vector<16xf32>,
      %mul3A_230 = arith.mulf %gather3A_225, %gather3A_229 : vector<16xf32>
      %add3A_231 = arith.addf %add3A_221, %mul3A_230 : vector<16xf32>
      %add3A_232 = arith.constant 10 : i32
      %add3A_233 = vector.broadcast %add3A_232 : i32 to vector<16xi32>
      %add3A_234 = arith.addi %shift_left3A_123, %add3A_233 : vector<16xi32>
      %gather3A_235 = tpu.vector_load_idx %arg12[%add3A_114, %add3A_234] : memref<128x128xf32, #tpu.memory_space<vmem>>[vector<16xi32>, vector<16xi32>], vector<16xf32>,
      %add3A_236 = arith.constant 10 : i32
      %add3A_237 = vector.broadcast %add3A_236 : i32 to vector<16xi32>
      %add3A_238 = arith.addi %shift_left3A_131, %add3A_237 : vector<16xi32>
      %gather3A_239 = tpu.vector_load_idx %arg14[%add3A_114, %add3A_238] : memref<128x128xf32, #tpu.memory_space<vmem>>[vector<16xi32>, vector<16xi32>], vector<16xf32>,
      %mul3A_240 = arith.mulf %gather3A_235, %gather3A_239 : vector<16xf32>
      %add3A_241 = arith.addf %add3A_231, %mul3A_240 : vector<16xf32>
      %add3A_242 = arith.constant 11 : i32
      %add3A_243 = vector.broadcast %add3A_242 : i32 to vector<16xi32>
      %add3A_244 = arith.addi %shift_left3A_123, %add3A_243 : vector<16xi32>
      %gather3A_245 = tpu.vector_load_idx %arg12[%add3A_114, %add3A_244] : memref<128x128xf32, #tpu.memory_space<vmem>>[vector<16xi32>, vector<16xi32>], vector<16xf32>,
      %add3A_246 = arith.constant 11 : i32
      %add3A_247 = vector.broadcast %add3A_246 : i32 to vector<16xi32>
      %add3A_248 = arith.addi %shift_left3A_131, %add3A_247 : vector<16xi32>
      %gather3A_249 = tpu.vector_load_idx %arg14[%add3A_114, %add3A_248] : memref<128x128xf32, #tpu.memory_space<vmem>>[vector<16xi32>, vector<16xi32>], vector<16xf32>,
      %mul3A_250 = arith.mulf %gather3A_245, %gather3A_249 : vector<16xf32>
      %add3A_251 = arith.addf %add3A_241, %mul3A_250 : vector<16xf32>
      %add3A_252 = arith.constant 12 : i32
      %add3A_253 = vector.broadcast %add3A_252 : i32 to vector<16xi32>
      %add3A_254 = arith.addi %shift_left3A_123, %add3A_253 : vector<16xi32>
      %gather3A_255 = tpu.vector_load_idx %arg12[%add3A_114, %add3A_254] : memref<128x128xf32, #tpu.memory_space<vmem>>[vector<16xi32>, vector<16xi32>], vector<16xf32>,
      %add3A_256 = arith.constant 12 : i32
      %add3A_257 = vector.broadcast %add3A_256 : i32 to vector<16xi32>
      %add3A_258 = arith.addi %shift_left3A_131, %add3A_257 : vector<16xi32>
      %gather3A_259 = tpu.vector_load_idx %arg14[%add3A_114, %add3A_258] : memref<128x128xf32, #tpu.memory_space<vmem>>[vector<16xi32>, vector<16xi32>], vector<16xf32>,
      %mul3A_260 = arith.mulf %gather3A_255, %gather3A_259 : vector<16xf32>
      %add3A_261 = arith.addf %add3A_251, %mul3A_260 : vector<16xf32>
      %add3A_262 = arith.constant 13 : i32
      %add3A_263 = vector.broadcast %add3A_262 : i32 to vector<16xi32>
      %add3A_264 = arith.addi %shift_left3A_123, %add3A_263 : vector<16xi32>
      %gather3A_265 = tpu.vector_load_idx %arg12[%add3A_114, %add3A_264] : memref<128x128xf32, #tpu.memory_space<vmem>>[vector<16xi32>, vector<16xi32>], vector<16xf32>,
      %add3A_266 = arith.constant 13 : i32
      %add3A_267 = vector.broadcast %add3A_266 : i32 to vector<16xi32>
      %add3A_268 = arith.addi %shift_left3A_131, %add3A_267 : vector<16xi32>
      %gather3A_269 = tpu.vector_load_idx %arg14[%add3A_114, %add3A_268] : memref<128x128xf32, #tpu.memory_space<vmem>>[vector<16xi32>, vector<16xi32>], vector<16xf32>,
      %mul3A_270 = arith.mulf %gather3A_265, %gather3A_269 : vector<16xf32>
      %add3A_271 = arith.addf %add3A_261, %mul3A_270 : vector<16xf32>
      %add3A_272 = arith.constant 14 : i32
      %add3A_273 = vector.broadcast %add3A_272 : i32 to vector<16xi32>
      %add3A_274 = arith.addi %shift_left3A_123, %add3A_273 : vector<16xi32>
      %gather3A_275 = tpu.vector_load_idx %arg12[%add3A_114, %add3A_274] : memref<128x128xf32, #tpu.memory_space<vmem>>[vector<16xi32>, vector<16xi32>], vector<16xf32>,
      %add3A_276 = arith.constant 14 : i32
      %add3A_277 = vector.broadcast %add3A_276 : i32 to vector<16xi32>
      %add3A_278 = arith.addi %shift_left3A_131, %add3A_277 : vector<16xi32>
      %gather3A_279 = tpu.vector_load_idx %arg14[%add3A_114, %add3A_278] : memref<128x128xf32, #tpu.memory_space<vmem>>[vector<16xi32>, vector<16xi32>], vector<16xf32>,
      %mul3A_280 = arith.mulf %gather3A_275, %gather3A_279 : vector<16xf32>
      %add3A_281 = arith.addf %add3A_271, %mul3A_280 : vector<16xf32>
      %add3A_282 = arith.constant 15 : i32
      %add3A_283 = vector.broadcast %add3A_282 : i32 to vector<16xi32>
      %add3A_284 = arith.addi %shift_left3A_123, %add3A_283 : vector<16xi32>
      %gather3A_285 = tpu.vector_load_idx %arg12[%add3A_114, %add3A_284] : memref<128x128xf32, #tpu.memory_space<vmem>>[vector<16xi32>, vector<16xi32>], vector<16xf32>,
      %add3A_286 = arith.constant 15 : i32
      %add3A_287 = vector.broadcast %add3A_286 : i32 to vector<16xi32>
      %add3A_288 = arith.addi %shift_left3A_131, %add3A_287 : vector<16xi32>
      %gather3A_289 = tpu.vector_load_idx %arg14[%add3A_114, %add3A_288] : memref<128x128xf32, #tpu.memory_space<vmem>>[vector<16xi32>, vector<16xi32>], vector<16xf32>,
      %mul3A_290 = arith.mulf %gather3A_285, %gather3A_289 : vector<16xf32>
      %add3A_291 = arith.addf %add3A_281, %mul3A_290 : vector<16xf32>
      %add3A_292 = arith.constant 16 : i32
      %add3A_293 = vector.broadcast %add3A_292 : i32 to vector<16xi32>
      %add3A_294 = arith.addi %shift_left3A_123, %add3A_293 : vector<16xi32>
      %gather3A_295 = tpu.vector_load_idx %arg12[%add3A_114, %add3A_294] : memref<128x128xf32, #tpu.memory_space<vmem>>[vector<16xi32>, vector<16xi32>], vector<16xf32>,
      %add3A_296 = arith.constant 16 : i32
      %add3A_297 = vector.broadcast %add3A_296 : i32 to vector<16xi32>
      %add3A_298 = arith.addi %shift_left3A_131, %add3A_297 : vector<16xi32>
      %gather3A_299 = tpu.vector_load_idx %arg14[%add3A_114, %add3A_298] : memref<128x128xf32, #tpu.memory_space<vmem>>[vector<16xi32>, vector<16xi32>], vector<16xf32>,
      %mul3A_300 = arith.mulf %gather3A_295, %gather3A_299 : vector<16xf32>
      %add3A_301 = arith.addf %add3A_291, %mul3A_300 : vector<16xf32>
      %add3A_302 = arith.constant 17 : i32
      %add3A_303 = vector.broadcast %add3A_302 : i32 to vector<16xi32>
      %add3A_304 = arith.addi %shift_left3A_123, %add3A_303 : vector<16xi32>
      %gather3A_305 = tpu.vector_load_idx %arg12[%add3A_114, %add3A_304] : memref<128x128xf32, #tpu.memory_space<vmem>>[vector<16xi32>, vector<16xi32>], vector<16xf32>,
      %add3A_306 = arith.constant 17 : i32
      %add3A_307 = vector.broadcast %add3A_306 : i32 to vector<16xi32>
      %add3A_308 = arith.addi %shift_left3A_131, %add3A_307 : vector<16xi32>
      %gather3A_309 = tpu.vector_load_idx %arg14[%add3A_114, %add3A_308] : memref<128x128xf32, #tpu.memory_space<vmem>>[vector<16xi32>, vector<16xi32>], vector<16xf32>,
      %mul3A_310 = arith.mulf %gather3A_305, %gather3A_309 : vector<16xf32>
      %add3A_311 = arith.addf %add3A_301, %mul3A_310 : vector<16xf32>
      %add3A_312 = arith.constant 18 : i32
      %add3A_313 = vector.broadcast %add3A_312 : i32 to vector<16xi32>
      %add3A_314 = arith.addi %shift_left3A_123, %add3A_313 : vector<16xi32>
      %gather3A_315 = tpu.vector_load_idx %arg12[%add3A_114, %add3A_314] : memref<128x128xf32, #tpu.memory_space<vmem>>[vector<16xi32>, vector<16xi32>], vector<16xf32>,
      %add3A_316 = arith.constant 18 : i32
      %add3A_317 = vector.broadcast %add3A_316 : i32 to vector<16xi32>
      %add3A_318 = arith.addi %shift_left3A_131, %add3A_317 : vector<16xi32>
      %gather3A_319 = tpu.vector_load_idx %arg14[%add3A_114, %add3A_318] : memref<128x128xf32, #tpu.memory_space<vmem>>[vector<16xi32>, vector<16xi32>], vector<16xf32>,
      %mul3A_320 = arith.mulf %gather3A_315, %gather3A_319 : vector<16xf32>
      %add3A_321 = arith.addf %add3A_311, %mul3A_320 : vector<16xf32>
      %add3A_322 = arith.constant 19 : i32
      %add3A_323 = vector.broadcast %add3A_322 : i32 to vector<16xi32>
      %add3A_324 = arith.addi %shift_left3A_123, %add3A_323 : vector<16xi32>
      %gather3A_325 = tpu.vector_load_idx %arg12[%add3A_114, %add3A_324] : memref<128x128xf32, #tpu.memory_space<vmem>>[vector<16xi32>, vector<16xi32>], vector<16xf32>,
      %add3A_326 = arith.constant 19 : i32
      %add3A_327 = vector.broadcast %add3A_326 : i32 to vector<16xi32>
      %add3A_328 = arith.addi %shift_left3A_131, %add3A_327 : vector<16xi32>
      %gather3A_329 = tpu.vector_load_idx %arg14[%add3A_114, %add3A_328] : memref<128x128xf32, #tpu.memory_space<vmem>>[vector<16xi32>, vector<16xi32>], vector<16xf32>,
      %mul3A_330 = arith.mulf %gather3A_325, %gather3A_329 : vector<16xf32>
      %add3A_331 = arith.addf %add3A_321, %mul3A_330 : vector<16xf32>
      %add3A_332 = arith.constant 20 : i32
      %add3A_333 = vector.broadcast %add3A_332 : i32 to vector<16xi32>
      %add3A_334 = arith.addi %shift_left3A_123, %add3A_333 : vector<16xi32>
      %gather3A_335 = tpu.vector_load_idx %arg12[%add3A_114, %add3A_334] : memref<128x128xf32, #tpu.memory_space<vmem>>[vector<16xi32>, vector<16xi32>], vector<16xf32>,
      %add3A_336 = arith.constant 20 : i32
      %add3A_337 = vector.broadcast %add3A_336 : i32 to vector<16xi32>
      %add3A_338 = arith.addi %shift_left3A_131, %add3A_337 : vector<16xi32>
      %gather3A_339 = tpu.vector_load_idx %arg14[%add3A_114, %add3A_338] : memref<128x128xf32, #tpu.memory_space<vmem>>[vector<16xi32>, vector<16xi32>], vector<16xf32>,
      %mul3A_340 = arith.mulf %gather3A_335, %gather3A_339 : vector<16xf32>
      %add3A_341 = arith.addf %add3A_331, %mul3A_340 : vector<16xf32>
      %add3A_342 = arith.constant 21 : i32
      %add3A_343 = vector.broadcast %add3A_342 : i32 to vector<16xi32>
      %add3A_344 = arith.addi %shift_left3A_123, %add3A_343 : vector<16xi32>
      %gather3A_345 = tpu.vector_load_idx %arg12[%add3A_114, %add3A_344] : memref<128x128xf32, #tpu.memory_space<vmem>>[vector<16xi32>, vector<16xi32>], vector<16xf32>,
      %add3A_346 = arith.constant 21 : i32
      %add3A_347 = vector.broadcast %add3A_346 : i32 to vector<16xi32>
      %add3A_348 = arith.addi %shift_left3A_131, %add3A_347 : vector<16xi32>
      %gather3A_349 = tpu.vector_load_idx %arg14[%add3A_114, %add3A_348] : memref<128x128xf32, #tpu.memory_space<vmem>>[vector<16xi32>, vector<16xi32>], vector<16xf32>,
      %mul3A_350 = arith.mulf %gather3A_345, %gather3A_349 : vector<16xf32>
      %add3A_351 = arith.addf %add3A_341, %mul3A_350 : vector<16xf32>
      %add3A_352 = arith.constant 22 : i32
      %add3A_353 = vector.broadcast %add3A_352 : i32 to vector<16xi32>
      %add3A_354 = arith.addi %shift_left3A_123, %add3A_353 : vector<16xi32>
      %gather3A_355 = tpu.vector_load_idx %arg12[%add3A_114, %add3A_354] : memref<128x128xf32, #tpu.memory_space<vmem>>[vector<16xi32>, vector<16xi32>], vector<16xf32>,
      %add3A_356 = arith.constant 22 : i32
      %add3A_357 = vector.broadcast %add3A_356 : i32 to vector<16xi32>
      %add3A_358 = arith.addi %shift_left3A_131, %add3A_357 : vector<16xi32>
      %gather3A_359 = tpu.vector_load_idx %arg14[%add3A_114, %add3A_358] : memref<128x128xf32, #tpu.memory_space<vmem>>[vector<16xi32>, vector<16xi32>], vector<16xf32>,
      %mul3A_360 = arith.mulf %gather3A_355, %gather3A_359 : vector<16xf32>
      %add3A_361 = arith.addf %add3A_351, %mul3A_360 : vector<16xf32>
      %add3A_362 = arith.constant 23 : i32
      %add3A_363 = vector.broadcast %add3A_362 : i32 to vector<16xi32>
      %add3A_364 = arith.addi %shift_left3A_123, %add3A_363 : vector<16xi32>
      %gather3A_365 = tpu.vector_load_idx %arg12[%add3A_114, %add3A_364] : memref<128x128xf32, #tpu.memory_space<vmem>>[vector<16xi32>, vector<16xi32>], vector<16xf32>,
      %add3A_366 = arith.constant 23 : i32
      %add3A_367 = vector.broadcast %add3A_366 : i32 to vector<16xi32>
      %add3A_368 = arith.addi %shift_left3A_131, %add3A_367 : vector<16xi32>
      %gather3A_369 = tpu.vector_load_idx %arg14[%add3A_114, %add3A_368] : memref<128x128xf32, #tpu.memory_space<vmem>>[vector<16xi32>, vector<16xi32>], vector<16xf32>,
      %mul3A_370 = arith.mulf %gather3A_365, %gather3A_369 : vector<16xf32>
      %add3A_371 = arith.addf %add3A_361, %mul3A_370 : vector<16xf32>
      %add3A_372 = arith.constant 24 : i32
      %add3A_373 = vector.broadcast %add3A_372 : i32 to vector<16xi32>
      %add3A_374 = arith.addi %shift_left3A_123, %add3A_373 : vector<16xi32>
      %gather3A_375 = tpu.vector_load_idx %arg12[%add3A_114, %add3A_374] : memref<128x128xf32, #tpu.memory_space<vmem>>[vector<16xi32>, vector<16xi32>], vector<16xf32>,
      %add3A_376 = arith.constant 24 : i32
      %add3A_377 = vector.broadcast %add3A_376 : i32 to vector<16xi32>
      %add3A_378 = arith.addi %shift_left3A_131, %add3A_377 : vector<16xi32>
      %gather3A_379 = tpu.vector_load_idx %arg14[%add3A_114, %add3A_378] : memref<128x128xf32, #tpu.memory_space<vmem>>[vector<16xi32>, vector<16xi32>], vector<16xf32>,
      %mul3A_380 = arith.mulf %gather3A_375, %gather3A_379 : vector<16xf32>
      %add3A_381 = arith.addf %add3A_371, %mul3A_380 : vector<16xf32>
      %add3A_382 = arith.constant 25 : i32
      %add3A_383 = vector.broadcast %add3A_382 : i32 to vector<16xi32>
      %add3A_384 = arith.addi %shift_left3A_123, %add3A_383 : vector<16xi32>
      %gather3A_385 = tpu.vector_load_idx %arg12[%add3A_114, %add3A_384] : memref<128x128xf32, #tpu.memory_space<vmem>>[vector<16xi32>, vector<16xi32>], vector<16xf32>,
      %add3A_386 = arith.constant 25 : i32
      %add3A_387 = vector.broadcast %add3A_386 : i32 to vector<16xi32>
      %add3A_388 = arith.addi %shift_left3A_131, %add3A_387 : vector<16xi32>
      %gather3A_389 = tpu.vector_load_idx %arg14[%add3A_114, %add3A_388] : memref<128x128xf32, #tpu.memory_space<vmem>>[vector<16xi32>, vector<16xi32>], vector<16xf32>,
      %mul3A_390 = arith.mulf %gather3A_385, %gather3A_389 : vector<16xf32>
      %add3A_391 = arith.addf %add3A_381, %mul3A_390 : vector<16xf32>
      %add3A_392 = arith.constant 26 : i32
      %add3A_393 = vector.broadcast %add3A_392 : i32 to vector<16xi32>
      %add3A_394 = arith.addi %shift_left3A_123, %add3A_393 : vector<16xi32>
      %gather3A_395 = tpu.vector_load_idx %arg12[%add3A_114, %add3A_394] : memref<128x128xf32, #tpu.memory_space<vmem>>[vector<16xi32>, vector<16xi32>], vector<16xf32>,
      %add3A_396 = arith.constant 26 : i32
      %add3A_397 = vector.broadcast %add3A_396 : i32 to vector<16xi32>
      %add3A_398 = arith.addi %shift_left3A_131, %add3A_397 : vector<16xi32>
      %gather3A_399 = tpu.vector_load_idx %arg14[%add3A_114, %add3A_398] : memref<128x128xf32, #tpu.memory_space<vmem>>[vector<16xi32>, vector<16xi32>], vector<16xf32>,
      %mul3A_400 = arith.mulf %gather3A_395, %gather3A_399 : vector<16xf32>
      %add3A_401 = arith.addf %add3A_391, %mul3A_400 : vector<16xf32>
      %add3A_402 = arith.constant 27 : i32
      %add3A_403 = vector.broadcast %add3A_402 : i32 to vector<16xi32>
      %add3A_404 = arith.addi %shift_left3A_123, %add3A_403 : vector<16xi32>
      %gather3A_405 = tpu.vector_load_idx %arg12[%add3A_114, %add3A_404] : memref<128x128xf32, #tpu.memory_space<vmem>>[vector<16xi32>, vector<16xi32>], vector<16xf32>,
      %add3A_406 = arith.constant 27 : i32
      %add3A_407 = vector.broadcast %add3A_406 : i32 to vector<16xi32>
      %add3A_408 = arith.addi %shift_left3A_131, %add3A_407 : vector<16xi32>
      %gather3A_409 = tpu.vector_load_idx %arg14[%add3A_114, %add3A_408] : memref<128x128xf32, #tpu.memory_space<vmem>>[vector<16xi32>, vector<16xi32>], vector<16xf32>,
      %mul3A_410 = arith.mulf %gather3A_405, %gather3A_409 : vector<16xf32>
      %add3A_411 = arith.addf %add3A_401, %mul3A_410 : vector<16xf32>
      %add3A_412 = arith.constant 28 : i32
      %add3A_413 = vector.broadcast %add3A_412 : i32 to vector<16xi32>
      %add3A_414 = arith.addi %shift_left3A_123, %add3A_413 : vector<16xi32>
      %gather3A_415 = tpu.vector_load_idx %arg12[%add3A_114, %add3A_414] : memref<128x128xf32, #tpu.memory_space<vmem>>[vector<16xi32>, vector<16xi32>], vector<16xf32>,
      %add3A_416 = arith.constant 28 : i32
      %add3A_417 = vector.broadcast %add3A_416 : i32 to vector<16xi32>
      %add3A_418 = arith.addi %shift_left3A_131, %add3A_417 : vector<16xi32>
      %gather3A_419 = tpu.vector_load_idx %arg14[%add3A_114, %add3A_418] : memref<128x128xf32, #tpu.memory_space<vmem>>[vector<16xi32>, vector<16xi32>], vector<16xf32>,
      %mul3A_420 = arith.mulf %gather3A_415, %gather3A_419 : vector<16xf32>
      %add3A_421 = arith.addf %add3A_411, %mul3A_420 : vector<16xf32>
      %add3A_422 = arith.constant 29 : i32
      %add3A_423 = vector.broadcast %add3A_422 : i32 to vector<16xi32>
      %add3A_424 = arith.addi %shift_left3A_123, %add3A_423 : vector<16xi32>
      %gather3A_425 = tpu.vector_load_idx %arg12[%add3A_114, %add3A_424] : memref<128x128xf32, #tpu.memory_space<vmem>>[vector<16xi32>, vector<16xi32>], vector<16xf32>,
      %add3A_426 = arith.constant 29 : i32
      %add3A_427 = vector.broadcast %add3A_426 : i32 to vector<16xi32>
      %add3A_428 = arith.addi %shift_left3A_131, %add3A_427 : vector<16xi32>
      %gather3A_429 = tpu.vector_load_idx %arg14[%add3A_114, %add3A_428] : memref<128x128xf32, #tpu.memory_space<vmem>>[vector<16xi32>, vector<16xi32>], vector<16xf32>,
      %mul3A_430 = arith.mulf %gather3A_425, %gather3A_429 : vector<16xf32>
      %add3A_431 = arith.addf %add3A_421, %mul3A_430 : vector<16xf32>
      %add3A_432 = arith.constant 30 : i32
      %add3A_433 = vector.broadcast %add3A_432 : i32 to vector<16xi32>
      %add3A_434 = arith.addi %shift_left3A_123, %add3A_433 : vector<16xi32>
      %gather3A_435 = tpu.vector_load_idx %arg12[%add3A_114, %add3A_434] : memref<128x128xf32, #tpu.memory_space<vmem>>[vector<16xi32>, vector<16xi32>], vector<16xf32>,
      %add3A_436 = arith.constant 30 : i32
      %add3A_437 = vector.broadcast %add3A_436 : i32 to vector<16xi32>
      %add3A_438 = arith.addi %shift_left3A_131, %add3A_437 : vector<16xi32>
      %gather3A_439 = tpu.vector_load_idx %arg14[%add3A_114, %add3A_438] : memref<128x128xf32, #tpu.memory_space<vmem>>[vector<16xi32>, vector<16xi32>], vector<16xf32>,
      %mul3A_440 = arith.mulf %gather3A_435, %gather3A_439 : vector<16xf32>
      %add3A_441 = arith.addf %add3A_431, %mul3A_440 : vector<16xf32>
      %add3A_442 = arith.constant 31 : i32
      %add3A_443 = vector.broadcast %add3A_442 : i32 to vector<16xi32>
      %add3A_444 = arith.addi %shift_left3A_123, %add3A_443 : vector<16xi32>
      %gather3A_445 = tpu.vector_load_idx %arg12[%add3A_114, %add3A_444] : memref<128x128xf32, #tpu.memory_space<vmem>>[vector<16xi32>, vector<16xi32>], vector<16xf32>,
      %add3A_446 = arith.constant 31 : i32
      %add3A_447 = vector.broadcast %add3A_446 : i32 to vector<16xi32>
      %add3A_448 = arith.addi %shift_left3A_131, %add3A_447 : vector<16xi32>
      %gather3A_449 = tpu.vector_load_idx %arg14[%add3A_114, %add3A_448] : memref<128x128xf32, #tpu.memory_space<vmem>>[vector<16xi32>, vector<16xi32>], vector<16xf32>,
      %mul3A_450 = arith.mulf %gather3A_445, %gather3A_449 : vector<16xf32>
      %add3A_451 = arith.addf %add3A_441, %mul3A_450 : vector<16xf32>
      %neg3A = arith.constant 0.000000e+00 : f32
      %neg3A_452 = vector.broadcast %neg3A : f32 to vector<16xf32>
      %neg3A_453 = arith.subf %neg3A_452, %add3A_451 : vector<16xf32>
      %exp3A = math.exp %neg3A_453 : vector<16xf32>
      %add3A_454 = arith.constant 1.000000e+00 : f32
      %add3A_455 = vector.broadcast %add3A_454 : f32 to vector<16xf32>
      %add3A_456 = arith.addf %add3A_455, %exp3A : vector<16xf32>
      %div3A = arith.constant 1.000000e+00 : f32
      %div3A_457 = vector.broadcast %div3A : f32 to vector<16xf32>
      %div3A_458 = arith.divf %div3A_457, %add3A_456 : vector<16xf32>
      %swap3A = arith.index_cast %add3A_118 : i32 to index
      %swap3A_459 = tpu.vector_load %arg15[%swap3A] {strides = array<i32>} : memref<512xf32, #tpu.memory_space<vmem>>, vector<16xf32>,
      tpu.vector_store %arg15[%swap3A], %div3A_458 {strides = array<i32>} : memref<512xf32, #tpu.memory_space<vmem>>, vector<16xf32>,
    }
    %scan3A_67 = arith.constant 8 : i32
    %dma_start3A_68 = arith.constant 384 : i32
    %dma_start3A_69 = tpu.memref_slice %arg9[%dma_start3A_68] : memref<512xi32, #tpu.memory_space<vmem>> -> memref<128xi32, #tpu.memory_space<vmem>>
    %dma_start3A_70 = arith.constant 0 : i32
    %dma_start3A_71 = arith.constant 0 : i32
    %dma_start3A_72 = tpu.memref_slice %arg4[%dma_start3A_70, %dma_start3A_71] : memref<250000x128xf32, #tpu.memory_space<hbm>> -> memref<250000x128xf32, #tpu.memory_space<hbm>>
    tpu.enqueue_indirect_dma source(%dma_start3A_72 : memref<250000x128xf32, #tpu.memory_space<hbm>>) target(%arg12 : memref<128x128xf32, #tpu.memory_space<vmem>>) offsets(%dma_start3A_69 : memref<128xi32, #tpu.memory_space<vmem>>) semaphore(%arg16 : memref<!tpu.dma_semaphore, #tpu.memory_space<semaphore_mem>>)
    %dma_start3A_73 = arith.constant 384 : i32
    %dma_start3A_74 = tpu.memref_slice %arg10[%dma_start3A_73] : memref<512xi32, #tpu.memory_space<vmem>> -> memref<128xi32, #tpu.memory_space<vmem>>
    %dma_start3A_75 = arith.constant 0 : i32
    %dma_start3A_76 = arith.constant 0 : i32
    %dma_start3A_77 = tpu.memref_slice %arg5[%dma_start3A_75, %dma_start3A_76] : memref<250000x128xf32, #tpu.memory_space<hbm>> -> memref<250000x128xf32, #tpu.memory_space<hbm>>
    tpu.enqueue_indirect_dma source(%dma_start3A_77 : memref<250000x128xf32, #tpu.memory_space<hbm>>) target(%arg14 : memref<128x128xf32, #tpu.memory_space<vmem>>) offsets(%dma_start3A_74 : memref<128xi32, #tpu.memory_space<vmem>>) semaphore(%arg17 : memref<!tpu.dma_semaphore, #tpu.memory_space<semaphore_mem>>)
    %dma_wait3A_78 = arith.constant 256 : i32
    %dma_wait3A_79 = tpu.memref_slice %arg9[%dma_wait3A_78] : memref<512xi32, #tpu.memory_space<vmem>> -> memref<128xi32, #tpu.memory_space<vmem>>
    %dma_wait3A_80 = arith.constant 0 : i32
    %dma_wait3A_81 = arith.constant 0 : i32
    %dma_wait3A_82 = tpu.memref_slice %arg4[%dma_wait3A_80, %dma_wait3A_81] : memref<250000x128xf32, #tpu.memory_space<hbm>> -> memref<250000x128xf32, #tpu.memory_space<hbm>>
    tpu.wait_indirect_dma semaphore(%arg16 : memref<!tpu.dma_semaphore, #tpu.memory_space<semaphore_mem>>) src(%dma_wait3A_82 : memref<250000x128xf32, #tpu.memory_space<hbm>>) dst(%arg11 : memref<128x128xf32, #tpu.memory_space<vmem>>)
    %dma_wait3A_83 = arith.constant 256 : i32
    %dma_wait3A_84 = tpu.memref_slice %arg10[%dma_wait3A_83] : memref<512xi32, #tpu.memory_space<vmem>> -> memref<128xi32, #tpu.memory_space<vmem>>
    %dma_wait3A_85 = arith.constant 0 : i32
    %dma_wait3A_86 = arith.constant 0 : i32
    %dma_wait3A_87 = tpu.memref_slice %arg5[%dma_wait3A_85, %dma_wait3A_86] : memref<250000x128xf32, #tpu.memory_space<hbm>> -> memref<250000x128xf32, #tpu.memory_space<hbm>>
    tpu.wait_indirect_dma semaphore(%arg17 : memref<!tpu.dma_semaphore, #tpu.memory_space<semaphore_mem>>) src(%dma_wait3A_87 : memref<250000x128xf32, #tpu.memory_space<hbm>>) dst(%arg13 : memref<128x128xf32, #tpu.memory_space<vmem>>)
    %scan3A_88 = arith.constant 0 : i32
    %scan3A_89 = arith.constant 0 : i32
    %scan3A_90 = arith.constant 8 : i32
    %scan3A_91 = arith.addi %scan3A_89, %scan3A_90 : i32
    %scan3A_92 = arith.constant 1 : i32
    scf.for %scan3A_110 = %scan3A_89 to %scan3A_91 step %scan3A_92  : i32 {
      %mul3A_111 = arith.constant 16 : i32
      %mul3A_112 = arith.muli %scan3A_110, %mul3A_111 : i32
      %iota3A = tpu.iota {dimensions = array<i32: 0>} : vector<16xi32>
      %add3A_113 = vector.broadcast %mul3A_112 : i32 to vector<16xi32>
      %add3A_114 = arith.addi %add3A_113, %iota3A : vector<16xi32>
      %mul3A_115 = arith.constant 16 : i32
      %mul3A_116 = arith.muli %scan3A_110, %mul3A_115 : i32
      %add3A_117 = arith.constant 256 : i32
      %add3A_118 = arith.addi %add3A_117, %mul3A_116 : i32
      %get3A = arith.index_cast %add3A_118 : i32 to index
      %get3A_119 = tpu.vector_load %arg7[%get3A] {strides = array<i32>} : memref<512xi32, #tpu.memory_space<vmem>>, vector<16xi32>,
      %and3A = arith.constant 3 : i32
      %and3A_120 = vector.broadcast %and3A : i32 to vector<16xi32>
      %and3A_121 = arith.andi %get3A_119, %and3A_120 : vector<16xi32>
      %shift_left3A = arith.constant 5 : i32
      %shift_left3A_122 = vector.broadcast %shift_left3A : i32 to vector<16xi32>
      %shift_left3A_123 = arith.shli %and3A_121, %shift_left3A_122 : vector<16xi32>
      %get3A_124 = arith.index_cast %add3A_118 : i32 to index
      %get3A_125 = tpu.vector_load %arg8[%get3A_124] {strides = array<i32>} : memref<512xi32, #tpu.memory_space<vmem>>, vector<16xi32>,
      %and3A_126 = arith.constant 3 : i32
      %and3A_127 = vector.broadcast %and3A_126 : i32 to vector<16xi32>
      %and3A_128 = arith.andi %get3A_125, %and3A_127 : vector<16xi32>
      %shift_left3A_129 = arith.constant 5 : i32
      %shift_left3A_130 = vector.broadcast %shift_left3A_129 : i32 to vector<16xi32>
      %shift_left3A_131 = arith.shli %and3A_128, %shift_left3A_130 : vector<16xi32>
      %broadcast_in_dim3A = arith.constant 0.000000e+00 : f32
      %broadcast_in_dim3A_132 = vector.broadcast %broadcast_in_dim3A : f32 to vector<16xf32>
      %add3A_133 = arith.constant 0 : i32
      %add3A_134 = vector.broadcast %add3A_133 : i32 to vector<16xi32>
      %add3A_135 = arith.addi %shift_left3A_123, %add3A_134 : vector<16xi32>
      %gather3A = tpu.vector_load_idx %arg11[%add3A_114, %add3A_135] : memref<128x128xf32, #tpu.memory_space<vmem>>[vector<16xi32>, vector<16xi32>], vector<16xf32>,
      %add3A_136 = arith.constant 0 : i32
      %add3A_137 = vector.broadcast %add3A_136 : i32 to vector<16xi32>
      %add3A_138 = arith.addi %shift_left3A_131, %add3A_137 : vector<16xi32>
      %gather3A_139 = tpu.vector_load_idx %arg13[%add3A_114, %add3A_138] : memref<128x128xf32, #tpu.memory_space<vmem>>[vector<16xi32>, vector<16xi32>], vector<16xf32>,
      %mul3A_140 = arith.mulf %gather3A, %gather3A_139 : vector<16xf32>
      %add3A_141 = arith.addf %broadcast_in_dim3A_132, %mul3A_140 : vector<16xf32>
      %add3A_142 = arith.constant 1 : i32
      %add3A_143 = vector.broadcast %add3A_142 : i32 to vector<16xi32>
      %add3A_144 = arith.addi %shift_left3A_123, %add3A_143 : vector<16xi32>
      %gather3A_145 = tpu.vector_load_idx %arg11[%add3A_114, %add3A_144] : memref<128x128xf32, #tpu.memory_space<vmem>>[vector<16xi32>, vector<16xi32>], vector<16xf32>,
      %add3A_146 = arith.constant 1 : i32
      %add3A_147 = vector.broadcast %add3A_146 : i32 to vector<16xi32>
      %add3A_148 = arith.addi %shift_left3A_131, %add3A_147 : vector<16xi32>
      %gather3A_149 = tpu.vector_load_idx %arg13[%add3A_114, %add3A_148] : memref<128x128xf32, #tpu.memory_space<vmem>>[vector<16xi32>, vector<16xi32>], vector<16xf32>,
      %mul3A_150 = arith.mulf %gather3A_145, %gather3A_149 : vector<16xf32>
      %add3A_151 = arith.addf %add3A_141, %mul3A_150 : vector<16xf32>
      %add3A_152 = arith.constant 2 : i32
      %add3A_153 = vector.broadcast %add3A_152 : i32 to vector<16xi32>
      %add3A_154 = arith.addi %shift_left3A_123, %add3A_153 : vector<16xi32>
      %gather3A_155 = tpu.vector_load_idx %arg11[%add3A_114, %add3A_154] : memref<128x128xf32, #tpu.memory_space<vmem>>[vector<16xi32>, vector<16xi32>], vector<16xf32>,
      %add3A_156 = arith.constant 2 : i32
      %add3A_157 = vector.broadcast %add3A_156 : i32 to vector<16xi32>
      %add3A_158 = arith.addi %shift_left3A_131, %add3A_157 : vector<16xi32>
      %gather3A_159 = tpu.vector_load_idx %arg13[%add3A_114, %add3A_158] : memref<128x128xf32, #tpu.memory_space<vmem>>[vector<16xi32>, vector<16xi32>], vector<16xf32>,
      %mul3A_160 = arith.mulf %gather3A_155, %gather3A_159 : vector<16xf32>
      %add3A_161 = arith.addf %add3A_151, %mul3A_160 : vector<16xf32>
      %add3A_162 = arith.constant 3 : i32
      %add3A_163 = vector.broadcast %add3A_162 : i32 to vector<16xi32>
      %add3A_164 = arith.addi %shift_left3A_123, %add3A_163 : vector<16xi32>
      %gather3A_165 = tpu.vector_load_idx %arg11[%add3A_114, %add3A_164] : memref<128x128xf32, #tpu.memory_space<vmem>>[vector<16xi32>, vector<16xi32>], vector<16xf32>,
      %add3A_166 = arith.constant 3 : i32
      %add3A_167 = vector.broadcast %add3A_166 : i32 to vector<16xi32>
      %add3A_168 = arith.addi %shift_left3A_131, %add3A_167 : vector<16xi32>
      %gather3A_169 = tpu.vector_load_idx %arg13[%add3A_114, %add3A_168] : memref<128x128xf32, #tpu.memory_space<vmem>>[vector<16xi32>, vector<16xi32>], vector<16xf32>,
      %mul3A_170 = arith.mulf %gather3A_165, %gather3A_169 : vector<16xf32>
      %add3A_171 = arith.addf %add3A_161, %mul3A_170 : vector<16xf32>
      %add3A_172 = arith.constant 4 : i32
      %add3A_173 = vector.broadcast %add3A_172 : i32 to vector<16xi32>
      %add3A_174 = arith.addi %shift_left3A_123, %add3A_173 : vector<16xi32>
      %gather3A_175 = tpu.vector_load_idx %arg11[%add3A_114, %add3A_174] : memref<128x128xf32, #tpu.memory_space<vmem>>[vector<16xi32>, vector<16xi32>], vector<16xf32>,
      %add3A_176 = arith.constant 4 : i32
      %add3A_177 = vector.broadcast %add3A_176 : i32 to vector<16xi32>
      %add3A_178 = arith.addi %shift_left3A_131, %add3A_177 : vector<16xi32>
      %gather3A_179 = tpu.vector_load_idx %arg13[%add3A_114, %add3A_178] : memref<128x128xf32, #tpu.memory_space<vmem>>[vector<16xi32>, vector<16xi32>], vector<16xf32>,
      %mul3A_180 = arith.mulf %gather3A_175, %gather3A_179 : vector<16xf32>
      %add3A_181 = arith.addf %add3A_171, %mul3A_180 : vector<16xf32>
      %add3A_182 = arith.constant 5 : i32
      %add3A_183 = vector.broadcast %add3A_182 : i32 to vector<16xi32>
      %add3A_184 = arith.addi %shift_left3A_123, %add3A_183 : vector<16xi32>
      %gather3A_185 = tpu.vector_load_idx %arg11[%add3A_114, %add3A_184] : memref<128x128xf32, #tpu.memory_space<vmem>>[vector<16xi32>, vector<16xi32>], vector<16xf32>,
      %add3A_186 = arith.constant 5 : i32
      %add3A_187 = vector.broadcast %add3A_186 : i32 to vector<16xi32>
      %add3A_188 = arith.addi %shift_left3A_131, %add3A_187 : vector<16xi32>
      %gather3A_189 = tpu.vector_load_idx %arg13[%add3A_114, %add3A_188] : memref<128x128xf32, #tpu.memory_space<vmem>>[vector<16xi32>, vector<16xi32>], vector<16xf32>,
      %mul3A_190 = arith.mulf %gather3A_185, %gather3A_189 : vector<16xf32>
      %add3A_191 = arith.addf %add3A_181, %mul3A_190 : vector<16xf32>
      %add3A_192 = arith.constant 6 : i32
      %add3A_193 = vector.broadcast %add3A_192 : i32 to vector<16xi32>
      %add3A_194 = arith.addi %shift_left3A_123, %add3A_193 : vector<16xi32>
      %gather3A_195 = tpu.vector_load_idx %arg11[%add3A_114, %add3A_194] : memref<128x128xf32, #tpu.memory_space<vmem>>[vector<16xi32>, vector<16xi32>], vector<16xf32>,
      %add3A_196 = arith.constant 6 : i32
      %add3A_197 = vector.broadcast %add3A_196 : i32 to vector<16xi32>
      %add3A_198 = arith.addi %shift_left3A_131, %add3A_197 : vector<16xi32>
      %gather3A_199 = tpu.vector_load_idx %arg13[%add3A_114, %add3A_198] : memref<128x128xf32, #tpu.memory_space<vmem>>[vector<16xi32>, vector<16xi32>], vector<16xf32>,
      %mul3A_200 = arith.mulf %gather3A_195, %gather3A_199 : vector<16xf32>
      %add3A_201 = arith.addf %add3A_191, %mul3A_200 : vector<16xf32>
      %add3A_202 = arith.constant 7 : i32
      %add3A_203 = vector.broadcast %add3A_202 : i32 to vector<16xi32>
      %add3A_204 = arith.addi %shift_left3A_123, %add3A_203 : vector<16xi32>
      %gather3A_205 = tpu.vector_load_idx %arg11[%add3A_114, %add3A_204] : memref<128x128xf32, #tpu.memory_space<vmem>>[vector<16xi32>, vector<16xi32>], vector<16xf32>,
      %add3A_206 = arith.constant 7 : i32
      %add3A_207 = vector.broadcast %add3A_206 : i32 to vector<16xi32>
      %add3A_208 = arith.addi %shift_left3A_131, %add3A_207 : vector<16xi32>
      %gather3A_209 = tpu.vector_load_idx %arg13[%add3A_114, %add3A_208] : memref<128x128xf32, #tpu.memory_space<vmem>>[vector<16xi32>, vector<16xi32>], vector<16xf32>,
      %mul3A_210 = arith.mulf %gather3A_205, %gather3A_209 : vector<16xf32>
      %add3A_211 = arith.addf %add3A_201, %mul3A_210 : vector<16xf32>
      %add3A_212 = arith.constant 8 : i32
      %add3A_213 = vector.broadcast %add3A_212 : i32 to vector<16xi32>
      %add3A_214 = arith.addi %shift_left3A_123, %add3A_213 : vector<16xi32>
      %gather3A_215 = tpu.vector_load_idx %arg11[%add3A_114, %add3A_214] : memref<128x128xf32, #tpu.memory_space<vmem>>[vector<16xi32>, vector<16xi32>], vector<16xf32>,
      %add3A_216 = arith.constant 8 : i32
      %add3A_217 = vector.broadcast %add3A_216 : i32 to vector<16xi32>
      %add3A_218 = arith.addi %shift_left3A_131, %add3A_217 : vector<16xi32>
      %gather3A_219 = tpu.vector_load_idx %arg13[%add3A_114, %add3A_218] : memref<128x128xf32, #tpu.memory_space<vmem>>[vector<16xi32>, vector<16xi32>], vector<16xf32>,
      %mul3A_220 = arith.mulf %gather3A_215, %gather3A_219 : vector<16xf32>
      %add3A_221 = arith.addf %add3A_211, %mul3A_220 : vector<16xf32>
      %add3A_222 = arith.constant 9 : i32
      %add3A_223 = vector.broadcast %add3A_222 : i32 to vector<16xi32>
      %add3A_224 = arith.addi %shift_left3A_123, %add3A_223 : vector<16xi32>
      %gather3A_225 = tpu.vector_load_idx %arg11[%add3A_114, %add3A_224] : memref<128x128xf32, #tpu.memory_space<vmem>>[vector<16xi32>, vector<16xi32>], vector<16xf32>,
      %add3A_226 = arith.constant 9 : i32
      %add3A_227 = vector.broadcast %add3A_226 : i32 to vector<16xi32>
      %add3A_228 = arith.addi %shift_left3A_131, %add3A_227 : vector<16xi32>
      %gather3A_229 = tpu.vector_load_idx %arg13[%add3A_114, %add3A_228] : memref<128x128xf32, #tpu.memory_space<vmem>>[vector<16xi32>, vector<16xi32>], vector<16xf32>,
      %mul3A_230 = arith.mulf %gather3A_225, %gather3A_229 : vector<16xf32>
      %add3A_231 = arith.addf %add3A_221, %mul3A_230 : vector<16xf32>
      %add3A_232 = arith.constant 10 : i32
      %add3A_233 = vector.broadcast %add3A_232 : i32 to vector<16xi32>
      %add3A_234 = arith.addi %shift_left3A_123, %add3A_233 : vector<16xi32>
      %gather3A_235 = tpu.vector_load_idx %arg11[%add3A_114, %add3A_234] : memref<128x128xf32, #tpu.memory_space<vmem>>[vector<16xi32>, vector<16xi32>], vector<16xf32>,
      %add3A_236 = arith.constant 10 : i32
      %add3A_237 = vector.broadcast %add3A_236 : i32 to vector<16xi32>
      %add3A_238 = arith.addi %shift_left3A_131, %add3A_237 : vector<16xi32>
      %gather3A_239 = tpu.vector_load_idx %arg13[%add3A_114, %add3A_238] : memref<128x128xf32, #tpu.memory_space<vmem>>[vector<16xi32>, vector<16xi32>], vector<16xf32>,
      %mul3A_240 = arith.mulf %gather3A_235, %gather3A_239 : vector<16xf32>
      %add3A_241 = arith.addf %add3A_231, %mul3A_240 : vector<16xf32>
      %add3A_242 = arith.constant 11 : i32
      %add3A_243 = vector.broadcast %add3A_242 : i32 to vector<16xi32>
      %add3A_244 = arith.addi %shift_left3A_123, %add3A_243 : vector<16xi32>
      %gather3A_245 = tpu.vector_load_idx %arg11[%add3A_114, %add3A_244] : memref<128x128xf32, #tpu.memory_space<vmem>>[vector<16xi32>, vector<16xi32>], vector<16xf32>,
      %add3A_246 = arith.constant 11 : i32
      %add3A_247 = vector.broadcast %add3A_246 : i32 to vector<16xi32>
      %add3A_248 = arith.addi %shift_left3A_131, %add3A_247 : vector<16xi32>
      %gather3A_249 = tpu.vector_load_idx %arg13[%add3A_114, %add3A_248] : memref<128x128xf32, #tpu.memory_space<vmem>>[vector<16xi32>, vector<16xi32>], vector<16xf32>,
      %mul3A_250 = arith.mulf %gather3A_245, %gather3A_249 : vector<16xf32>
      %add3A_251 = arith.addf %add3A_241, %mul3A_250 : vector<16xf32>
      %add3A_252 = arith.constant 12 : i32
      %add3A_253 = vector.broadcast %add3A_252 : i32 to vector<16xi32>
      %add3A_254 = arith.addi %shift_left3A_123, %add3A_253 : vector<16xi32>
      %gather3A_255 = tpu.vector_load_idx %arg11[%add3A_114, %add3A_254] : memref<128x128xf32, #tpu.memory_space<vmem>>[vector<16xi32>, vector<16xi32>], vector<16xf32>,
      %add3A_256 = arith.constant 12 : i32
      %add3A_257 = vector.broadcast %add3A_256 : i32 to vector<16xi32>
      %add3A_258 = arith.addi %shift_left3A_131, %add3A_257 : vector<16xi32>
      %gather3A_259 = tpu.vector_load_idx %arg13[%add3A_114, %add3A_258] : memref<128x128xf32, #tpu.memory_space<vmem>>[vector<16xi32>, vector<16xi32>], vector<16xf32>,
      %mul3A_260 = arith.mulf %gather3A_255, %gather3A_259 : vector<16xf32>
      %add3A_261 = arith.addf %add3A_251, %mul3A_260 : vector<16xf32>
      %add3A_262 = arith.constant 13 : i32
      %add3A_263 = vector.broadcast %add3A_262 : i32 to vector<16xi32>
      %add3A_264 = arith.addi %shift_left3A_123, %add3A_263 : vector<16xi32>
      %gather3A_265 = tpu.vector_load_idx %arg11[%add3A_114, %add3A_264] : memref<128x128xf32, #tpu.memory_space<vmem>>[vector<16xi32>, vector<16xi32>], vector<16xf32>,
      %add3A_266 = arith.constant 13 : i32
      %add3A_267 = vector.broadcast %add3A_266 : i32 to vector<16xi32>
      %add3A_268 = arith.addi %shift_left3A_131, %add3A_267 : vector<16xi32>
      %gather3A_269 = tpu.vector_load_idx %arg13[%add3A_114, %add3A_268] : memref<128x128xf32, #tpu.memory_space<vmem>>[vector<16xi32>, vector<16xi32>], vector<16xf32>,
      %mul3A_270 = arith.mulf %gather3A_265, %gather3A_269 : vector<16xf32>
      %add3A_271 = arith.addf %add3A_261, %mul3A_270 : vector<16xf32>
      %add3A_272 = arith.constant 14 : i32
      %add3A_273 = vector.broadcast %add3A_272 : i32 to vector<16xi32>
      %add3A_274 = arith.addi %shift_left3A_123, %add3A_273 : vector<16xi32>
      %gather3A_275 = tpu.vector_load_idx %arg11[%add3A_114, %add3A_274] : memref<128x128xf32, #tpu.memory_space<vmem>>[vector<16xi32>, vector<16xi32>], vector<16xf32>,
      %add3A_276 = arith.constant 14 : i32
      %add3A_277 = vector.broadcast %add3A_276 : i32 to vector<16xi32>
      %add3A_278 = arith.addi %shift_left3A_131, %add3A_277 : vector<16xi32>
      %gather3A_279 = tpu.vector_load_idx %arg13[%add3A_114, %add3A_278] : memref<128x128xf32, #tpu.memory_space<vmem>>[vector<16xi32>, vector<16xi32>], vector<16xf32>,
      %mul3A_280 = arith.mulf %gather3A_275, %gather3A_279 : vector<16xf32>
      %add3A_281 = arith.addf %add3A_271, %mul3A_280 : vector<16xf32>
      %add3A_282 = arith.constant 15 : i32
      %add3A_283 = vector.broadcast %add3A_282 : i32 to vector<16xi32>
      %add3A_284 = arith.addi %shift_left3A_123, %add3A_283 : vector<16xi32>
      %gather3A_285 = tpu.vector_load_idx %arg11[%add3A_114, %add3A_284] : memref<128x128xf32, #tpu.memory_space<vmem>>[vector<16xi32>, vector<16xi32>], vector<16xf32>,
      %add3A_286 = arith.constant 15 : i32
      %add3A_287 = vector.broadcast %add3A_286 : i32 to vector<16xi32>
      %add3A_288 = arith.addi %shift_left3A_131, %add3A_287 : vector<16xi32>
      %gather3A_289 = tpu.vector_load_idx %arg13[%add3A_114, %add3A_288] : memref<128x128xf32, #tpu.memory_space<vmem>>[vector<16xi32>, vector<16xi32>], vector<16xf32>,
      %mul3A_290 = arith.mulf %gather3A_285, %gather3A_289 : vector<16xf32>
      %add3A_291 = arith.addf %add3A_281, %mul3A_290 : vector<16xf32>
      %add3A_292 = arith.constant 16 : i32
      %add3A_293 = vector.broadcast %add3A_292 : i32 to vector<16xi32>
      %add3A_294 = arith.addi %shift_left3A_123, %add3A_293 : vector<16xi32>
      %gather3A_295 = tpu.vector_load_idx %arg11[%add3A_114, %add3A_294] : memref<128x128xf32, #tpu.memory_space<vmem>>[vector<16xi32>, vector<16xi32>], vector<16xf32>,
      %add3A_296 = arith.constant 16 : i32
      %add3A_297 = vector.broadcast %add3A_296 : i32 to vector<16xi32>
      %add3A_298 = arith.addi %shift_left3A_131, %add3A_297 : vector<16xi32>
      %gather3A_299 = tpu.vector_load_idx %arg13[%add3A_114, %add3A_298] : memref<128x128xf32, #tpu.memory_space<vmem>>[vector<16xi32>, vector<16xi32>], vector<16xf32>,
      %mul3A_300 = arith.mulf %gather3A_295, %gather3A_299 : vector<16xf32>
      %add3A_301 = arith.addf %add3A_291, %mul3A_300 : vector<16xf32>
      %add3A_302 = arith.constant 17 : i32
      %add3A_303 = vector.broadcast %add3A_302 : i32 to vector<16xi32>
      %add3A_304 = arith.addi %shift_left3A_123, %add3A_303 : vector<16xi32>
      %gather3A_305 = tpu.vector_load_idx %arg11[%add3A_114, %add3A_304] : memref<128x128xf32, #tpu.memory_space<vmem>>[vector<16xi32>, vector<16xi32>], vector<16xf32>,
      %add3A_306 = arith.constant 17 : i32
      %add3A_307 = vector.broadcast %add3A_306 : i32 to vector<16xi32>
      %add3A_308 = arith.addi %shift_left3A_131, %add3A_307 : vector<16xi32>
      %gather3A_309 = tpu.vector_load_idx %arg13[%add3A_114, %add3A_308] : memref<128x128xf32, #tpu.memory_space<vmem>>[vector<16xi32>, vector<16xi32>], vector<16xf32>,
      %mul3A_310 = arith.mulf %gather3A_305, %gather3A_309 : vector<16xf32>
      %add3A_311 = arith.addf %add3A_301, %mul3A_310 : vector<16xf32>
      %add3A_312 = arith.constant 18 : i32
      %add3A_313 = vector.broadcast %add3A_312 : i32 to vector<16xi32>
      %add3A_314 = arith.addi %shift_left3A_123, %add3A_313 : vector<16xi32>
      %gather3A_315 = tpu.vector_load_idx %arg11[%add3A_114, %add3A_314] : memref<128x128xf32, #tpu.memory_space<vmem>>[vector<16xi32>, vector<16xi32>], vector<16xf32>,
      %add3A_316 = arith.constant 18 : i32
      %add3A_317 = vector.broadcast %add3A_316 : i32 to vector<16xi32>
      %add3A_318 = arith.addi %shift_left3A_131, %add3A_317 : vector<16xi32>
      %gather3A_319 = tpu.vector_load_idx %arg13[%add3A_114, %add3A_318] : memref<128x128xf32, #tpu.memory_space<vmem>>[vector<16xi32>, vector<16xi32>], vector<16xf32>,
      %mul3A_320 = arith.mulf %gather3A_315, %gather3A_319 : vector<16xf32>
      %add3A_321 = arith.addf %add3A_311, %mul3A_320 : vector<16xf32>
      %add3A_322 = arith.constant 19 : i32
      %add3A_323 = vector.broadcast %add3A_322 : i32 to vector<16xi32>
      %add3A_324 = arith.addi %shift_left3A_123, %add3A_323 : vector<16xi32>
      %gather3A_325 = tpu.vector_load_idx %arg11[%add3A_114, %add3A_324] : memref<128x128xf32, #tpu.memory_space<vmem>>[vector<16xi32>, vector<16xi32>], vector<16xf32>,
      %add3A_326 = arith.constant 19 : i32
      %add3A_327 = vector.broadcast %add3A_326 : i32 to vector<16xi32>
      %add3A_328 = arith.addi %shift_left3A_131, %add3A_327 : vector<16xi32>
      %gather3A_329 = tpu.vector_load_idx %arg13[%add3A_114, %add3A_328] : memref<128x128xf32, #tpu.memory_space<vmem>>[vector<16xi32>, vector<16xi32>], vector<16xf32>,
      %mul3A_330 = arith.mulf %gather3A_325, %gather3A_329 : vector<16xf32>
      %add3A_331 = arith.addf %add3A_321, %mul3A_330 : vector<16xf32>
      %add3A_332 = arith.constant 20 : i32
      %add3A_333 = vector.broadcast %add3A_332 : i32 to vector<16xi32>
      %add3A_334 = arith.addi %shift_left3A_123, %add3A_333 : vector<16xi32>
      %gather3A_335 = tpu.vector_load_idx %arg11[%add3A_114, %add3A_334] : memref<128x128xf32, #tpu.memory_space<vmem>>[vector<16xi32>, vector<16xi32>], vector<16xf32>,
      %add3A_336 = arith.constant 20 : i32
      %add3A_337 = vector.broadcast %add3A_336 : i32 to vector<16xi32>
      %add3A_338 = arith.addi %shift_left3A_131, %add3A_337 : vector<16xi32>
      %gather3A_339 = tpu.vector_load_idx %arg13[%add3A_114, %add3A_338] : memref<128x128xf32, #tpu.memory_space<vmem>>[vector<16xi32>, vector<16xi32>], vector<16xf32>,
      %mul3A_340 = arith.mulf %gather3A_335, %gather3A_339 : vector<16xf32>
      %add3A_341 = arith.addf %add3A_331, %mul3A_340 : vector<16xf32>
      %add3A_342 = arith.constant 21 : i32
      %add3A_343 = vector.broadcast %add3A_342 : i32 to vector<16xi32>
      %add3A_344 = arith.addi %shift_left3A_123, %add3A_343 : vector<16xi32>
      %gather3A_345 = tpu.vector_load_idx %arg11[%add3A_114, %add3A_344] : memref<128x128xf32, #tpu.memory_space<vmem>>[vector<16xi32>, vector<16xi32>], vector<16xf32>,
      %add3A_346 = arith.constant 21 : i32
      %add3A_347 = vector.broadcast %add3A_346 : i32 to vector<16xi32>
      %add3A_348 = arith.addi %shift_left3A_131, %add3A_347 : vector<16xi32>
      %gather3A_349 = tpu.vector_load_idx %arg13[%add3A_114, %add3A_348] : memref<128x128xf32, #tpu.memory_space<vmem>>[vector<16xi32>, vector<16xi32>], vector<16xf32>,
      %mul3A_350 = arith.mulf %gather3A_345, %gather3A_349 : vector<16xf32>
      %add3A_351 = arith.addf %add3A_341, %mul3A_350 : vector<16xf32>
      %add3A_352 = arith.constant 22 : i32
      %add3A_353 = vector.broadcast %add3A_352 : i32 to vector<16xi32>
      %add3A_354 = arith.addi %shift_left3A_123, %add3A_353 : vector<16xi32>
      %gather3A_355 = tpu.vector_load_idx %arg11[%add3A_114, %add3A_354] : memref<128x128xf32, #tpu.memory_space<vmem>>[vector<16xi32>, vector<16xi32>], vector<16xf32>,
      %add3A_356 = arith.constant 22 : i32
      %add3A_357 = vector.broadcast %add3A_356 : i32 to vector<16xi32>
      %add3A_358 = arith.addi %shift_left3A_131, %add3A_357 : vector<16xi32>
      %gather3A_359 = tpu.vector_load_idx %arg13[%add3A_114, %add3A_358] : memref<128x128xf32, #tpu.memory_space<vmem>>[vector<16xi32>, vector<16xi32>], vector<16xf32>,
      %mul3A_360 = arith.mulf %gather3A_355, %gather3A_359 : vector<16xf32>
      %add3A_361 = arith.addf %add3A_351, %mul3A_360 : vector<16xf32>
      %add3A_362 = arith.constant 23 : i32
      %add3A_363 = vector.broadcast %add3A_362 : i32 to vector<16xi32>
      %add3A_364 = arith.addi %shift_left3A_123, %add3A_363 : vector<16xi32>
      %gather3A_365 = tpu.vector_load_idx %arg11[%add3A_114, %add3A_364] : memref<128x128xf32, #tpu.memory_space<vmem>>[vector<16xi32>, vector<16xi32>], vector<16xf32>,
      %add3A_366 = arith.constant 23 : i32
      %add3A_367 = vector.broadcast %add3A_366 : i32 to vector<16xi32>
      %add3A_368 = arith.addi %shift_left3A_131, %add3A_367 : vector<16xi32>
      %gather3A_369 = tpu.vector_load_idx %arg13[%add3A_114, %add3A_368] : memref<128x128xf32, #tpu.memory_space<vmem>>[vector<16xi32>, vector<16xi32>], vector<16xf32>,
      %mul3A_370 = arith.mulf %gather3A_365, %gather3A_369 : vector<16xf32>
      %add3A_371 = arith.addf %add3A_361, %mul3A_370 : vector<16xf32>
      %add3A_372 = arith.constant 24 : i32
      %add3A_373 = vector.broadcast %add3A_372 : i32 to vector<16xi32>
      %add3A_374 = arith.addi %shift_left3A_123, %add3A_373 : vector<16xi32>
      %gather3A_375 = tpu.vector_load_idx %arg11[%add3A_114, %add3A_374] : memref<128x128xf32, #tpu.memory_space<vmem>>[vector<16xi32>, vector<16xi32>], vector<16xf32>,
      %add3A_376 = arith.constant 24 : i32
      %add3A_377 = vector.broadcast %add3A_376 : i32 to vector<16xi32>
      %add3A_378 = arith.addi %shift_left3A_131, %add3A_377 : vector<16xi32>
      %gather3A_379 = tpu.vector_load_idx %arg13[%add3A_114, %add3A_378] : memref<128x128xf32, #tpu.memory_space<vmem>>[vector<16xi32>, vector<16xi32>], vector<16xf32>,
      %mul3A_380 = arith.mulf %gather3A_375, %gather3A_379 : vector<16xf32>
      %add3A_381 = arith.addf %add3A_371, %mul3A_380 : vector<16xf32>
      %add3A_382 = arith.constant 25 : i32
      %add3A_383 = vector.broadcast %add3A_382 : i32 to vector<16xi32>
      %add3A_384 = arith.addi %shift_left3A_123, %add3A_383 : vector<16xi32>
      %gather3A_385 = tpu.vector_load_idx %arg11[%add3A_114, %add3A_384] : memref<128x128xf32, #tpu.memory_space<vmem>>[vector<16xi32>, vector<16xi32>], vector<16xf32>,
      %add3A_386 = arith.constant 25 : i32
      %add3A_387 = vector.broadcast %add3A_386 : i32 to vector<16xi32>
      %add3A_388 = arith.addi %shift_left3A_131, %add3A_387 : vector<16xi32>
      %gather3A_389 = tpu.vector_load_idx %arg13[%add3A_114, %add3A_388] : memref<128x128xf32, #tpu.memory_space<vmem>>[vector<16xi32>, vector<16xi32>], vector<16xf32>,
      %mul3A_390 = arith.mulf %gather3A_385, %gather3A_389 : vector<16xf32>
      %add3A_391 = arith.addf %add3A_381, %mul3A_390 : vector<16xf32>
      %add3A_392 = arith.constant 26 : i32
      %add3A_393 = vector.broadcast %add3A_392 : i32 to vector<16xi32>
      %add3A_394 = arith.addi %shift_left3A_123, %add3A_393 : vector<16xi32>
      %gather3A_395 = tpu.vector_load_idx %arg11[%add3A_114, %add3A_394] : memref<128x128xf32, #tpu.memory_space<vmem>>[vector<16xi32>, vector<16xi32>], vector<16xf32>,
      %add3A_396 = arith.constant 26 : i32
      %add3A_397 = vector.broadcast %add3A_396 : i32 to vector<16xi32>
      %add3A_398 = arith.addi %shift_left3A_131, %add3A_397 : vector<16xi32>
      %gather3A_399 = tpu.vector_load_idx %arg13[%add3A_114, %add3A_398] : memref<128x128xf32, #tpu.memory_space<vmem>>[vector<16xi32>, vector<16xi32>], vector<16xf32>,
      %mul3A_400 = arith.mulf %gather3A_395, %gather3A_399 : vector<16xf32>
      %add3A_401 = arith.addf %add3A_391, %mul3A_400 : vector<16xf32>
      %add3A_402 = arith.constant 27 : i32
      %add3A_403 = vector.broadcast %add3A_402 : i32 to vector<16xi32>
      %add3A_404 = arith.addi %shift_left3A_123, %add3A_403 : vector<16xi32>
      %gather3A_405 = tpu.vector_load_idx %arg11[%add3A_114, %add3A_404] : memref<128x128xf32, #tpu.memory_space<vmem>>[vector<16xi32>, vector<16xi32>], vector<16xf32>,
      %add3A_406 = arith.constant 27 : i32
      %add3A_407 = vector.broadcast %add3A_406 : i32 to vector<16xi32>
      %add3A_408 = arith.addi %shift_left3A_131, %add3A_407 : vector<16xi32>
      %gather3A_409 = tpu.vector_load_idx %arg13[%add3A_114, %add3A_408] : memref<128x128xf32, #tpu.memory_space<vmem>>[vector<16xi32>, vector<16xi32>], vector<16xf32>,
      %mul3A_410 = arith.mulf %gather3A_405, %gather3A_409 : vector<16xf32>
      %add3A_411 = arith.addf %add3A_401, %mul3A_410 : vector<16xf32>
      %add3A_412 = arith.constant 28 : i32
      %add3A_413 = vector.broadcast %add3A_412 : i32 to vector<16xi32>
      %add3A_414 = arith.addi %shift_left3A_123, %add3A_413 : vector<16xi32>
      %gather3A_415 = tpu.vector_load_idx %arg11[%add3A_114, %add3A_414] : memref<128x128xf32, #tpu.memory_space<vmem>>[vector<16xi32>, vector<16xi32>], vector<16xf32>,
      %add3A_416 = arith.constant 28 : i32
      %add3A_417 = vector.broadcast %add3A_416 : i32 to vector<16xi32>
      %add3A_418 = arith.addi %shift_left3A_131, %add3A_417 : vector<16xi32>
      %gather3A_419 = tpu.vector_load_idx %arg13[%add3A_114, %add3A_418] : memref<128x128xf32, #tpu.memory_space<vmem>>[vector<16xi32>, vector<16xi32>], vector<16xf32>,
      %mul3A_420 = arith.mulf %gather3A_415, %gather3A_419 : vector<16xf32>
      %add3A_421 = arith.addf %add3A_411, %mul3A_420 : vector<16xf32>
      %add3A_422 = arith.constant 29 : i32
      %add3A_423 = vector.broadcast %add3A_422 : i32 to vector<16xi32>
      %add3A_424 = arith.addi %shift_left3A_123, %add3A_423 : vector<16xi32>
      %gather3A_425 = tpu.vector_load_idx %arg11[%add3A_114, %add3A_424] : memref<128x128xf32, #tpu.memory_space<vmem>>[vector<16xi32>, vector<16xi32>], vector<16xf32>,
      %add3A_426 = arith.constant 29 : i32
      %add3A_427 = vector.broadcast %add3A_426 : i32 to vector<16xi32>
      %add3A_428 = arith.addi %shift_left3A_131, %add3A_427 : vector<16xi32>
      %gather3A_429 = tpu.vector_load_idx %arg13[%add3A_114, %add3A_428] : memref<128x128xf32, #tpu.memory_space<vmem>>[vector<16xi32>, vector<16xi32>], vector<16xf32>,
      %mul3A_430 = arith.mulf %gather3A_425, %gather3A_429 : vector<16xf32>
      %add3A_431 = arith.addf %add3A_421, %mul3A_430 : vector<16xf32>
      %add3A_432 = arith.constant 30 : i32
      %add3A_433 = vector.broadcast %add3A_432 : i32 to vector<16xi32>
      %add3A_434 = arith.addi %shift_left3A_123, %add3A_433 : vector<16xi32>
      %gather3A_435 = tpu.vector_load_idx %arg11[%add3A_114, %add3A_434] : memref<128x128xf32, #tpu.memory_space<vmem>>[vector<16xi32>, vector<16xi32>], vector<16xf32>,
      %add3A_436 = arith.constant 30 : i32
      %add3A_437 = vector.broadcast %add3A_436 : i32 to vector<16xi32>
      %add3A_438 = arith.addi %shift_left3A_131, %add3A_437 : vector<16xi32>
      %gather3A_439 = tpu.vector_load_idx %arg13[%add3A_114, %add3A_438] : memref<128x128xf32, #tpu.memory_space<vmem>>[vector<16xi32>, vector<16xi32>], vector<16xf32>,
      %mul3A_440 = arith.mulf %gather3A_435, %gather3A_439 : vector<16xf32>
      %add3A_441 = arith.addf %add3A_431, %mul3A_440 : vector<16xf32>
      %add3A_442 = arith.constant 31 : i32
      %add3A_443 = vector.broadcast %add3A_442 : i32 to vector<16xi32>
      %add3A_444 = arith.addi %shift_left3A_123, %add3A_443 : vector<16xi32>
      %gather3A_445 = tpu.vector_load_idx %arg11[%add3A_114, %add3A_444] : memref<128x128xf32, #tpu.memory_space<vmem>>[vector<16xi32>, vector<16xi32>], vector<16xf32>,
      %add3A_446 = arith.constant 31 : i32
      %add3A_447 = vector.broadcast %add3A_446 : i32 to vector<16xi32>
      %add3A_448 = arith.addi %shift_left3A_131, %add3A_447 : vector<16xi32>
      %gather3A_449 = tpu.vector_load_idx %arg13[%add3A_114, %add3A_448] : memref<128x128xf32, #tpu.memory_space<vmem>>[vector<16xi32>, vector<16xi32>], vector<16xf32>,
      %mul3A_450 = arith.mulf %gather3A_445, %gather3A_449 : vector<16xf32>
      %add3A_451 = arith.addf %add3A_441, %mul3A_450 : vector<16xf32>
      %neg3A = arith.constant 0.000000e+00 : f32
      %neg3A_452 = vector.broadcast %neg3A : f32 to vector<16xf32>
      %neg3A_453 = arith.subf %neg3A_452, %add3A_451 : vector<16xf32>
      %exp3A = math.exp %neg3A_453 : vector<16xf32>
      %add3A_454 = arith.constant 1.000000e+00 : f32
      %add3A_455 = vector.broadcast %add3A_454 : f32 to vector<16xf32>
      %add3A_456 = arith.addf %add3A_455, %exp3A : vector<16xf32>
      %div3A = arith.constant 1.000000e+00 : f32
      %div3A_457 = vector.broadcast %div3A : f32 to vector<16xf32>
      %div3A_458 = arith.divf %div3A_457, %add3A_456 : vector<16xf32>
      %swap3A = arith.index_cast %add3A_118 : i32 to index
      %swap3A_459 = tpu.vector_load %arg15[%swap3A] {strides = array<i32>} : memref<512xf32, #tpu.memory_space<vmem>>, vector<16xf32>,
      tpu.vector_store %arg15[%swap3A], %div3A_458 {strides = array<i32>} : memref<512xf32, #tpu.memory_space<vmem>>, vector<16xf32>,
    }
    %scan3A_93 = arith.constant 8 : i32
    %dma_wait3A_94 = arith.constant 384 : i32
    %dma_wait3A_95 = tpu.memref_slice %arg9[%dma_wait3A_94] : memref<512xi32, #tpu.memory_space<vmem>> -> memref<128xi32, #tpu.memory_space<vmem>>
    %dma_wait3A_96 = arith.constant 0 : i32
    %dma_wait3A_97 = arith.constant 0 : i32
    %dma_wait3A_98 = tpu.memref_slice %arg4[%dma_wait3A_96, %dma_wait3A_97] : memref<250000x128xf32, #tpu.memory_space<hbm>> -> memref<250000x128xf32, #tpu.memory_space<hbm>>
    tpu.wait_indirect_dma semaphore(%arg16 : memref<!tpu.dma_semaphore, #tpu.memory_space<semaphore_mem>>) src(%dma_wait3A_98 : memref<250000x128xf32, #tpu.memory_space<hbm>>) dst(%arg12 : memref<128x128xf32, #tpu.memory_space<vmem>>)
    %dma_wait3A_99 = arith.constant 384 : i32
    %dma_wait3A_100 = tpu.memref_slice %arg10[%dma_wait3A_99] : memref<512xi32, #tpu.memory_space<vmem>> -> memref<128xi32, #tpu.memory_space<vmem>>
    %dma_wait3A_101 = arith.constant 0 : i32
    %dma_wait3A_102 = arith.constant 0 : i32
    %dma_wait3A_103 = tpu.memref_slice %arg5[%dma_wait3A_101, %dma_wait3A_102] : memref<250000x128xf32, #tpu.memory_space<hbm>> -> memref<250000x128xf32, #tpu.memory_space<hbm>>
    tpu.wait_indirect_dma semaphore(%arg17 : memref<!tpu.dma_semaphore, #tpu.memory_space<semaphore_mem>>) src(%dma_wait3A_103 : memref<250000x128xf32, #tpu.memory_space<hbm>>) dst(%arg14 : memref<128x128xf32, #tpu.memory_space<vmem>>)
    %scan3A_104 = arith.constant 0 : i32
    %scan3A_105 = arith.constant 0 : i32
    %scan3A_106 = arith.constant 8 : i32
    %scan3A_107 = arith.addi %scan3A_105, %scan3A_106 : i32
    %scan3A_108 = arith.constant 1 : i32
    scf.for %scan3A_110 = %scan3A_105 to %scan3A_107 step %scan3A_108  : i32 {
      %mul3A_111 = arith.constant 16 : i32
      %mul3A_112 = arith.muli %scan3A_110, %mul3A_111 : i32
      %iota3A = tpu.iota {dimensions = array<i32: 0>} : vector<16xi32>
      %add3A_113 = vector.broadcast %mul3A_112 : i32 to vector<16xi32>
      %add3A_114 = arith.addi %add3A_113, %iota3A : vector<16xi32>
      %mul3A_115 = arith.constant 16 : i32
      %mul3A_116 = arith.muli %scan3A_110, %mul3A_115 : i32
      %add3A_117 = arith.constant 384 : i32
      %add3A_118 = arith.addi %add3A_117, %mul3A_116 : i32
      %get3A = arith.index_cast %add3A_118 : i32 to index
      %get3A_119 = tpu.vector_load %arg7[%get3A] {strides = array<i32>} : memref<512xi32, #tpu.memory_space<vmem>>, vector<16xi32>,
      %and3A = arith.constant 3 : i32
      %and3A_120 = vector.broadcast %and3A : i32 to vector<16xi32>
      %and3A_121 = arith.andi %get3A_119, %and3A_120 : vector<16xi32>
      %shift_left3A = arith.constant 5 : i32
      %shift_left3A_122 = vector.broadcast %shift_left3A : i32 to vector<16xi32>
      %shift_left3A_123 = arith.shli %and3A_121, %shift_left3A_122 : vector<16xi32>
      %get3A_124 = arith.index_cast %add3A_118 : i32 to index
      %get3A_125 = tpu.vector_load %arg8[%get3A_124] {strides = array<i32>} : memref<512xi32, #tpu.memory_space<vmem>>, vector<16xi32>,
      %and3A_126 = arith.constant 3 : i32
      %and3A_127 = vector.broadcast %and3A_126 : i32 to vector<16xi32>
      %and3A_128 = arith.andi %get3A_125, %and3A_127 : vector<16xi32>
      %shift_left3A_129 = arith.constant 5 : i32
      %shift_left3A_130 = vector.broadcast %shift_left3A_129 : i32 to vector<16xi32>
      %shift_left3A_131 = arith.shli %and3A_128, %shift_left3A_130 : vector<16xi32>
      %broadcast_in_dim3A = arith.constant 0.000000e+00 : f32
      %broadcast_in_dim3A_132 = vector.broadcast %broadcast_in_dim3A : f32 to vector<16xf32>
      %add3A_133 = arith.constant 0 : i32
      %add3A_134 = vector.broadcast %add3A_133 : i32 to vector<16xi32>
      %add3A_135 = arith.addi %shift_left3A_123, %add3A_134 : vector<16xi32>
      %gather3A = tpu.vector_load_idx %arg12[%add3A_114, %add3A_135] : memref<128x128xf32, #tpu.memory_space<vmem>>[vector<16xi32>, vector<16xi32>], vector<16xf32>,
      %add3A_136 = arith.constant 0 : i32
      %add3A_137 = vector.broadcast %add3A_136 : i32 to vector<16xi32>
      %add3A_138 = arith.addi %shift_left3A_131, %add3A_137 : vector<16xi32>
      %gather3A_139 = tpu.vector_load_idx %arg14[%add3A_114, %add3A_138] : memref<128x128xf32, #tpu.memory_space<vmem>>[vector<16xi32>, vector<16xi32>], vector<16xf32>,
      %mul3A_140 = arith.mulf %gather3A, %gather3A_139 : vector<16xf32>
      %add3A_141 = arith.addf %broadcast_in_dim3A_132, %mul3A_140 : vector<16xf32>
      %add3A_142 = arith.constant 1 : i32
      %add3A_143 = vector.broadcast %add3A_142 : i32 to vector<16xi32>
      %add3A_144 = arith.addi %shift_left3A_123, %add3A_143 : vector<16xi32>
      %gather3A_145 = tpu.vector_load_idx %arg12[%add3A_114, %add3A_144] : memref<128x128xf32, #tpu.memory_space<vmem>>[vector<16xi32>, vector<16xi32>], vector<16xf32>,
      %add3A_146 = arith.constant 1 : i32
      %add3A_147 = vector.broadcast %add3A_146 : i32 to vector<16xi32>
      %add3A_148 = arith.addi %shift_left3A_131, %add3A_147 : vector<16xi32>
      %gather3A_149 = tpu.vector_load_idx %arg14[%add3A_114, %add3A_148] : memref<128x128xf32, #tpu.memory_space<vmem>>[vector<16xi32>, vector<16xi32>], vector<16xf32>,
      %mul3A_150 = arith.mulf %gather3A_145, %gather3A_149 : vector<16xf32>
      %add3A_151 = arith.addf %add3A_141, %mul3A_150 : vector<16xf32>
      %add3A_152 = arith.constant 2 : i32
      %add3A_153 = vector.broadcast %add3A_152 : i32 to vector<16xi32>
      %add3A_154 = arith.addi %shift_left3A_123, %add3A_153 : vector<16xi32>
      %gather3A_155 = tpu.vector_load_idx %arg12[%add3A_114, %add3A_154] : memref<128x128xf32, #tpu.memory_space<vmem>>[vector<16xi32>, vector<16xi32>], vector<16xf32>,
      %add3A_156 = arith.constant 2 : i32
      %add3A_157 = vector.broadcast %add3A_156 : i32 to vector<16xi32>
      %add3A_158 = arith.addi %shift_left3A_131, %add3A_157 : vector<16xi32>
      %gather3A_159 = tpu.vector_load_idx %arg14[%add3A_114, %add3A_158] : memref<128x128xf32, #tpu.memory_space<vmem>>[vector<16xi32>, vector<16xi32>], vector<16xf32>,
      %mul3A_160 = arith.mulf %gather3A_155, %gather3A_159 : vector<16xf32>
      %add3A_161 = arith.addf %add3A_151, %mul3A_160 : vector<16xf32>
      %add3A_162 = arith.constant 3 : i32
      %add3A_163 = vector.broadcast %add3A_162 : i32 to vector<16xi32>
      %add3A_164 = arith.addi %shift_left3A_123, %add3A_163 : vector<16xi32>
      %gather3A_165 = tpu.vector_load_idx %arg12[%add3A_114, %add3A_164] : memref<128x128xf32, #tpu.memory_space<vmem>>[vector<16xi32>, vector<16xi32>], vector<16xf32>,
      %add3A_166 = arith.constant 3 : i32
      %add3A_167 = vector.broadcast %add3A_166 : i32 to vector<16xi32>
      %add3A_168 = arith.addi %shift_left3A_131, %add3A_167 : vector<16xi32>
      %gather3A_169 = tpu.vector_load_idx %arg14[%add3A_114, %add3A_168] : memref<128x128xf32, #tpu.memory_space<vmem>>[vector<16xi32>, vector<16xi32>], vector<16xf32>,
      %mul3A_170 = arith.mulf %gather3A_165, %gather3A_169 : vector<16xf32>
      %add3A_171 = arith.addf %add3A_161, %mul3A_170 : vector<16xf32>
      %add3A_172 = arith.constant 4 : i32
      %add3A_173 = vector.broadcast %add3A_172 : i32 to vector<16xi32>
      %add3A_174 = arith.addi %shift_left3A_123, %add3A_173 : vector<16xi32>
      %gather3A_175 = tpu.vector_load_idx %arg12[%add3A_114, %add3A_174] : memref<128x128xf32, #tpu.memory_space<vmem>>[vector<16xi32>, vector<16xi32>], vector<16xf32>,
      %add3A_176 = arith.constant 4 : i32
      %add3A_177 = vector.broadcast %add3A_176 : i32 to vector<16xi32>
      %add3A_178 = arith.addi %shift_left3A_131, %add3A_177 : vector<16xi32>
      %gather3A_179 = tpu.vector_load_idx %arg14[%add3A_114, %add3A_178] : memref<128x128xf32, #tpu.memory_space<vmem>>[vector<16xi32>, vector<16xi32>], vector<16xf32>,
      %mul3A_180 = arith.mulf %gather3A_175, %gather3A_179 : vector<16xf32>
      %add3A_181 = arith.addf %add3A_171, %mul3A_180 : vector<16xf32>
      %add3A_182 = arith.constant 5 : i32
      %add3A_183 = vector.broadcast %add3A_182 : i32 to vector<16xi32>
      %add3A_184 = arith.addi %shift_left3A_123, %add3A_183 : vector<16xi32>
      %gather3A_185 = tpu.vector_load_idx %arg12[%add3A_114, %add3A_184] : memref<128x128xf32, #tpu.memory_space<vmem>>[vector<16xi32>, vector<16xi32>], vector<16xf32>,
      %add3A_186 = arith.constant 5 : i32
      %add3A_187 = vector.broadcast %add3A_186 : i32 to vector<16xi32>
      %add3A_188 = arith.addi %shift_left3A_131, %add3A_187 : vector<16xi32>
      %gather3A_189 = tpu.vector_load_idx %arg14[%add3A_114, %add3A_188] : memref<128x128xf32, #tpu.memory_space<vmem>>[vector<16xi32>, vector<16xi32>], vector<16xf32>,
      %mul3A_190 = arith.mulf %gather3A_185, %gather3A_189 : vector<16xf32>
      %add3A_191 = arith.addf %add3A_181, %mul3A_190 : vector<16xf32>
      %add3A_192 = arith.constant 6 : i32
      %add3A_193 = vector.broadcast %add3A_192 : i32 to vector<16xi32>
      %add3A_194 = arith.addi %shift_left3A_123, %add3A_193 : vector<16xi32>
      %gather3A_195 = tpu.vector_load_idx %arg12[%add3A_114, %add3A_194] : memref<128x128xf32, #tpu.memory_space<vmem>>[vector<16xi32>, vector<16xi32>], vector<16xf32>,
      %add3A_196 = arith.constant 6 : i32
      %add3A_197 = vector.broadcast %add3A_196 : i32 to vector<16xi32>
      %add3A_198 = arith.addi %shift_left3A_131, %add3A_197 : vector<16xi32>
      %gather3A_199 = tpu.vector_load_idx %arg14[%add3A_114, %add3A_198] : memref<128x128xf32, #tpu.memory_space<vmem>>[vector<16xi32>, vector<16xi32>], vector<16xf32>,
      %mul3A_200 = arith.mulf %gather3A_195, %gather3A_199 : vector<16xf32>
      %add3A_201 = arith.addf %add3A_191, %mul3A_200 : vector<16xf32>
      %add3A_202 = arith.constant 7 : i32
      %add3A_203 = vector.broadcast %add3A_202 : i32 to vector<16xi32>
      %add3A_204 = arith.addi %shift_left3A_123, %add3A_203 : vector<16xi32>
      %gather3A_205 = tpu.vector_load_idx %arg12[%add3A_114, %add3A_204] : memref<128x128xf32, #tpu.memory_space<vmem>>[vector<16xi32>, vector<16xi32>], vector<16xf32>,
      %add3A_206 = arith.constant 7 : i32
      %add3A_207 = vector.broadcast %add3A_206 : i32 to vector<16xi32>
      %add3A_208 = arith.addi %shift_left3A_131, %add3A_207 : vector<16xi32>
      %gather3A_209 = tpu.vector_load_idx %arg14[%add3A_114, %add3A_208] : memref<128x128xf32, #tpu.memory_space<vmem>>[vector<16xi32>, vector<16xi32>], vector<16xf32>,
      %mul3A_210 = arith.mulf %gather3A_205, %gather3A_209 : vector<16xf32>
      %add3A_211 = arith.addf %add3A_201, %mul3A_210 : vector<16xf32>
      %add3A_212 = arith.constant 8 : i32
      %add3A_213 = vector.broadcast %add3A_212 : i32 to vector<16xi32>
      %add3A_214 = arith.addi %shift_left3A_123, %add3A_213 : vector<16xi32>
      %gather3A_215 = tpu.vector_load_idx %arg12[%add3A_114, %add3A_214] : memref<128x128xf32, #tpu.memory_space<vmem>>[vector<16xi32>, vector<16xi32>], vector<16xf32>,
      %add3A_216 = arith.constant 8 : i32
      %add3A_217 = vector.broadcast %add3A_216 : i32 to vector<16xi32>
      %add3A_218 = arith.addi %shift_left3A_131, %add3A_217 : vector<16xi32>
      %gather3A_219 = tpu.vector_load_idx %arg14[%add3A_114, %add3A_218] : memref<128x128xf32, #tpu.memory_space<vmem>>[vector<16xi32>, vector<16xi32>], vector<16xf32>,
      %mul3A_220 = arith.mulf %gather3A_215, %gather3A_219 : vector<16xf32>
      %add3A_221 = arith.addf %add3A_211, %mul3A_220 : vector<16xf32>
      %add3A_222 = arith.constant 9 : i32
      %add3A_223 = vector.broadcast %add3A_222 : i32 to vector<16xi32>
      %add3A_224 = arith.addi %shift_left3A_123, %add3A_223 : vector<16xi32>
      %gather3A_225 = tpu.vector_load_idx %arg12[%add3A_114, %add3A_224] : memref<128x128xf32, #tpu.memory_space<vmem>>[vector<16xi32>, vector<16xi32>], vector<16xf32>,
      %add3A_226 = arith.constant 9 : i32
      %add3A_227 = vector.broadcast %add3A_226 : i32 to vector<16xi32>
      %add3A_228 = arith.addi %shift_left3A_131, %add3A_227 : vector<16xi32>
      %gather3A_229 = tpu.vector_load_idx %arg14[%add3A_114, %add3A_228] : memref<128x128xf32, #tpu.memory_space<vmem>>[vector<16xi32>, vector<16xi32>], vector<16xf32>,
      %mul3A_230 = arith.mulf %gather3A_225, %gather3A_229 : vector<16xf32>
      %add3A_231 = arith.addf %add3A_221, %mul3A_230 : vector<16xf32>
      %add3A_232 = arith.constant 10 : i32
      %add3A_233 = vector.broadcast %add3A_232 : i32 to vector<16xi32>
      %add3A_234 = arith.addi %shift_left3A_123, %add3A_233 : vector<16xi32>
      %gather3A_235 = tpu.vector_load_idx %arg12[%add3A_114, %add3A_234] : memref<128x128xf32, #tpu.memory_space<vmem>>[vector<16xi32>, vector<16xi32>], vector<16xf32>,
      %add3A_236 = arith.constant 10 : i32
      %add3A_237 = vector.broadcast %add3A_236 : i32 to vector<16xi32>
      %add3A_238 = arith.addi %shift_left3A_131, %add3A_237 : vector<16xi32>
      %gather3A_239 = tpu.vector_load_idx %arg14[%add3A_114, %add3A_238] : memref<128x128xf32, #tpu.memory_space<vmem>>[vector<16xi32>, vector<16xi32>], vector<16xf32>,
      %mul3A_240 = arith.mulf %gather3A_235, %gather3A_239 : vector<16xf32>
      %add3A_241 = arith.addf %add3A_231, %mul3A_240 : vector<16xf32>
      %add3A_242 = arith.constant 11 : i32
      %add3A_243 = vector.broadcast %add3A_242 : i32 to vector<16xi32>
      %add3A_244 = arith.addi %shift_left3A_123, %add3A_243 : vector<16xi32>
      %gather3A_245 = tpu.vector_load_idx %arg12[%add3A_114, %add3A_244] : memref<128x128xf32, #tpu.memory_space<vmem>>[vector<16xi32>, vector<16xi32>], vector<16xf32>,
      %add3A_246 = arith.constant 11 : i32
      %add3A_247 = vector.broadcast %add3A_246 : i32 to vector<16xi32>
      %add3A_248 = arith.addi %shift_left3A_131, %add3A_247 : vector<16xi32>
      %gather3A_249 = tpu.vector_load_idx %arg14[%add3A_114, %add3A_248] : memref<128x128xf32, #tpu.memory_space<vmem>>[vector<16xi32>, vector<16xi32>], vector<16xf32>,
      %mul3A_250 = arith.mulf %gather3A_245, %gather3A_249 : vector<16xf32>
      %add3A_251 = arith.addf %add3A_241, %mul3A_250 : vector<16xf32>
      %add3A_252 = arith.constant 12 : i32
      %add3A_253 = vector.broadcast %add3A_252 : i32 to vector<16xi32>
      %add3A_254 = arith.addi %shift_left3A_123, %add3A_253 : vector<16xi32>
      %gather3A_255 = tpu.vector_load_idx %arg12[%add3A_114, %add3A_254] : memref<128x128xf32, #tpu.memory_space<vmem>>[vector<16xi32>, vector<16xi32>], vector<16xf32>,
      %add3A_256 = arith.constant 12 : i32
      %add3A_257 = vector.broadcast %add3A_256 : i32 to vector<16xi32>
      %add3A_258 = arith.addi %shift_left3A_131, %add3A_257 : vector<16xi32>
      %gather3A_259 = tpu.vector_load_idx %arg14[%add3A_114, %add3A_258] : memref<128x128xf32, #tpu.memory_space<vmem>>[vector<16xi32>, vector<16xi32>], vector<16xf32>,
      %mul3A_260 = arith.mulf %gather3A_255, %gather3A_259 : vector<16xf32>
      %add3A_261 = arith.addf %add3A_251, %mul3A_260 : vector<16xf32>
      %add3A_262 = arith.constant 13 : i32
      %add3A_263 = vector.broadcast %add3A_262 : i32 to vector<16xi32>
      %add3A_264 = arith.addi %shift_left3A_123, %add3A_263 : vector<16xi32>
      %gather3A_265 = tpu.vector_load_idx %arg12[%add3A_114, %add3A_264] : memref<128x128xf32, #tpu.memory_space<vmem>>[vector<16xi32>, vector<16xi32>], vector<16xf32>,
      %add3A_266 = arith.constant 13 : i32
      %add3A_267 = vector.broadcast %add3A_266 : i32 to vector<16xi32>
      %add3A_268 = arith.addi %shift_left3A_131, %add3A_267 : vector<16xi32>
      %gather3A_269 = tpu.vector_load_idx %arg14[%add3A_114, %add3A_268] : memref<128x128xf32, #tpu.memory_space<vmem>>[vector<16xi32>, vector<16xi32>], vector<16xf32>,
      %mul3A_270 = arith.mulf %gather3A_265, %gather3A_269 : vector<16xf32>
      %add3A_271 = arith.addf %add3A_261, %mul3A_270 : vector<16xf32>
      %add3A_272 = arith.constant 14 : i32
      %add3A_273 = vector.broadcast %add3A_272 : i32 to vector<16xi32>
      %add3A_274 = arith.addi %shift_left3A_123, %add3A_273 : vector<16xi32>
      %gather3A_275 = tpu.vector_load_idx %arg12[%add3A_114, %add3A_274] : memref<128x128xf32, #tpu.memory_space<vmem>>[vector<16xi32>, vector<16xi32>], vector<16xf32>,
      %add3A_276 = arith.constant 14 : i32
      %add3A_277 = vector.broadcast %add3A_276 : i32 to vector<16xi32>
      %add3A_278 = arith.addi %shift_left3A_131, %add3A_277 : vector<16xi32>
      %gather3A_279 = tpu.vector_load_idx %arg14[%add3A_114, %add3A_278] : memref<128x128xf32, #tpu.memory_space<vmem>>[vector<16xi32>, vector<16xi32>], vector<16xf32>,
      %mul3A_280 = arith.mulf %gather3A_275, %gather3A_279 : vector<16xf32>
      %add3A_281 = arith.addf %add3A_271, %mul3A_280 : vector<16xf32>
      %add3A_282 = arith.constant 15 : i32
      %add3A_283 = vector.broadcast %add3A_282 : i32 to vector<16xi32>
      %add3A_284 = arith.addi %shift_left3A_123, %add3A_283 : vector<16xi32>
      %gather3A_285 = tpu.vector_load_idx %arg12[%add3A_114, %add3A_284] : memref<128x128xf32, #tpu.memory_space<vmem>>[vector<16xi32>, vector<16xi32>], vector<16xf32>,
      %add3A_286 = arith.constant 15 : i32
      %add3A_287 = vector.broadcast %add3A_286 : i32 to vector<16xi32>
      %add3A_288 = arith.addi %shift_left3A_131, %add3A_287 : vector<16xi32>
      %gather3A_289 = tpu.vector_load_idx %arg14[%add3A_114, %add3A_288] : memref<128x128xf32, #tpu.memory_space<vmem>>[vector<16xi32>, vector<16xi32>], vector<16xf32>,
      %mul3A_290 = arith.mulf %gather3A_285, %gather3A_289 : vector<16xf32>
      %add3A_291 = arith.addf %add3A_281, %mul3A_290 : vector<16xf32>
      %add3A_292 = arith.constant 16 : i32
      %add3A_293 = vector.broadcast %add3A_292 : i32 to vector<16xi32>
      %add3A_294 = arith.addi %shift_left3A_123, %add3A_293 : vector<16xi32>
      %gather3A_295 = tpu.vector_load_idx %arg12[%add3A_114, %add3A_294] : memref<128x128xf32, #tpu.memory_space<vmem>>[vector<16xi32>, vector<16xi32>], vector<16xf32>,
      %add3A_296 = arith.constant 16 : i32
      %add3A_297 = vector.broadcast %add3A_296 : i32 to vector<16xi32>
      %add3A_298 = arith.addi %shift_left3A_131, %add3A_297 : vector<16xi32>
      %gather3A_299 = tpu.vector_load_idx %arg14[%add3A_114, %add3A_298] : memref<128x128xf32, #tpu.memory_space<vmem>>[vector<16xi32>, vector<16xi32>], vector<16xf32>,
      %mul3A_300 = arith.mulf %gather3A_295, %gather3A_299 : vector<16xf32>
      %add3A_301 = arith.addf %add3A_291, %mul3A_300 : vector<16xf32>
      %add3A_302 = arith.constant 17 : i32
      %add3A_303 = vector.broadcast %add3A_302 : i32 to vector<16xi32>
      %add3A_304 = arith.addi %shift_left3A_123, %add3A_303 : vector<16xi32>
      %gather3A_305 = tpu.vector_load_idx %arg12[%add3A_114, %add3A_304] : memref<128x128xf32, #tpu.memory_space<vmem>>[vector<16xi32>, vector<16xi32>], vector<16xf32>,
      %add3A_306 = arith.constant 17 : i32
      %add3A_307 = vector.broadcast %add3A_306 : i32 to vector<16xi32>
      %add3A_308 = arith.addi %shift_left3A_131, %add3A_307 : vector<16xi32>
      %gather3A_309 = tpu.vector_load_idx %arg14[%add3A_114, %add3A_308] : memref<128x128xf32, #tpu.memory_space<vmem>>[vector<16xi32>, vector<16xi32>], vector<16xf32>,
      %mul3A_310 = arith.mulf %gather3A_305, %gather3A_309 : vector<16xf32>
      %add3A_311 = arith.addf %add3A_301, %mul3A_310 : vector<16xf32>
      %add3A_312 = arith.constant 18 : i32
      %add3A_313 = vector.broadcast %add3A_312 : i32 to vector<16xi32>
      %add3A_314 = arith.addi %shift_left3A_123, %add3A_313 : vector<16xi32>
      %gather3A_315 = tpu.vector_load_idx %arg12[%add3A_114, %add3A_314] : memref<128x128xf32, #tpu.memory_space<vmem>>[vector<16xi32>, vector<16xi32>], vector<16xf32>,
      %add3A_316 = arith.constant 18 : i32
      %add3A_317 = vector.broadcast %add3A_316 : i32 to vector<16xi32>
      %add3A_318 = arith.addi %shift_left3A_131, %add3A_317 : vector<16xi32>
      %gather3A_319 = tpu.vector_load_idx %arg14[%add3A_114, %add3A_318] : memref<128x128xf32, #tpu.memory_space<vmem>>[vector<16xi32>, vector<16xi32>], vector<16xf32>,
      %mul3A_320 = arith.mulf %gather3A_315, %gather3A_319 : vector<16xf32>
      %add3A_321 = arith.addf %add3A_311, %mul3A_320 : vector<16xf32>
      %add3A_322 = arith.constant 19 : i32
      %add3A_323 = vector.broadcast %add3A_322 : i32 to vector<16xi32>
      %add3A_324 = arith.addi %shift_left3A_123, %add3A_323 : vector<16xi32>
      %gather3A_325 = tpu.vector_load_idx %arg12[%add3A_114, %add3A_324] : memref<128x128xf32, #tpu.memory_space<vmem>>[vector<16xi32>, vector<16xi32>], vector<16xf32>,
      %add3A_326 = arith.constant 19 : i32
      %add3A_327 = vector.broadcast %add3A_326 : i32 to vector<16xi32>
      %add3A_328 = arith.addi %shift_left3A_131, %add3A_327 : vector<16xi32>
      %gather3A_329 = tpu.vector_load_idx %arg14[%add3A_114, %add3A_328] : memref<128x128xf32, #tpu.memory_space<vmem>>[vector<16xi32>, vector<16xi32>], vector<16xf32>,
      %mul3A_330 = arith.mulf %gather3A_325, %gather3A_329 : vector<16xf32>
      %add3A_331 = arith.addf %add3A_321, %mul3A_330 : vector<16xf32>
      %add3A_332 = arith.constant 20 : i32
      %add3A_333 = vector.broadcast %add3A_332 : i32 to vector<16xi32>
      %add3A_334 = arith.addi %shift_left3A_123, %add3A_333 : vector<16xi32>
      %gather3A_335 = tpu.vector_load_idx %arg12[%add3A_114, %add3A_334] : memref<128x128xf32, #tpu.memory_space<vmem>>[vector<16xi32>, vector<16xi32>], vector<16xf32>,
      %add3A_336 = arith.constant 20 : i32
      %add3A_337 = vector.broadcast %add3A_336 : i32 to vector<16xi32>
      %add3A_338 = arith.addi %shift_left3A_131, %add3A_337 : vector<16xi32>
      %gather3A_339 = tpu.vector_load_idx %arg14[%add3A_114, %add3A_338] : memref<128x128xf32, #tpu.memory_space<vmem>>[vector<16xi32>, vector<16xi32>], vector<16xf32>,
      %mul3A_340 = arith.mulf %gather3A_335, %gather3A_339 : vector<16xf32>
      %add3A_341 = arith.addf %add3A_331, %mul3A_340 : vector<16xf32>
      %add3A_342 = arith.constant 21 : i32
      %add3A_343 = vector.broadcast %add3A_342 : i32 to vector<16xi32>
      %add3A_344 = arith.addi %shift_left3A_123, %add3A_343 : vector<16xi32>
      %gather3A_345 = tpu.vector_load_idx %arg12[%add3A_114, %add3A_344] : memref<128x128xf32, #tpu.memory_space<vmem>>[vector<16xi32>, vector<16xi32>], vector<16xf32>,
      %add3A_346 = arith.constant 21 : i32
      %add3A_347 = vector.broadcast %add3A_346 : i32 to vector<16xi32>
      %add3A_348 = arith.addi %shift_left3A_131, %add3A_347 : vector<16xi32>
      %gather3A_349 = tpu.vector_load_idx %arg14[%add3A_114, %add3A_348] : memref<128x128xf32, #tpu.memory_space<vmem>>[vector<16xi32>, vector<16xi32>], vector<16xf32>,
      %mul3A_350 = arith.mulf %gather3A_345, %gather3A_349 : vector<16xf32>
      %add3A_351 = arith.addf %add3A_341, %mul3A_350 : vector<16xf32>
      %add3A_352 = arith.constant 22 : i32
      %add3A_353 = vector.broadcast %add3A_352 : i32 to vector<16xi32>
      %add3A_354 = arith.addi %shift_left3A_123, %add3A_353 : vector<16xi32>
      %gather3A_355 = tpu.vector_load_idx %arg12[%add3A_114, %add3A_354] : memref<128x128xf32, #tpu.memory_space<vmem>>[vector<16xi32>, vector<16xi32>], vector<16xf32>,
      %add3A_356 = arith.constant 22 : i32
      %add3A_357 = vector.broadcast %add3A_356 : i32 to vector<16xi32>
      %add3A_358 = arith.addi %shift_left3A_131, %add3A_357 : vector<16xi32>
      %gather3A_359 = tpu.vector_load_idx %arg14[%add3A_114, %add3A_358] : memref<128x128xf32, #tpu.memory_space<vmem>>[vector<16xi32>, vector<16xi32>], vector<16xf32>,
      %mul3A_360 = arith.mulf %gather3A_355, %gather3A_359 : vector<16xf32>
      %add3A_361 = arith.addf %add3A_351, %mul3A_360 : vector<16xf32>
      %add3A_362 = arith.constant 23 : i32
      %add3A_363 = vector.broadcast %add3A_362 : i32 to vector<16xi32>
      %add3A_364 = arith.addi %shift_left3A_123, %add3A_363 : vector<16xi32>
      %gather3A_365 = tpu.vector_load_idx %arg12[%add3A_114, %add3A_364] : memref<128x128xf32, #tpu.memory_space<vmem>>[vector<16xi32>, vector<16xi32>], vector<16xf32>,
      %add3A_366 = arith.constant 23 : i32
      %add3A_367 = vector.broadcast %add3A_366 : i32 to vector<16xi32>
      %add3A_368 = arith.addi %shift_left3A_131, %add3A_367 : vector<16xi32>
      %gather3A_369 = tpu.vector_load_idx %arg14[%add3A_114, %add3A_368] : memref<128x128xf32, #tpu.memory_space<vmem>>[vector<16xi32>, vector<16xi32>], vector<16xf32>,
      %mul3A_370 = arith.mulf %gather3A_365, %gather3A_369 : vector<16xf32>
      %add3A_371 = arith.addf %add3A_361, %mul3A_370 : vector<16xf32>
      %add3A_372 = arith.constant 24 : i32
      %add3A_373 = vector.broadcast %add3A_372 : i32 to vector<16xi32>
      %add3A_374 = arith.addi %shift_left3A_123, %add3A_373 : vector<16xi32>
      %gather3A_375 = tpu.vector_load_idx %arg12[%add3A_114, %add3A_374] : memref<128x128xf32, #tpu.memory_space<vmem>>[vector<16xi32>, vector<16xi32>], vector<16xf32>,
      %add3A_376 = arith.constant 24 : i32
      %add3A_377 = vector.broadcast %add3A_376 : i32 to vector<16xi32>
      %add3A_378 = arith.addi %shift_left3A_131, %add3A_377 : vector<16xi32>
      %gather3A_379 = tpu.vector_load_idx %arg14[%add3A_114, %add3A_378] : memref<128x128xf32, #tpu.memory_space<vmem>>[vector<16xi32>, vector<16xi32>], vector<16xf32>,
      %mul3A_380 = arith.mulf %gather3A_375, %gather3A_379 : vector<16xf32>
      %add3A_381 = arith.addf %add3A_371, %mul3A_380 : vector<16xf32>
      %add3A_382 = arith.constant 25 : i32
      %add3A_383 = vector.broadcast %add3A_382 : i32 to vector<16xi32>
      %add3A_384 = arith.addi %shift_left3A_123, %add3A_383 : vector<16xi32>
      %gather3A_385 = tpu.vector_load_idx %arg12[%add3A_114, %add3A_384] : memref<128x128xf32, #tpu.memory_space<vmem>>[vector<16xi32>, vector<16xi32>], vector<16xf32>,
      %add3A_386 = arith.constant 25 : i32
      %add3A_387 = vector.broadcast %add3A_386 : i32 to vector<16xi32>
      %add3A_388 = arith.addi %shift_left3A_131, %add3A_387 : vector<16xi32>
      %gather3A_389 = tpu.vector_load_idx %arg14[%add3A_114, %add3A_388] : memref<128x128xf32, #tpu.memory_space<vmem>>[vector<16xi32>, vector<16xi32>], vector<16xf32>,
      %mul3A_390 = arith.mulf %gather3A_385, %gather3A_389 : vector<16xf32>
      %add3A_391 = arith.addf %add3A_381, %mul3A_390 : vector<16xf32>
      %add3A_392 = arith.constant 26 : i32
      %add3A_393 = vector.broadcast %add3A_392 : i32 to vector<16xi32>
      %add3A_394 = arith.addi %shift_left3A_123, %add3A_393 : vector<16xi32>
      %gather3A_395 = tpu.vector_load_idx %arg12[%add3A_114, %add3A_394] : memref<128x128xf32, #tpu.memory_space<vmem>>[vector<16xi32>, vector<16xi32>], vector<16xf32>,
      %add3A_396 = arith.constant 26 : i32
      %add3A_397 = vector.broadcast %add3A_396 : i32 to vector<16xi32>
      %add3A_398 = arith.addi %shift_left3A_131, %add3A_397 : vector<16xi32>
      %gather3A_399 = tpu.vector_load_idx %arg14[%add3A_114, %add3A_398] : memref<128x128xf32, #tpu.memory_space<vmem>>[vector<16xi32>, vector<16xi32>], vector<16xf32>,
      %mul3A_400 = arith.mulf %gather3A_395, %gather3A_399 : vector<16xf32>
      %add3A_401 = arith.addf %add3A_391, %mul3A_400 : vector<16xf32>
      %add3A_402 = arith.constant 27 : i32
      %add3A_403 = vector.broadcast %add3A_402 : i32 to vector<16xi32>
      %add3A_404 = arith.addi %shift_left3A_123, %add3A_403 : vector<16xi32>
      %gather3A_405 = tpu.vector_load_idx %arg12[%add3A_114, %add3A_404] : memref<128x128xf32, #tpu.memory_space<vmem>>[vector<16xi32>, vector<16xi32>], vector<16xf32>,
      %add3A_406 = arith.constant 27 : i32
      %add3A_407 = vector.broadcast %add3A_406 : i32 to vector<16xi32>
      %add3A_408 = arith.addi %shift_left3A_131, %add3A_407 : vector<16xi32>
      %gather3A_409 = tpu.vector_load_idx %arg14[%add3A_114, %add3A_408] : memref<128x128xf32, #tpu.memory_space<vmem>>[vector<16xi32>, vector<16xi32>], vector<16xf32>,
      %mul3A_410 = arith.mulf %gather3A_405, %gather3A_409 : vector<16xf32>
      %add3A_411 = arith.addf %add3A_401, %mul3A_410 : vector<16xf32>
      %add3A_412 = arith.constant 28 : i32
      %add3A_413 = vector.broadcast %add3A_412 : i32 to vector<16xi32>
      %add3A_414 = arith.addi %shift_left3A_123, %add3A_413 : vector<16xi32>
      %gather3A_415 = tpu.vector_load_idx %arg12[%add3A_114, %add3A_414] : memref<128x128xf32, #tpu.memory_space<vmem>>[vector<16xi32>, vector<16xi32>], vector<16xf32>,
      %add3A_416 = arith.constant 28 : i32
      %add3A_417 = vector.broadcast %add3A_416 : i32 to vector<16xi32>
      %add3A_418 = arith.addi %shift_left3A_131, %add3A_417 : vector<16xi32>
      %gather3A_419 = tpu.vector_load_idx %arg14[%add3A_114, %add3A_418] : memref<128x128xf32, #tpu.memory_space<vmem>>[vector<16xi32>, vector<16xi32>], vector<16xf32>,
      %mul3A_420 = arith.mulf %gather3A_415, %gather3A_419 : vector<16xf32>
      %add3A_421 = arith.addf %add3A_411, %mul3A_420 : vector<16xf32>
      %add3A_422 = arith.constant 29 : i32
      %add3A_423 = vector.broadcast %add3A_422 : i32 to vector<16xi32>
      %add3A_424 = arith.addi %shift_left3A_123, %add3A_423 : vector<16xi32>
      %gather3A_425 = tpu.vector_load_idx %arg12[%add3A_114, %add3A_424] : memref<128x128xf32, #tpu.memory_space<vmem>>[vector<16xi32>, vector<16xi32>], vector<16xf32>,
      %add3A_426 = arith.constant 29 : i32
      %add3A_427 = vector.broadcast %add3A_426 : i32 to vector<16xi32>
      %add3A_428 = arith.addi %shift_left3A_131, %add3A_427 : vector<16xi32>
      %gather3A_429 = tpu.vector_load_idx %arg14[%add3A_114, %add3A_428] : memref<128x128xf32, #tpu.memory_space<vmem>>[vector<16xi32>, vector<16xi32>], vector<16xf32>,
      %mul3A_430 = arith.mulf %gather3A_425, %gather3A_429 : vector<16xf32>
      %add3A_431 = arith.addf %add3A_421, %mul3A_430 : vector<16xf32>
      %add3A_432 = arith.constant 30 : i32
      %add3A_433 = vector.broadcast %add3A_432 : i32 to vector<16xi32>
      %add3A_434 = arith.addi %shift_left3A_123, %add3A_433 : vector<16xi32>
      %gather3A_435 = tpu.vector_load_idx %arg12[%add3A_114, %add3A_434] : memref<128x128xf32, #tpu.memory_space<vmem>>[vector<16xi32>, vector<16xi32>], vector<16xf32>,
      %add3A_436 = arith.constant 30 : i32
      %add3A_437 = vector.broadcast %add3A_436 : i32 to vector<16xi32>
      %add3A_438 = arith.addi %shift_left3A_131, %add3A_437 : vector<16xi32>
      %gather3A_439 = tpu.vector_load_idx %arg14[%add3A_114, %add3A_438] : memref<128x128xf32, #tpu.memory_space<vmem>>[vector<16xi32>, vector<16xi32>], vector<16xf32>,
      %mul3A_440 = arith.mulf %gather3A_435, %gather3A_439 : vector<16xf32>
      %add3A_441 = arith.addf %add3A_431, %mul3A_440 : vector<16xf32>
      %add3A_442 = arith.constant 31 : i32
      %add3A_443 = vector.broadcast %add3A_442 : i32 to vector<16xi32>
      %add3A_444 = arith.addi %shift_left3A_123, %add3A_443 : vector<16xi32>
      %gather3A_445 = tpu.vector_load_idx %arg12[%add3A_114, %add3A_444] : memref<128x128xf32, #tpu.memory_space<vmem>>[vector<16xi32>, vector<16xi32>], vector<16xf32>,
      %add3A_446 = arith.constant 31 : i32
      %add3A_447 = vector.broadcast %add3A_446 : i32 to vector<16xi32>
      %add3A_448 = arith.addi %shift_left3A_131, %add3A_447 : vector<16xi32>
      %gather3A_449 = tpu.vector_load_idx %arg14[%add3A_114, %add3A_448] : memref<128x128xf32, #tpu.memory_space<vmem>>[vector<16xi32>, vector<16xi32>], vector<16xf32>,
      %mul3A_450 = arith.mulf %gather3A_445, %gather3A_449 : vector<16xf32>
      %add3A_451 = arith.addf %add3A_441, %mul3A_450 : vector<16xf32>
      %neg3A = arith.constant 0.000000e+00 : f32
      %neg3A_452 = vector.broadcast %neg3A : f32 to vector<16xf32>
      %neg3A_453 = arith.subf %neg3A_452, %add3A_451 : vector<16xf32>
      %exp3A = math.exp %neg3A_453 : vector<16xf32>
      %add3A_454 = arith.constant 1.000000e+00 : f32
      %add3A_455 = vector.broadcast %add3A_454 : f32 to vector<16xf32>
      %add3A_456 = arith.addf %add3A_455, %exp3A : vector<16xf32>
      %div3A = arith.constant 1.000000e+00 : f32
      %div3A_457 = vector.broadcast %div3A : f32 to vector<16xf32>
      %div3A_458 = arith.divf %div3A_457, %add3A_456 : vector<16xf32>
      %swap3A = arith.index_cast %add3A_118 : i32 to index
      %swap3A_459 = tpu.vector_load %arg15[%swap3A] {strides = array<i32>} : memref<512xf32, #tpu.memory_space<vmem>>, vector<16xf32>,
      tpu.vector_store %arg15[%swap3A], %div3A_458 {strides = array<i32>} : memref<512xf32, #tpu.memory_space<vmem>>, vector<16xf32>,
    }
    %scan3A_109 = arith.constant 8 : i32
    "tpu.region"() ({
      %run_scoped3A = tpu.sem_alloc : memref<!tpu.dma_semaphore, #tpu.memory_space<semaphore_mem>>
      %dma_start3A_110 = tpu.memref_slice %arg6[%mul3A_2] : memref<16384xf32, #tpu.memory_space<hbm>> -> memref<512xf32, #tpu.memory_space<hbm>>
      %dma_start3A_111 = tpu.memref_slice %arg6[%mul3A_2] : memref<16384xf32, #tpu.memory_space<hbm>> -> memref<512xf32, #tpu.memory_space<hbm>>
      tpu.enqueue_dma source(%arg15 : memref<512xf32, #tpu.memory_space<vmem>>) target(%dma_start3A_111 : memref<512xf32, #tpu.memory_space<hbm>>) target_semaphore(%run_scoped3A : memref<!tpu.dma_semaphore, #tpu.memory_space<semaphore_mem>>)
      %dma_wait3A_112 = tpu.memref_slice %arg6[%mul3A_2] : memref<16384xf32, #tpu.memory_space<hbm>> -> memref<512xf32, #tpu.memory_space<hbm>>
      %dma_wait3A_113 = tpu.memref_slice %arg6[%mul3A_2] : memref<16384xf32, #tpu.memory_space<hbm>> -> memref<512xf32, #tpu.memory_space<hbm>>
      tpu.wait_dma2 semaphore(%run_scoped3A : memref<!tpu.dma_semaphore, #tpu.memory_space<semaphore_mem>>) src(%arg15 : memref<512xf32, #tpu.memory_space<vmem>>) dst(%dma_wait3A_113 : memref<512xf32, #tpu.memory_space<hbm>>)
      tpu.yield
    }) : () -> ()
    return
  }
}

</mosaic_0001>

<sc_bundles>
// kernel: kernel.3.cloned.1.call-start
scs
__scs_entry_jumppad:
0x0: {  	(pc) =	sbr.rel $0x88, $3  }
0x1: {  	(tag) =	ssettag $0x0;
	lr =	simm.s32 $0x1  }
0x2: {  	[smem:$0x3F9D] =	sst lr;
	_ =	strace $0xD0000000  }
0x3: {  	_ = 	snop  }
0x4: {  	_ = 	snop  }
0x5: {  	_ = 	snop  }
0x6: {  	_ = 	snop  }
0x7: {  	_ = 	snop  }
__scs_overlays_trampoline_lowered:
0x8: {  	[smem:$0x3FAC] =	sst s0  }
0x9: {  	[smem:$0x3FAD] =	sst s1  }
0xa: {  	[smem:$0x3FAE] =	sst s2  }
0xb: {  	[smem:$0x3FAF] =	sst s3  }
0xc: {  	[smem:$0x3FB0] =	sst s4  }
0xd: {  	[smem:$0x3FB1] =	sst s5  }
0xe: {  	[smem:$0x3FB2] =	sst s6  }
0xf: {  	[smem:$0x3FB3] =	sst s7  }
0x10: {  	[smem:$0x3FB4] =	sst s8  }
0x11: {  	[smem:$0x3FB5] =	sst s9;
	s0 =	simm.s32 @!p0 $0x0  }
0x12: {  	s1 =	sld [smem:$0x3F9B];
	s0 =	simm.s32 @p0 $0x1  }
0x13: {  	[smem:$0x3FB6] =	sst s0;
	s0 =	simm.s32 @!p1 $0x0  }
0x14: {  	s2 =	sld [smem:$0x3F9A];
	s0 =	simm.s32 @p1 $0x1  }
0x15: {  	[smem:$0x3FB7] =	sst s0;
	s0 =	simm.s32 @!p2 $0x0  }
0x16: {  	s3 =	sld [smem:$0x3FDB];
	s0 =	simm.s32 @p2 $0x1  }
0x17: {  	s4 =	simm.s32 $0x1BF5;
	[smem:$0x3FB9] =	sst s0  }
0x18: {  	s0 =	sld [smem:$0x3F9C];
	_ =	swait.ge [sflag:s4], $0x0  }
0x19: {  	s7 =	sld [smem:$0x3F9D]  }
0x1a: {  	s8 =	sadd.s32 $0xFFFFE003, lr  }
0x1b: {  	s9 =	sadd.s32 $0xFFFFFEF7, lr;
	s5 =	simm.s32 $0xFFFFFFFF;
	p2 =	slt.u32 s8, $0xFFFFF086  }
0x1c: {  	p1 =	slt.u32 s9, $0xF7A;
	s5 =	simm.s32 @!p2 $0x0  }
0x1d: {  	s5 =	simm.s32 @p1 $0x1;
	p0 =	seq.s32 s7, s2  }
0x1e: {  	s7 =	smul.u32 @!p0 $0xF7A, s2;
	p2 =	seq.s32 @!p0 s5, $0x0  }
0x1f: {  	s9 =	smul.u32 $0xF7A, s1;
	s8 =	simm.s32 @!p0 $0x1BF5;
	p2 =	por !p2, p0  }
0x20: {  	[sflag:s8] =	ssyncset.s32 @!p0 $0xFFFFF086;
	s6 =	sadd.s32 @!p0 s3, s7;
	s7 =	simm.s32 @!p0 $0x108  }
0x21: {  	s3 =	sadd.s32 s3, s9;
	s6 =	sadd.s32 @!p0 $0x88, s6;
	s7 =	simm.s32 @p2 $0x1082  }
0x22: {  	[simem:s7], [sflag:s8] =	dma.local @!p0 [hbm:s6], $0xF7A  }
0x23: {  	s9 =	sor.u32 $0xD0000000, s2;
	s6 =	simm.s32 $0x108;
	_ =	swait.ge @!p0 [sflag:s8], $0x0  }
0x24: {  	s3 =	sadd.s32 $0x88, s3;
	s6 =	simm.s32 @!p1 $0x1082;
	[sflag:s4] =	ssyncset.s32 $0xFFFFF086  }
0x25: {  	[simem:s6], [sflag:s4] =	dma.local [hbm:s3], $0xF7A  }
0x26: {  	[smem:$0x3F9D] =	sst s1;
	(tag) =	ssettag s2;
	_ =	strace s9  }
0x27: {  	s1 =	sld [smem:$0x3FAD]  }
0x28: {  	s2 =	sld [smem:$0x3FAE]  }
0x29: {  	s4 =	sld [smem:$0x3FB0]  }
0x2a: {  	p0 =	seq.s32 s5, $0x0;
	s5 =	sld [smem:$0x3FB1]  }
0x2b: {  	s6 =	sld [smem:$0x3FB2]  }
0x2c: {  	s7 =	sld [smem:$0x3FB3]  }
0x2d: {  	s3 =	simm.s32 $0x108;
	s8 =	sld [smem:$0x3FB4]  }
0x2e: {  	s3 =	simm.s32 @!p0 $0x1082;
	s9 =	sld [smem:$0x3FB5]  }
0x2f: {  	lr =	sadd.s32 s0, s3;
	s0 =	sld [smem:$0x3FAC]  }
0x30: {  	s3 =	sld [smem:$0x3FAF]  }
0x31: {  	[smem:$0x3FB8] =	sst s10  }
0x32: {  	s10 =	sld [smem:$0x3FB6];
	_ =	sdelay $0x3  }
0x33: {  	p0 =	seq.s32 s10, $0x1;
	s10 =	sld [smem:$0x3FB8];
	_ =	sdelay $0x3  }
0x34: {  	[smem:$0x3FB8] =	sst s10  }
0x35: {  	s10 =	sld [smem:$0x3FB7];
	_ =	sdelay $0x3  }
0x36: {  	p1 =	seq.s32 s10, $0x1;
	s10 =	sld [smem:$0x3FB8];
	_ =	sdelay $0x3  }
0x37: {  	[smem:$0x3FB8] =	sst s10  }
0x38: {  	s10 =	sld [smem:$0x3FB9]  }
0x39: {  	_ = 	snop;
	(pc) =	sbr.ind lr, $3  }
0x3a: {  	_ = 	snop  }
0x3b: {  	_ = 	snop  }
0x3c: {  	p2 =	seq.s32 s10, $0x1;
	s10 =	sld [smem:$0x3FB8]  }
0x3d: {  	_ =	shalt  }
0x3e: {  	_ =	shalt  }
0x3f: {  	_ =	shalt  }
0x40: {  	_ =	shalt  }
0x41: {  	_ =	shalt  }
0x42: {  	_ =	shalt  }
0x43: {  	_ =	shalt  }
0x44: {  	_ =	shalt  }
0x45: {  	_ =	shalt  }
0x46: {  	_ =	shalt  }
0x47: {  	_ =	shalt  }
0x48: {  	_ =	shalt  }
0x49: {  	_ =	shalt  }
0x4a: {  	_ =	shalt  }
0x4b: {  	_ =	shalt  }
0x4c: {  	_ =	shalt  }
0x4d: {  	_ =	shalt  }
0x4e: {  	_ =	shalt  }
0x4f: {  	_ =	shalt  }
0x50: {  	_ =	shalt  }
0x51: {  	_ =	shalt  }
0x52: {  	_ =	shalt  }
0x53: {  	_ =	shalt  }
0x54: {  	_ =	shalt  }
0x55: {  	_ =	shalt  }
0x56: {  	_ =	shalt  }
0x57: {  	_ =	shalt  }
0x58: {  	_ =	shalt  }
0x59: {  	_ =	shalt  }
0x5a: {  	_ =	shalt  }
0x5b: {  	_ =	shalt  }
0x5c: {  	_ =	shalt  }
0x5d: {  	_ =	shalt  }
0x5e: {  	_ =	shalt  }
0x5f: {  	_ =	shalt  }
0x60: {  	_ =	shalt  }
0x61: {  	_ =	shalt  }
0x62: {  	_ =	shalt  }
0x63: {  	_ =	shalt  }
0x64: {  	_ =	shalt  }
0x65: {  	_ =	shalt  }
0x66: {  	_ =	shalt  }
0x67: {  	_ =	shalt  }
0x68: {  	_ =	shalt  }
0x69: {  	_ =	shalt  }
0x6a: {  	_ =	shalt  }
0x6b: {  	_ =	shalt  }
0x6c: {  	_ =	shalt  }
0x6d: {  	_ =	shalt  }
0x6e: {  	_ =	shalt  }
0x6f: {  	_ =	shalt  }
0x70: {  	_ =	shalt  }
0x71: {  	_ =	shalt  }
0x72: {  	_ =	shalt  }
0x73: {  	_ =	shalt  }
0x74: {  	_ =	shalt  }
0x75: {  	_ =	shalt  }
0x76: {  	_ =	shalt  }
0x77: {  	_ =	shalt  }
0x78: {  	_ =	shalt  }
0x79: {  	_ =	shalt  }
0x7a: {  	_ =	shalt  }
0x7b: {  	_ =	shalt  }
0x7c: {  	_ =	shalt  }
0x7d: {  	_ =	shalt  }
0x7e: {  	_ =	shalt  }
0x7f: {  	_ =	shalt  }
0x80: {  	_ =	shalt  }
0x81: {  	_ =	shalt  }
0x82: {  	_ =	shalt  }
0x83: {  	_ =	shalt  }
0x84: {  	_ =	shalt  }
0x85: {  	_ =	shalt  }
0x86: {  	_ =	shalt  }
0x87: {  	_ =	shalt  }
.Lfunc_end0:
.L_simem_size_0:
called_computation_lowered:
.L_overlay_start_0:
0x88: {  	s2 =	sld [smem:$0x3FD9]  }
0x89: {  	s3 =	sld [smem:$0x3FFE];
	_ =	sdelay $0x1  }
0x8a: {  	s1 =	srdreg.scid  }
0x8b: {  	s0 =	sand.u32 $0x1, s1  }
0x8c: {  	s17 =	sshll.u32 s0, $0xA;
	s2 =	sadd.s32 s3, s2  }
0x8d: {  	s2 =	sadd.s32 s2, s17  }
0x8e: {  	[smem:$0x3FC4] =	sst s2  }
0x8f: {  	_ = 	snop  }
0x90: {  	s2 =	sld [smem:$0x3FC9]  }
0x91: {  	s18 =	sld [smem:$0x3FC8]  }
0x92: {  	s4 =	sld [smem:$0x3FD0];
	(tm) =	ssettm $0x1  }
0x93: {  	s5 =	sld [smem:$0x3FFB];
	_ =	sdelay $0x3  }
0x94: {  	_ =	strace s5  }
0x95: {  	s5 =	sld [smem:$0x3FFC];
	_ =	sdelay $0x3  }
0x96: {  	_ =	strace s5  }
0x97: {  	s5 =	sld [smem:$0x3FFD];
	_ =	sdelay $0x3  }
0x98: {  	_ =	strace s5  }
0x99: {  	_ =	strace $0x8FFFFFFF  }
0x9a: {  	s19 =	sld [smem:$0x3FDB];
	_ =	sdelay $0x1  }
0x9b: {  	s6 =	simm.s32 $_scs_section_size  }
0x9c: {  	s7 =	simm.s32 $_size__tile_overlayer_lowered;
	s8 =	simm.s32 $_tile_overlayer_lowered  }
0x9d: {  	s22 =	simm.s32 $0x1BFF;
	s21 =	sshll.u32 s8, $0x1;
	s5 =	sadd.s32 s6, s19  }
0x9e: {  	s9 =	simm.s32 $0x0;
	s20 =	sshll.u32 s7, $0x1;
	s7 =	sadd.s32 s21, s5  }
0x9f: {  	[timem:s9], [sflag:s22] =	dma.local [hbm:s7], s20  }
0xa0: {  	_ =	swait.ge [sflag:s22], s20  }
0xa1: {  	s6 =	ssub.s32 $0x0, s20;
	[sflag:s22] =	ssyncset.done $0x0  }
0xa2: {  	[sflag:s22] =	ssyncadd.s32 s6;
	_ =	sdelay $0x1  }
0xa3: {  	s23 =	simm.s32 $0x1B8B  }
0xa4: {  	_ =	swait.ge [sflag:s23], $0x1  }
0xa5: {  	[sflag:s23] =	ssyncset.done $0x0  }
0xa6: {  	s25 =	simm.s32 $0x1B8E;
	s24 =	sld [smem:$0x3FFE];
	[sflag:s23] =	ssyncadd.s32 $0xFFFFFFFF  }
0xa7: {  	s26 =	simm.s32 $execute0_lowered;
	[smem:$0x3FD2] =	sst s25  }
0xa8: {  	s7 =	sshll.u32 s26, $0x1;
	_ =	strace $0x80000046;
	[dreg:$0x1] =	wrdreg $0xFFFFFFFF  }
0xa9: {  	s28 =	simm.s32 $_size_execute0_lowered;
	s5 =	sadd.s32 s5, s7;
	[dreg:$0x0] =	wrdreg $0x0  }
0xaa: {  	s7 =	sshll.u32 s28, $0x1;
	[dreg:$0x2] =	wrdreg s5  }
0xab: {  	[dreg:$0x3] =	wrdreg s7  }
0xac: {  	[dreg:$0x4] =	wrdreg $0xC0  }
0xad: {  	_ =	task [dreg:s9], $0x5FFFF  }
0xae: {  	[dreg:$0x1] =	wrdreg $0xFFFFFFFF  }
0xaf: {  	[dreg:$0x0] =	wrdreg $0x60  }
0xb0: {  	[dreg:$0x2] =	wrdreg s2  }
0xb1: {  	[dreg:$0x3] =	wrdreg s18  }
0xb2: {  	[dreg:$0x4] =	wrdreg s24  }
0xb3: {  	[dreg:$0x5] =	wrdreg s4  }
0xb4: {  	[dreg:$0x6] =	wrdreg $0x9  }
0xb5: {  	_ =	task.clear_ibuf [dreg:s9], $0x7FFFF;
	_ =	strace $0x90000046  }
0xb6: {  	s29 =	simm.s32 $0x9;
	_ =	strace $0x80000048  }
0xb7: {  	_ =	swait.ge [sflag:s29], $0x1  }
0xb8: {  	[sflag:s29] =	ssyncadd.s32 $0xFFFFFFFF  }
0xb9: {  	_ =	strace $0x90000048  }
0xba: {  	_ =	sfence  }
0xbb: {  	s30 =	sld [smem:$0x0];
	_ =	sdelay $0x2  }
0xbc: {  	s31 =	sshll.u32 s1, $0xD;
	s1 =	sshrl.u32 s1, $0x2  }
0xbd: {  	s3 =	sand.u32 $0x4000, s31;
	s1 =	sadd.s32 s1, s30  }
0xbe: {  	s0 =	sor.u32 s3, s0;
	s1 =	sshll.u32 s1, $0x11  }
0xbf: {  	s0 =	sor.u32 s1, s0  }
0xc0: {  	s0 =	sadd.s32 $0x8F2B, s0  }
0xc1: {  	[sflag:s0] =	ssyncadd.remote.s32 $0x1  }
0xc2: {  	_ =	sfence.sel $0xFFFF  }
0xc3: {  	[dreg:$0x0] =	wrdreg $0xFFFFFFFF;
	(pc) =	sbr.abs _section_cstart, $3  }
0xc4: {  	[dreg:$0x1] =	wrdreg $0xFFFFFFFF  }
0xc5: {  	_ =	task.clear_ibuf [dreg:s9], $0x2FFFF;
	_ =	strace $0x9FFFFFFF  }
0xc6: {  	(tm) =	ssettm $0x7FFFFFFF  }
0xc7: {  	_ =	shalt  }
tec
execute0_lowered:
.L_overlay_start_1:
0x0: {  	(tag) =	ssettag $0x1  }
0x1: {  	s0 =	rddreg [dreg:$0x0]  }
0x2: {  	s2 =	rddreg [dreg:$0x1]  }
0x3: {  	s4 =	rddreg [dreg:$0x2]  }
0x4: {  	s7 =	rddreg [dreg:$0x3];
	s1 =	simm.s32 $0x0  }
0x5: {  	s5 =	srdreg.scid;
	s8 =	stileid.u32;
	s10 =	simm.s32 $0x200  }
0x6: {  	s11 =	simm.s32 $0x80;
	s12 =	simm.s32 $0x400;
	s13 =	simm.s32 $0x800  }
0x7: {  	s14 =	simm.s32 $0x600;
	s15 =	simm.s32 $0x8800;
	s16 =	simm.s32 $0x480  }
0x8: {  	s17 =	simm.s32 $0x4800;
	s18 =	simm.s32 $0x680;
	s19 =	simm.s32 $0xC800  }
0x9: {  	s20 =	simm.s32 $0x1;
	s21 =	simm.s32 $0x2;
	s22 =	simm.s32 $0x500  }
0xa: {  	s23 =	simm.s32 $0x700;
	s24 =	simm.s32 $0x580;
	s25 =	simm.s32 $0x780  }
0xb: {  	s26 =	simm.s32 $0x10800;
	s28 =	simm.s32 $0x0;
	[smem:$0x7FF] =	sst s1  }
0xc: {  	s3 =	sadd.s32 $0xF42800, s4;
	s5 =	sand.u32 $0x1, s5;
	s8 =	sshll.u32 s8, $0x7  }
0xd: {  	s4 =	sadd.s32 $0x1313200, s4;
	s6 =	ssub.s32 $0x2, s5;
	s5 =	sshll.u32 s5, $0x6  }
0xe: {  	_ =	strace $0x80000047;
	s9 =	sshrl.u32 s6, $0x1;
	s8 =	sor.u32 s5, s8  }
0xf: {  	v0 =	vlaneseq.u32;
	s9 =	ssub.s32 s6, s9;
	s5 =	sadd.s32 s0, s8;
	s6 =	sadd.s32 s2, s8  }
0x10: {  	v0 =	vmul.u32 $0x80, v0;
	s7 =	sadd.s32 s7, s8;
	s8 =	smax.u32 s9, $0x1;
	s9 =	simm.s32 $0x3  }
.LBB2_1:
0x11: {  	[tilespmem:s1], [sflag:$0x3] =	stream.linear.gather [hbm4b:s5+s1], $0x200, $0x38;
	[tilespmem:$0x10A00] =	vst v63  }
0x12: {  	_ =	swait.ge [sflag:s9], $0x200  }
0x13: {  	[sflag:s9] =	ssyncset.done $0x0  }
0x14: {  	[sflag:s9] =	ssyncadd.s32 $0xFFFFFE00  }
0x15: {  	[tilespmem:s10], [sflag:$0x3] =	stream.linear.gather [hbm4b:s6+s1], $0x200, $0x38;
	[tilespmem:$0x10A00] =	vst v63  }
0x16: {  	_ =	swait.ge [sflag:s9], $0x200  }
0x17: {  	[sflag:s9] =	ssyncset.done $0x0  }
0x18: {  	s0 =	simm.s32 $0x0;
	[sflag:s9] =	ssyncadd.s32 $0xFFFFFE00  }
0x19: {  	v1 =	vld [tilespmem:s0+$0x200]  }
0x1a: {  	s2 =	simm.s32 $0x40;
	v2 =	vld [tilespmem:s0+$0x0]  }
.LBB2_2:
0x1b: {  	p0 =	sne.s32 s2, $0x7C0  }
.Ltmp0:
0x1c: {  	_ = 	snop;
	(pc) =	sbr.rel @p0 .LBB2_2-.Ltmp0, $4  }
0x1d: {  	_ = 	snop  }
0x1e: {  	s29 =	sshra.s32 s2, $0x2;
	s2 =	sadd.s32 $0x40, s2;
	v3 =	vshrl.u32 v1, $0x2  }
0x1f: {  	v1 =	vld [tilespmem:s29+$0x200];
	v4 =	vshrl.u32 v2, $0x2;
	[tilespmem:s0+$0x600] =	vst v3  }
0x20: {  	v2 =	vld [tilespmem:s29+$0x0];
	[tilespmem:s0+$0x400] =	vst v4;
	s0 =	smov.u32 s29  }
0x21: {  	_ =	sdelay $0x2  }
0x22: {  	v1 =	vshrl.u32 v1, $0x2  }
0x23: {  	v2 =	vshrl.u32 v2, $0x2;
	[tilespmem:s0+$0x600] =	vst v1  }
0x24: {  	[tilespmem:s0+$0x400] =	vst v2  }
0x25: {  	[tilespmem:s13], [sflag:$0x1] =	stream.indirect.gather [hbm4b:s3+s11], $0x80, s12, s11, $0xb8;
	[tilespmem:$0x10A00] =	vst v63  }
0x26: {  	_ = 	snop  }
0x27: {  	[tilespmem:s15], [sflag:$0x2] =	stream.indirect.gather [hbm4b:s4+s11], $0x80, s14, s11, $0xb8;
	[tilespmem:$0x10A00] =	vst v63  }
0x28: {  	_ = 	snop  }
0x29: {  	[tilespmem:s17], [sflag:$0x1] =	stream.indirect.gather [hbm4b:s3+s11], $0x80, s16, s11, $0xb8;
	[tilespmem:$0x10A00] =	vst v63  }
0x2a: {  	_ = 	snop  }
0x2b: {  	[tilespmem:s19], [sflag:$0x2] =	stream.indirect.gather [hbm4b:s4+s11], $0x80, s18, s11, $0xb8;
	[tilespmem:$0x10A00] =	vst v63  }
0x2c: {  	_ =	swait.ge [sflag:s20], $0x4000  }
0x2d: {  	[sflag:s20] =	ssyncset.done $0x0  }
0x2e: {  	[sflag:s20] =	ssyncadd.s32 $0xFFFFC000  }
0x2f: {  	_ =	swait.ge [sflag:s21], $0x4000  }
0x30: {  	[sflag:s21] =	ssyncset.done $0x0  }
0x31: {  	s0 =	simm.s32 $0x0;
	[sflag:s21] =	ssyncadd.s32 $0xFFFFC000  }
0x32: {  	s2 =	simm.s32 $0x200;
	v1 =	vld [tilespmem:s0+$0x0]  }
0x33: {  	v2 =	vld [tilespmem:s2+$0x0];
	_ =	sdelay $0x2  }
0x34: {  	v3 =	vmov s0  }
0x35: {  	v3 =	vshll.u32 v3, $0x7;
	v1 =	vshll.u32 v1, $0x5  }
0x36: {  	v3 =	vor.u32 v0, v3;
	v2 =	vshll.u32 v2, $0x5;
	v1 =	vand.u32 $0x60, v1  }
0x37: {  	v4 =	vand.u32 $0x60, v2;
	v2 =	vor.u32 v3, v1  }
0x38: {  	v1 =	vor.u32 v3, v4  }
0x39: {  	v3 =	vor.u32 $0x1, v2  }
0x3a: {  	v4 =	vor.u32 $0x1, v1  }
0x3b: {  	v5 =	vor.u32 $0x2, v2  }
0x3c: {  	v7 =	vor.u32 $0x2, v1;
	v6 =	vld.idx.msk [tilespmem:v2+s13+$0x0], $0xffff  }
0x3d: {  	v9 =	vor.u32 $0x3, v2;
	v8 =	vld.idx.msk [tilespmem:v1+s15+$0x0], $0xffff  }
0x3e: {  	v10 =	vor.u32 $0x3, v1;
	v3 =	vld.idx.msk [tilespmem:v3+s13+$0x0], $0xffff  }
0x3f: {  	v11 =	vor.u32 $0x4, v2;
	v4 =	vld.idx.msk [tilespmem:v4+s15+$0x0], $0xffff  }
0x40: {  	v12 =	vor.u32 $0x4, v1;
	v5 =	vld.idx.msk [tilespmem:v5+s13+$0x0], $0xffff  }
0x41: {  	v13 =	vor.u32 $0x5, v2;
	v7 =	vld.idx.msk [tilespmem:v7+s15+$0x0], $0xffff  }
0x42: {  	v14 =	vor.u32 $0x5, v1;
	v9 =	vld.idx.msk [tilespmem:v9+s13+$0x0], $0xffff;
	v6 =	vmul.f32 v8, v6  }
0x43: {  	v49 =	vor.u32 $0x6, v2;
	v48 =	vld.idx.msk [tilespmem:v10+s15+$0x0], $0xffff  }
0x44: {  	v15 =	vor.u32 $0x6, v1;
	v11 =	vld.idx.msk [tilespmem:v11+s13+$0x0], $0xffff;
	v3 =	vmul.f32 v4, v3;
	v6 =	vadd.f32 $0.0e+00, v6  }
0x45: {  	v51 =	vor.u32 $0x7, v2;
	v50 =	vld.idx.msk [tilespmem:v12+s15+$0x0], $0xffff  }
0x46: {  	v16 =	vor.u32 $0x7, v1;
	v13 =	vld.idx.msk [tilespmem:v13+s13+$0x0], $0xffff;
	v5 =	vmul.f32 v7, v5;
	v3 =	vadd.f32 v3, v6  }
0x47: {  	v54 =	vor.u32 $0x8, v1;
	v52 =	vld.idx.msk [tilespmem:v14+s15+$0x0], $0xffff  }
0x48: {  	v53 =	vor.u32 $0x8, v2;
	v10 =	vld.idx.msk [tilespmem:v49+s13+$0x0], $0xffff;
	v55 =	vmul.f32 v48, v9;
	v3 =	vadd.f32 v5, v3  }
0x49: {  	v58 =	vor.u32 $0x9, v1;
	v56 =	vld.idx.msk [tilespmem:v15+s15+$0x0], $0xffff  }
0x4a: {  	v57 =	vor.u32 $0x9, v2;
	v12 =	vld.idx.msk [tilespmem:v51+s13+$0x0], $0xffff;
	v4 =	vmul.f32 v50, v11;
	v3 =	vadd.f32 v55, v3  }
0x4b: {  	v61 =	vor.u32 $0xA, v1;
	v59 =	vld.idx.msk [tilespmem:v16+s15+$0x0], $0xffff  }
0x4c: {  	v60 =	vor.u32 $0xA, v2;
	v63 =	vld.idx.msk [tilespmem:v54+s15+$0x0], $0xffff;
	v62 =	vmul.f32 v52, v13;
	v3 =	vadd.f32 v4, v3  }
0x4d: {  	v20 =	vor.u32 $0xB, v1;
	v7 =	vld.idx.msk [tilespmem:v53+s13+$0x0], $0xffff  }
0x4e: {  	v19 =	vor.u32 $0xB, v2;
	v22 =	vld.idx.msk [tilespmem:v58+s15+$0x0], $0xffff;
	v21 =	vmul.f32 v56, v10;
	v3 =	vadd.f32 v62, v3  }
0x4f: {  	v24 =	vor.u32 $0xC, v1;
	v9 =	vld.idx.msk [tilespmem:v57+s13+$0x0], $0xffff  }
0x50: {  	v23 =	vor.u32 $0xC, v2;
	v26 =	vld.idx.msk [tilespmem:v61+s15+$0x0], $0xffff;
	v25 =	vmul.f32 v59, v12;
	v3 =	vadd.f32 v21, v3  }
0x51: {  	v28 =	vor.u32 $0xD, v1;
	v11 =	vld.idx.msk [tilespmem:v60+s13+$0x0], $0xffff  }
0x52: {  	v27 =	vor.u32 $0xD, v2;
	v30 =	vld.idx.msk [tilespmem:v20+s15+$0x0], $0xffff;
	v29 =	vmul.f32 v63, v7;
	v3 =	vadd.f32 v25, v3  }
0x53: {  	v32 =	vor.u32 $0xE, v1;
	v13 =	vld.idx.msk [tilespmem:v19+s13+$0x0], $0xffff  }
0x54: {  	v31 =	vor.u32 $0xE, v2;
	v34 =	vld.idx.msk [tilespmem:v24+s15+$0x0], $0xffff;
	v33 =	vmul.f32 v22, v9;
	v3 =	vadd.f32 v29, v3  }
0x55: {  	v36 =	vor.u32 $0xF, v1;
	v10 =	vld.idx.msk [tilespmem:v23+s13+$0x0], $0xffff  }
0x56: {  	v35 =	vor.u32 $0xF, v2;
	v38 =	vld.idx.msk [tilespmem:v28+s15+$0x0], $0xffff;
	v37 =	vmul.f32 v26, v11;
	v3 =	vadd.f32 v33, v3  }
0x57: {  	v40 =	vor.u32 $0x10, v1;
	v12 =	vld.idx.msk [tilespmem:v27+s13+$0x0], $0xffff  }
0x58: {  	v39 =	vor.u32 $0x10, v2;
	v42 =	vld.idx.msk [tilespmem:v32+s15+$0x0], $0xffff;
	v41 =	vmul.f32 v30, v13;
	v3 =	vadd.f32 v37, v3  }
0x59: {  	v44 =	vor.u32 $0x11, v1;
	v7 =	vld.idx.msk [tilespmem:v31+s13+$0x0], $0xffff  }
0x5a: {  	v43 =	vor.u32 $0x11, v2;
	v46 =	vld.idx.msk [tilespmem:v36+s15+$0x0], $0xffff;
	v45 =	vmul.f32 v34, v10;
	v3 =	vadd.f32 v41, v3  }
0x5b: {  	v47 =	vor.u32 $0x12, v2;
	v9 =	vld.idx.msk [tilespmem:v35+s13+$0x0], $0xffff  }
0x5c: {  	v48 =	vor.u32 $0x12, v1;
	v50 =	vld.idx.msk [tilespmem:v40+s15+$0x0], $0xffff;
	v49 =	vmul.f32 v38, v12;
	v3 =	vadd.f32 v45, v3  }
0x5d: {  	v51 =	vor.u32 $0x13, v2;
	v11 =	vld.idx.msk [tilespmem:v39+s13+$0x0], $0xffff  }
0x5e: {  	v54 =	vld.idx.msk [tilespmem:v44+s15+$0x0], $0xffff;
	v52 =	vor.u32 $0x13, v1;
	v53 =	vmul.f32 v42, v7;
	v3 =	vadd.f32 v49, v3  }
0x5f: {  	v56 =	vor.u32 $0x14, v1;
	v13 =	vld.idx.msk [tilespmem:v43+s13+$0x0], $0xffff  }
0x60: {  	v10 =	vld.idx.msk [tilespmem:v47+s13+$0x0], $0xffff;
	v55 =	vor.u32 $0x14, v2;
	v57 =	vmul.f32 v46, v9;
	v3 =	vadd.f32 v53, v3  }
0x61: {  	v60 =	vor.u32 $0x15, v1;
	v58 =	vld.idx.msk [tilespmem:v48+s15+$0x0], $0xffff  }
0x62: {  	v59 =	vor.u32 $0x15, v2;
	v12 =	vld.idx.msk [tilespmem:v51+s13+$0x0], $0xffff;
	v61 =	vmul.f32 v50, v11;
	v3 =	vadd.f32 v57, v3  }
0x63: {  	v20 =	vor.u32 $0x16, v1;
	v62 =	vld.idx.msk [tilespmem:v52+s15+$0x0], $0xffff  }
0x64: {  	v63 =	vor.u32 $0x16, v2;
	v22 =	vld.idx.msk [tilespmem:v56+s15+$0x0], $0xffff;
	v21 =	vmul.f32 v54, v13;
	v3 =	vadd.f32 v61, v3  }
0x65: {  	v24 =	vor.u32 $0x17, v1;
	v7 =	vld.idx.msk [tilespmem:v55+s13+$0x0], $0xffff  }
0x66: {  	v23 =	vor.u32 $0x17, v2;
	v26 =	vld.idx.msk [tilespmem:v60+s15+$0x0], $0xffff;
	v25 =	vmul.f32 v58, v10;
	v3 =	vadd.f32 v21, v3  }
0x67: {  	v28 =	vor.u32 $0x18, v1;
	v9 =	vld.idx.msk [tilespmem:v59+s13+$0x0], $0xffff  }
0x68: {  	v27 =	vor.u32 $0x18, v2;
	v30 =	vld.idx.msk [tilespmem:v20+s15+$0x0], $0xffff;
	v29 =	vmul.f32 v62, v12;
	v3 =	vadd.f32 v25, v3  }
0x69: {  	v32 =	vor.u32 $0x19, v1;
	v11 =	vld.idx.msk [tilespmem:v63+s13+$0x0], $0xffff  }
0x6a: {  	v31 =	vor.u32 $0x19, v2;
	v34 =	vld.idx.msk [tilespmem:v24+s15+$0x0], $0xffff;
	v33 =	vmul.f32 v22, v7;
	v3 =	vadd.f32 v29, v3  }
0x6b: {  	v36 =	vor.u32 $0x1A, v1;
	v13 =	vld.idx.msk [tilespmem:v23+s13+$0x0], $0xffff  }
0x6c: {  	v35 =	vor.u32 $0x1A, v2;
	v38 =	vld.idx.msk [tilespmem:v28+s15+$0x0], $0xffff;
	v37 =	vmul.f32 v26, v9;
	v3 =	vadd.f32 v33, v3  }
0x6d: {  	v40 =	vor.u32 $0x1B, v1;
	v10 =	vld.idx.msk [tilespmem:v27+s13+$0x0], $0xffff  }
0x6e: {  	v39 =	vor.u32 $0x1B, v2;
	v42 =	vld.idx.msk [tilespmem:v32+s15+$0x0], $0xffff;
	v41 =	vmul.f32 v30, v11;
	v3 =	vadd.f32 v37, v3  }
0x6f: {  	v44 =	vor.u32 $0x1C, v1;
	v12 =	vld.idx.msk [tilespmem:v31+s13+$0x0], $0xffff  }
0x70: {  	v43 =	vor.u32 $0x1C, v2;
	v46 =	vld.idx.msk [tilespmem:v36+s15+$0x0], $0xffff;
	v45 =	vmul.f32 v34, v13;
	v3 =	vadd.f32 v41, v3  }
0x71: {  	v47 =	vor.u32 $0x1D, v2;
	v7 =	vld.idx.msk [tilespmem:v35+s13+$0x0], $0xffff  }
0x72: {  	v48 =	vor.u32 $0x1D, v1;
	v50 =	vld.idx.msk [tilespmem:v40+s15+$0x0], $0xffff;
	v49 =	vmul.f32 v38, v10;
	v3 =	vadd.f32 v45, v3  }
0x73: {  	v51 =	vor.u32 $0x1E, v2;
	v9 =	vld.idx.msk [tilespmem:v39+s13+$0x0], $0xffff  }
0x74: {  	v52 =	vor.u32 $0x1E, v1;
	v54 =	vld.idx.msk [tilespmem:v44+s15+$0x0], $0xffff;
	v53 =	vmul.f32 v42, v12;
	v3 =	vadd.f32 v49, v3  }
0x75: {  	v2 =	vor.u32 $0x1F, v2;
	v11 =	vld.idx.msk [tilespmem:v43+s13+$0x0], $0xffff  }
0x76: {  	v1 =	vor.u32 $0x1F, v1;
	v55 =	vld.idx.msk [tilespmem:v47+s13+$0x0], $0xffff;
	v56 =	vmul.f32 v46, v7;
	v3 =	vadd.f32 v53, v3  }
0x77: {  	v57 =	vld.idx.msk [tilespmem:v48+s15+$0x0], $0xffff  }
0x78: {  	v58 =	vld.idx.msk [tilespmem:v51+s13+$0x0], $0xffff;
	v59 =	vmul.f32 v50, v9;
	v3 =	vadd.f32 v56, v3  }
0x79: {  	v60 =	vld.idx.msk [tilespmem:v52+s15+$0x0], $0xffff  }
0x7a: {  	v2 =	vld.idx.msk [tilespmem:v2+s13+$0x0], $0xffff;
	v61 =	vmul.f32 v54, v11;
	v3 =	vadd.f32 v59, v3  }
0x7b: {  	v1 =	vld.idx.msk [tilespmem:v1+s15+$0x0], $0xffff  }
0x7c: {  	v62 =	vmul.f32 v57, v55;
	v3 =	vadd.f32 v61, v3;
	_ =	sdelay $0x1  }
0x7d: {  	v63 =	vmul.f32 v60, v58;
	v3 =	vadd.f32 v62, v3;
	_ =	sdelay $0x1  }
0x7e: {  	v1 =	vmul.f32 v1, v2;
	v3 =	vadd.f32 v63, v3;
	_ =	sdelay $0x1  }
0x7f: {  	v1 =	vadd.f32 v1, v3;
	_ =	sdelay $0x1  }
0x80: {  	v1 =	vsub.f32 $0.0e+00, v1;
	_ =	sdelay $0x1  }
0x81: {  	v1 =	vmul.f32 $1.442695020e+00, v1;
	_ =	sdelay $0x1  }
0x82: {  	(erf) = vpow2.f32 v1;
	_ =	sdelay $0x8  }
0x83: {  	v1 =	vpop (erf)  }
0x84: {  	v1 =	vadd.f32 $1.000000000e+00, v1;
	_ =	sdelay $0x1  }
0x85: {  	(erf) = vrcp.f32 v1;
	_ =	sdelay $0x8  }
0x86: {  	s29 =	simm.s32 $0x10800;
	v1 =	vpop (erf)  }
0x87: {  	s30 =	simm.s32 $0x10;
	[tilespmem:s29+$0x0] =	vst v1  }
0x88: {  	s31 =	simm.s32 $0x210;
	v1 =	vld [tilespmem:s30+$0x0]  }
0x89: {  	s0 =	simm.s32 $0x20;
	s2 =	simm.s32 $0x10;
	v2 =	vld [tilespmem:s31+$0x0]  }
.LBB2_4:
0x8a: {  	p0 =	sne.s32 s0, $0x70;
	_ =	sdelay $0x1  }
0x8b: {  	v3 =	vmov s30;
	s30 =	smov.u32 s0  }
0x8c: {  	v3 =	vshll.u32 v3, $0x7;
	v1 =	vshll.u32 v1, $0x5  }
0x8d: {  	v3 =	vor.u32 v0, v3;
	v1 =	vand.u32 $0x60, v1;
	v2 =	vshll.u32 v2, $0x5  }
0x8e: {  	v4 =	vand.u32 $0x60, v2;
	v2 =	vor.u32 v3, v1  }
0x8f: {  	v1 =	vor.u32 v3, v4  }
0x90: {  	v3 =	vor.u32 $0x1, v2  }
0x91: {  	v4 =	vor.u32 $0x1, v1  }
0x92: {  	v5 =	vor.u32 $0x2, v2  }
0x93: {  	v7 =	vor.u32 $0x2, v1;
	v6 =	vld.idx.msk [tilespmem:v2+s13+$0x0], $0xffff  }
0x94: {  	v9 =	vor.u32 $0x3, v2;
	v8 =	vld.idx.msk [tilespmem:v1+s15+$0x0], $0xffff  }
0x95: {  	v10 =	vor.u32 $0x3, v1;
	v3 =	vld.idx.msk [tilespmem:v3+s13+$0x0], $0xffff  }
0x96: {  	v11 =	vor.u32 $0x4, v2;
	v4 =	vld.idx.msk [tilespmem:v4+s15+$0x0], $0xffff  }
0x97: {  	v12 =	vor.u32 $0x4, v1;
	v5 =	vld.idx.msk [tilespmem:v5+s13+$0x0], $0xffff  }
0x98: {  	v13 =	vor.u32 $0x5, v2;
	v7 =	vld.idx.msk [tilespmem:v7+s15+$0x0], $0xffff  }
0x99: {  	v14 =	vor.u32 $0x5, v1;
	v9 =	vld.idx.msk [tilespmem:v9+s13+$0x0], $0xffff  }
0x9a: {  	v6 =	vmul.f32 v8, v6;
	v8 =	vld.idx.msk [tilespmem:v10+s15+$0x0], $0xffff;
	v10 =	vor.u32 $0x6, v2  }
0x9b: {  	v15 =	vor.u32 $0x6, v1;
	v11 =	vld.idx.msk [tilespmem:v11+s13+$0x0], $0xffff  }
0x9c: {  	v6 =	vadd.f32 $0.0e+00, v6;
	v3 =	vmul.f32 v4, v3;
	v4 =	vld.idx.msk [tilespmem:v12+s15+$0x0], $0xffff;
	v12 =	vor.u32 $0x7, v2  }
0x9d: {  	v16 =	vor.u32 $0x7, v1;
	v13 =	vld.idx.msk [tilespmem:v13+s13+$0x0], $0xffff  }
0x9e: {  	v3 =	vadd.f32 v3, v6;
	v5 =	vmul.f32 v7, v5;
	v7 =	vor.u32 $0x8, v2;
	v6 =	vld.idx.msk [tilespmem:v14+s15+$0x0], $0xffff  }
0x9f: {  	v14 =	vor.u32 $0x8, v1;
	v10 =	vld.idx.msk [tilespmem:v10+s13+$0x0], $0xffff  }
0xa0: {  	v3 =	vadd.f32 v5, v3;
	v5 =	vmul.f32 v8, v9;
	v9 =	vor.u32 $0x9, v2;
	v8 =	vld.idx.msk [tilespmem:v15+s15+$0x0], $0xffff  }
0xa1: {  	v15 =	vor.u32 $0x9, v1;
	v12 =	vld.idx.msk [tilespmem:v12+s13+$0x0], $0xffff  }
0xa2: {  	v3 =	vadd.f32 v5, v3;
	v4 =	vmul.f32 v4, v11;
	v11 =	vor.u32 $0xA, v2;
	v5 =	vld.idx.msk [tilespmem:v16+s15+$0x0], $0xffff  }
0xa3: {  	v16 =	vor.u32 $0xA, v1;
	v7 =	vld.idx.msk [tilespmem:v7+s13+$0x0], $0xffff  }
0xa4: {  	v3 =	vadd.f32 v4, v3;
	v4 =	vmul.f32 v6, v13;
	v13 =	vor.u32 $0xB, v2;
	v6 =	vld.idx.msk [tilespmem:v14+s15+$0x0], $0xffff  }
0xa5: {  	v14 =	vor.u32 $0xB, v1;
	v9 =	vld.idx.msk [tilespmem:v9+s13+$0x0], $0xffff  }
0xa6: {  	v3 =	vadd.f32 v4, v3;
	v4 =	vmul.f32 v8, v10;
	v10 =	vor.u32 $0xC, v2;
	v8 =	vld.idx.msk [tilespmem:v15+s15+$0x0], $0xffff  }
0xa7: {  	v15 =	vor.u32 $0xC, v1;
	v11 =	vld.idx.msk [tilespmem:v11+s13+$0x0], $0xffff  }
0xa8: {  	v3 =	vadd.f32 v4, v3;
	v4 =	vmul.f32 v5, v12;
	v12 =	vor.u32 $0xD, v2;
	v5 =	vld.idx.msk [tilespmem:v16+s15+$0x0], $0xffff  }
0xa9: {  	v16 =	vor.u32 $0xD, v1;
	v13 =	vld.idx.msk [tilespmem:v13+s13+$0x0], $0xffff  }
0xaa: {  	v3 =	vadd.f32 v4, v3;
	v4 =	vmul.f32 v6, v7;
	v7 =	vor.u32 $0xE, v2;
	v6 =	vld.idx.msk [tilespmem:v14+s15+$0x0], $0xffff  }
0xab: {  	v14 =	vor.u32 $0xE, v1;
	v10 =	vld.idx.msk [tilespmem:v10+s13+$0x0], $0xffff  }
0xac: {  	v3 =	vadd.f32 v4, v3;
	v4 =	vmul.f32 v8, v9;
	v9 =	vor.u32 $0xF, v2;
	v8 =	vld.idx.msk [tilespmem:v15+s15+$0x0], $0xffff  }
0xad: {  	v15 =	vor.u32 $0xF, v1;
	v12 =	vld.idx.msk [tilespmem:v12+s13+$0x0], $0xffff  }
0xae: {  	v3 =	vadd.f32 v4, v3;
	v4 =	vmul.f32 v5, v11;
	v11 =	vor.u32 $0x10, v2;
	v5 =	vld.idx.msk [tilespmem:v16+s15+$0x0], $0xffff  }
0xaf: {  	v16 =	vor.u32 $0x10, v1;
	v7 =	vld.idx.msk [tilespmem:v7+s13+$0x0], $0xffff  }
0xb0: {  	v3 =	vadd.f32 v4, v3;
	v4 =	vmul.f32 v6, v13;
	v13 =	vor.u32 $0x11, v2;
	v6 =	vld.idx.msk [tilespmem:v14+s15+$0x0], $0xffff  }
0xb1: {  	v14 =	vor.u32 $0x11, v1;
	v9 =	vld.idx.msk [tilespmem:v9+s13+$0x0], $0xffff  }
0xb2: {  	v3 =	vadd.f32 v4, v3;
	v4 =	vmul.f32 v8, v10;
	v10 =	vor.u32 $0x12, v2;
	v8 =	vld.idx.msk [tilespmem:v15+s15+$0x0], $0xffff  }
0xb3: {  	v15 =	vor.u32 $0x12, v1;
	v11 =	vld.idx.msk [tilespmem:v11+s13+$0x0], $0xffff  }
0xb4: {  	v3 =	vadd.f32 v4, v3;
	v4 =	vmul.f32 v5, v12;
	v12 =	vor.u32 $0x13, v2;
	v5 =	vld.idx.msk [tilespmem:v16+s15+$0x0], $0xffff  }
0xb5: {  	v16 =	vor.u32 $0x13, v1;
	v13 =	vld.idx.msk [tilespmem:v13+s13+$0x0], $0xffff  }
0xb6: {  	v3 =	vadd.f32 v4, v3;
	v4 =	vmul.f32 v6, v7;
	v7 =	vor.u32 $0x14, v2;
	v6 =	vld.idx.msk [tilespmem:v14+s15+$0x0], $0xffff  }
0xb7: {  	v14 =	vor.u32 $0x14, v1;
	v10 =	vld.idx.msk [tilespmem:v10+s13+$0x0], $0xffff  }
0xb8: {  	v3 =	vadd.f32 v4, v3;
	v4 =	vmul.f32 v8, v9;
	v9 =	vor.u32 $0x15, v2;
	v8 =	vld.idx.msk [tilespmem:v15+s15+$0x0], $0xffff  }
0xb9: {  	v15 =	vor.u32 $0x15, v1;
	v12 =	vld.idx.msk [tilespmem:v12+s13+$0x0], $0xffff  }
0xba: {  	v3 =	vadd.f32 v4, v3;
	v4 =	vmul.f32 v5, v11;
	v11 =	vor.u32 $0x16, v2;
	v5 =	vld.idx.msk [tilespmem:v16+s15+$0x0], $0xffff  }
0xbb: {  	v16 =	vor.u32 $0x16, v1;
	v7 =	vld.idx.msk [tilespmem:v7+s13+$0x0], $0xffff  }
0xbc: {  	v3 =	vadd.f32 v4, v3;
	v4 =	vmul.f32 v6, v13;
	v13 =	vor.u32 $0x17, v2;
	v6 =	vld.idx.msk [tilespmem:v14+s15+$0x0], $0xffff  }
0xbd: {  	v14 =	vor.u32 $0x17, v1;
	v9 =	vld.idx.msk [tilespmem:v9+s13+$0x0], $0xffff  }
0xbe: {  	v3 =	vadd.f32 v4, v3;
	v4 =	vmul.f32 v8, v10;
	v10 =	vor.u32 $0x18, v2;
	v8 =	vld.idx.msk [tilespmem:v15+s15+$0x0], $0xffff  }
0xbf: {  	v15 =	vor.u32 $0x18, v1;
	v11 =	vld.idx.msk [tilespmem:v11+s13+$0x0], $0xffff  }
0xc0: {  	v3 =	vadd.f32 v4, v3;
	v4 =	vmul.f32 v5, v12;
	v12 =	vor.u32 $0x19, v2;
	v5 =	vld.idx.msk [tilespmem:v16+s15+$0x0], $0xffff  }
0xc1: {  	v16 =	vor.u32 $0x19, v1;
	v13 =	vld.idx.msk [tilespmem:v13+s13+$0x0], $0xffff  }
0xc2: {  	v3 =	vadd.f32 v4, v3;
	v4 =	vmul.f32 v6, v7;
	v7 =	vor.u32 $0x1A, v2;
	v6 =	vld.idx.msk [tilespmem:v14+s15+$0x0], $0xffff  }
0xc3: {  	v14 =	vor.u32 $0x1A, v1;
	v10 =	vld.idx.msk [tilespmem:v10+s13+$0x0], $0xffff  }
0xc4: {  	v3 =	vadd.f32 v4, v3;
	v4 =	vmul.f32 v8, v9;
	v9 =	vor.u32 $0x1B, v2;
	v8 =	vld.idx.msk [tilespmem:v15+s15+$0x0], $0xffff  }
0xc5: {  	v15 =	vor.u32 $0x1B, v1;
	v12 =	vld.idx.msk [tilespmem:v12+s13+$0x0], $0xffff  }
0xc6: {  	v3 =	vadd.f32 v4, v3;
	v4 =	vmul.f32 v5, v11;
	v11 =	vor.u32 $0x1C, v2;
	v5 =	vld.idx.msk [tilespmem:v16+s15+$0x0], $0xffff  }
0xc7: {  	v16 =	vor.u32 $0x1C, v1;
	v7 =	vld.idx.msk [tilespmem:v7+s13+$0x0], $0xffff  }
0xc8: {  	v3 =	vadd.f32 v4, v3;
	v4 =	vmul.f32 v6, v13;
	v13 =	vor.u32 $0x1D, v2;
	v6 =	vld.idx.msk [tilespmem:v14+s15+$0x0], $0xffff  }
0xc9: {  	v14 =	vor.u32 $0x1D, v1;
	v9 =	vld.idx.msk [tilespmem:v9+s13+$0x0], $0xffff  }
0xca: {  	v3 =	vadd.f32 v4, v3;
	v4 =	vmul.f32 v8, v10;
	v10 =	vor.u32 $0x1E, v2;
	v8 =	vld.idx.msk [tilespmem:v15+s15+$0x0], $0xffff  }
0xcb: {  	v15 =	vor.u32 $0x1E, v1;
	v11 =	vld.idx.msk [tilespmem:v11+s13+$0x0], $0xffff  }
0xcc: {  	v2 =	vor.u32 $0x1F, v2;
	v3 =	vadd.f32 v4, v3;
	v4 =	vmul.f32 v5, v12;
	v5 =	vld.idx.msk [tilespmem:v16+s15+$0x0], $0xffff  }
0xcd: {  	v1 =	vor.u32 $0x1F, v1;
	v12 =	vld.idx.msk [tilespmem:v13+s13+$0x0], $0xffff  }
0xce: {  	v3 =	vadd.f32 v4, v3;
	v4 =	vmul.f32 v6, v7;
	v6 =	vld.idx.msk [tilespmem:v14+s15+$0x0], $0xffff  }
0xcf: {  	v7 =	vld.idx.msk [tilespmem:v10+s13+$0x0], $0xffff  }
0xd0: {  	v3 =	vadd.f32 v4, v3;
	v4 =	vmul.f32 v8, v9;
	v8 =	vld.idx.msk [tilespmem:v15+s15+$0x0], $0xffff  }
0xd1: {  	v2 =	vld.idx.msk [tilespmem:v2+s13+$0x0], $0xffff  }
0xd2: {  	v3 =	vadd.f32 v4, v3;
	v4 =	vmul.f32 v5, v11;
	v1 =	vld.idx.msk [tilespmem:v1+s15+$0x0], $0xffff;
	_ =	sdelay $0x1  }
0xd3: {  	v3 =	vadd.f32 v4, v3;
	v4 =	vmul.f32 v6, v12;
	_ =	sdelay $0x1  }
0xd4: {  	v3 =	vadd.f32 v4, v3;
	v4 =	vmul.f32 v8, v7;
	_ =	sdelay $0x1  }
0xd5: {  	v3 =	vadd.f32 v4, v3;
	v1 =	vmul.f32 v1, v2;
	_ =	sdelay $0x1  }
0xd6: {  	v1 =	vadd.f32 v1, v3;
	_ =	sdelay $0x1  }
0xd7: {  	v1 =	vsub.f32 $0.0e+00, v1;
	_ =	sdelay $0x1  }
0xd8: {  	v1 =	vmul.f32 $1.442695020e+00, v1;
	_ =	sdelay $0x1  }
0xd9: {  	(erf) = vpow2.f32 v1;
	_ =	sdelay $0x8  }
0xda: {  	v1 =	vpop (erf)  }
0xdb: {  	v1 =	vadd.f32 $1.000000000e+00, v1;
	_ =	sdelay $0x1  }
0xdc: {  	(erf) = vrcp.f32 v1;
	_ =	sdelay $0x7  }
.Ltmp1:
0xdd: {  	(pc) =	sbr.rel @p0 .LBB2_4-.Ltmp1, $4  }
0xde: {  	s29 =	sadd.s32 $0x10, s29;
	v1 =	vpop (erf)  }
0xdf: {  	s2 =	sadd.s32 $0x10, s2;
	[tilespmem:s29+$0x0] =	vst v1  }
0xe0: {  	s31 =	sadd.s32 $0x10, s31;
	v1 =	vld [tilespmem:s2+$0x0]  }
0xe1: {  	s0 =	sadd.s32 $0x10, s0;
	v2 =	vld [tilespmem:s31+$0x0]  }
0xe2: {  	_ =	sdelay $0x1  }
0xe3: {  	v3 =	vmov s30  }
0xe4: {  	v3 =	vshll.u32 v3, $0x7;
	v1 =	vshll.u32 v1, $0x5  }
0xe5: {  	v3 =	vor.u32 v0, v3;
	v1 =	vand.u32 $0x60, v1;
	v2 =	vshll.u32 v2, $0x5  }
0xe6: {  	v4 =	vand.u32 $0x60, v2;
	v2 =	vor.u32 v3, v1  }
0xe7: {  	v1 =	vor.u32 v3, v4  }
0xe8: {  	v3 =	vor.u32 $0x1, v2  }
0xe9: {  	v4 =	vor.u32 $0x1, v1  }
0xea: {  	v5 =	vor.u32 $0x2, v2  }
0xeb: {  	v7 =	vor.u32 $0x2, v1;
	v6 =	vld.idx.msk [tilespmem:v2+s13+$0x0], $0xffff  }
0xec: {  	v9 =	vor.u32 $0x3, v2;
	v8 =	vld.idx.msk [tilespmem:v1+s15+$0x0], $0xffff  }
0xed: {  	v10 =	vor.u32 $0x3, v1;
	v3 =	vld.idx.msk [tilespmem:v3+s13+$0x0], $0xffff  }
0xee: {  	v11 =	vor.u32 $0x4, v2;
	v4 =	vld.idx.msk [tilespmem:v4+s15+$0x0], $0xffff  }
0xef: {  	v12 =	vor.u32 $0x4, v1;
	v5 =	vld.idx.msk [tilespmem:v5+s13+$0x0], $0xffff  }
0xf0: {  	v13 =	vor.u32 $0x5, v2;
	v7 =	vld.idx.msk [tilespmem:v7+s15+$0x0], $0xffff  }
0xf1: {  	v14 =	vor.u32 $0x5, v1;
	v9 =	vld.idx.msk [tilespmem:v9+s13+$0x0], $0xffff;
	v6 =	vmul.f32 v8, v6  }
0xf2: {  	v21 =	vor.u32 $0x6, v2;
	v20 =	vld.idx.msk [tilespmem:v10+s15+$0x0], $0xffff  }
0xf3: {  	v15 =	vor.u32 $0x6, v1;
	v11 =	vld.idx.msk [tilespmem:v11+s13+$0x0], $0xffff;
	v3 =	vmul.f32 v4, v3;
	v6 =	vadd.f32 $0.0e+00, v6  }
0xf4: {  	v23 =	vor.u32 $0x7, v2;
	v22 =	vld.idx.msk [tilespmem:v12+s15+$0x0], $0xffff  }
0xf5: {  	v16 =	vor.u32 $0x7, v1;
	v13 =	vld.idx.msk [tilespmem:v13+s13+$0x0], $0xffff;
	v5 =	vmul.f32 v7, v5;
	v3 =	vadd.f32 v3, v6  }
0xf6: {  	v26 =	vor.u32 $0x8, v1;
	v24 =	vld.idx.msk [tilespmem:v14+s15+$0x0], $0xffff  }
0xf7: {  	v25 =	vor.u32 $0x8, v2;
	v10 =	vld.idx.msk [tilespmem:v21+s13+$0x0], $0xffff;
	v27 =	vmul.f32 v20, v9;
	v3 =	vadd.f32 v5, v3  }
0xf8: {  	v30 =	vor.u32 $0x9, v1;
	v28 =	vld.idx.msk [tilespmem:v15+s15+$0x0], $0xffff  }
0xf9: {  	v29 =	vor.u32 $0x9, v2;
	v12 =	vld.idx.msk [tilespmem:v23+s13+$0x0], $0xffff;
	v4 =	vmul.f32 v22, v11;
	v3 =	vadd.f32 v27, v3  }
0xfa: {  	v33 =	vor.u32 $0xA, v1;
	v31 =	vld.idx.msk [tilespmem:v16+s15+$0x0], $0xffff  }
0xfb: {  	v32 =	vor.u32 $0xA, v2;
	v35 =	vld.idx.msk [tilespmem:v26+s15+$0x0], $0xffff;
	v34 =	vmul.f32 v24, v13;
	v3 =	vadd.f32 v4, v3  }
0xfc: {  	v37 =	vor.u32 $0xB, v1;
	v7 =	vld.idx.msk [tilespmem:v25+s13+$0x0], $0xffff  }
0xfd: {  	v36 =	vor.u32 $0xB, v2;
	v39 =	vld.idx.msk [tilespmem:v30+s15+$0x0], $0xffff;
	v38 =	vmul.f32 v28, v10;
	v3 =	vadd.f32 v34, v3  }
0xfe: {  	v41 =	vor.u32 $0xC, v1;
	v9 =	vld.idx.msk [tilespmem:v29+s13+$0x0], $0xffff  }
0xff: {  	v40 =	vor.u32 $0xC, v2;
	v43 =	vld.idx.msk [tilespmem:v33+s15+$0x0], $0xffff;
	v42 =	vmul.f32 v31, v12;
	v3 =	vadd.f32 v38, v3  }
0x100: {  	v45 =	vor.u32 $0xD, v1;
	v11 =	vld.idx.msk [tilespmem:v32+s13+$0x0], $0xffff  }
0x101: {  	v44 =	vor.u32 $0xD, v2;
	v47 =	vld.idx.msk [tilespmem:v37+s15+$0x0], $0xffff;
	v46 =	vmul.f32 v35, v7;
	v3 =	vadd.f32 v42, v3  }
0x102: {  	v49 =	vor.u32 $0xE, v1;
	v13 =	vld.idx.msk [tilespmem:v36+s13+$0x0], $0xffff  }
0x103: {  	v48 =	vor.u32 $0xE, v2;
	v51 =	vld.idx.msk [tilespmem:v41+s15+$0x0], $0xffff;
	v50 =	vmul.f32 v39, v9;
	v3 =	vadd.f32 v46, v3  }
0x104: {  	v53 =	vor.u32 $0xF, v1;
	v10 =	vld.idx.msk [tilespmem:v40+s13+$0x0], $0xffff  }
0x105: {  	v52 =	vor.u32 $0xF, v2;
	v55 =	vld.idx.msk [tilespmem:v45+s15+$0x0], $0xffff;
	v54 =	vmul.f32 v43, v11;
	v3 =	vadd.f32 v50, v3  }
0x106: {  	v57 =	vor.u32 $0x10, v1;
	v12 =	vld.idx.msk [tilespmem:v44+s13+$0x0], $0xffff  }
0x107: {  	v56 =	vor.u32 $0x10, v2;
	v59 =	vld.idx.msk [tilespmem:v49+s15+$0x0], $0xffff;
	v58 =	vmul.f32 v47, v13;
	v3 =	vadd.f32 v54, v3  }
0x108: {  	v60 =	vor.u32 $0x11, v2;
	v7 =	vld.idx.msk [tilespmem:v48+s13+$0x0], $0xffff  }
0x109: {  	v61 =	vor.u32 $0x11, v1;
	v63 =	vld.idx.msk [tilespmem:v53+s15+$0x0], $0xffff;
	v62 =	vmul.f32 v51, v10;
	v3 =	vadd.f32 v58, v3  }
0x10a: {  	v21 =	vor.u32 $0x12, v1;
	v9 =	vld.idx.msk [tilespmem:v52+s13+$0x0], $0xffff  }
0x10b: {  	v23 =	vld.idx.msk [tilespmem:v57+s15+$0x0], $0xffff;
	v20 =	vor.u32 $0x12, v2;
	v22 =	vmul.f32 v55, v12;
	v3 =	vadd.f32 v62, v3  }
0x10c: {  	v24 =	vor.u32 $0x13, v2;
	v11 =	vld.idx.msk [tilespmem:v56+s13+$0x0], $0xffff  }
0x10d: {  	v25 =	vor.u32 $0x13, v1;
	v13 =	vld.idx.msk [tilespmem:v60+s13+$0x0], $0xffff;
	v26 =	vmul.f32 v59, v7;
	v3 =	vadd.f32 v22, v3  }
0x10e: {  	v29 =	vor.u32 $0x14, v1;
	v27 =	vld.idx.msk [tilespmem:v61+s15+$0x0], $0xffff  }
0x10f: {  	v28 =	vor.u32 $0x14, v2;
	v31 =	vld.idx.msk [tilespmem:v21+s15+$0x0], $0xffff;
	v30 =	vmul.f32 v63, v9;
	v3 =	vadd.f32 v26, v3  }
0x110: {  	v33 =	vor.u32 $0x15, v1;
	v10 =	vld.idx.msk [tilespmem:v20+s13+$0x0], $0xffff  }
0x111: {  	v32 =	vor.u32 $0x15, v2;
	v12 =	vld.idx.msk [tilespmem:v24+s13+$0x0], $0xffff;
	v34 =	vmul.f32 v23, v11;
	v3 =	vadd.f32 v30, v3  }
0x112: {  	v37 =	vor.u32 $0x16, v1;
	v35 =	vld.idx.msk [tilespmem:v25+s15+$0x0], $0xffff  }
0x113: {  	v36 =	vor.u32 $0x16, v2;
	v39 =	vld.idx.msk [tilespmem:v29+s15+$0x0], $0xffff;
	v38 =	vmul.f32 v27, v13;
	v3 =	vadd.f32 v34, v3  }
0x114: {  	v41 =	vor.u32 $0x17, v1;
	v7 =	vld.idx.msk [tilespmem:v28+s13+$0x0], $0xffff  }
0x115: {  	v40 =	vor.u32 $0x17, v2;
	v43 =	vld.idx.msk [tilespmem:v33+s15+$0x0], $0xffff;
	v42 =	vmul.f32 v31, v10;
	v3 =	vadd.f32 v38, v3  }
0x116: {  	v45 =	vor.u32 $0x18, v1;
	v9 =	vld.idx.msk [tilespmem:v32+s13+$0x0], $0xffff  }
0x117: {  	v44 =	vor.u32 $0x18, v2;
	v47 =	vld.idx.msk [tilespmem:v37+s15+$0x0], $0xffff;
	v46 =	vmul.f32 v35, v12;
	v3 =	vadd.f32 v42, v3  }
0x118: {  	v49 =	vor.u32 $0x19, v1;
	v11 =	vld.idx.msk [tilespmem:v36+s13+$0x0], $0xffff  }
0x119: {  	v48 =	vor.u32 $0x19, v2;
	v51 =	vld.idx.msk [tilespmem:v41+s15+$0x0], $0xffff;
	v50 =	vmul.f32 v39, v7;
	v3 =	vadd.f32 v46, v3  }
0x11a: {  	v53 =	vor.u32 $0x1A, v1;
	v13 =	vld.idx.msk [tilespmem:v40+s13+$0x0], $0xffff  }
0x11b: {  	v52 =	vor.u32 $0x1A, v2;
	v55 =	vld.idx.msk [tilespmem:v45+s15+$0x0], $0xffff;
	v54 =	vmul.f32 v43, v9;
	v3 =	vadd.f32 v50, v3  }
0x11c: {  	v57 =	vor.u32 $0x1B, v1;
	v10 =	vld.idx.msk [tilespmem:v44+s13+$0x0], $0xffff  }
0x11d: {  	v56 =	vor.u32 $0x1B, v2;
	v59 =	vld.idx.msk [tilespmem:v49+s15+$0x0], $0xffff;
	v58 =	vmul.f32 v47, v11;
	v3 =	vadd.f32 v54, v3  }
0x11e: {  	v61 =	vor.u32 $0x1C, v1;
	v12 =	vld.idx.msk [tilespmem:v48+s13+$0x0], $0xffff  }
0x11f: {  	v60 =	vor.u32 $0x1C, v2;
	v63 =	vld.idx.msk [tilespmem:v53+s15+$0x0], $0xffff;
	v62 =	vmul.f32 v51, v13;
	v3 =	vadd.f32 v58, v3  }
0x120: {  	v19 =	vor.u32 $0x1D, v1;
	v7 =	vld.idx.msk [tilespmem:v52+s13+$0x0], $0xffff  }
0x121: {  	v18 =	vor.u32 $0x1D, v2;
	v21 =	vld.idx.msk [tilespmem:v57+s15+$0x0], $0xffff;
	v20 =	vmul.f32 v55, v10;
	v3 =	vadd.f32 v62, v3  }
0x122: {  	v23 =	vor.u32 $0x1E, v1;
	v9 =	vld.idx.msk [tilespmem:v56+s13+$0x0], $0xffff  }
0x123: {  	v25 =	vld.idx.msk [tilespmem:v61+s15+$0x0], $0xffff;
	v24 =	vmul.f32 v59, v12;
	v22 =	vor.u32 $0x1E, v2;
	v3 =	vadd.f32 v20, v3  }
0x124: {  	v1 =	vor.u32 $0x1F, v1;
	v11 =	vld.idx.msk [tilespmem:v60+s13+$0x0], $0xffff  }
0x125: {  	v28 =	vld.idx.msk [tilespmem:v19+s15+$0x0], $0xffff;
	v27 =	vmul.f32 v63, v7;
	v2 =	vor.u32 $0x1F, v2;
	v3 =	vadd.f32 v24, v3  }
0x126: {  	v26 =	vld.idx.msk [tilespmem:v18+s13+$0x0], $0xffff  }
0x127: {  	v31 =	vld.idx.msk [tilespmem:v23+s15+$0x0], $0xffff;
	v30 =	vmul.f32 v21, v9;
	v3 =	vadd.f32 v27, v3  }
0x128: {  	v29 =	vld.idx.msk [tilespmem:v22+s13+$0x0], $0xffff  }
0x129: {  	v1 =	vld.idx.msk [tilespmem:v1+s15+$0x0], $0xffff;
	v32 =	vmul.f32 v25, v11;
	v3 =	vadd.f32 v30, v3  }
0x12a: {  	v2 =	vld.idx.msk [tilespmem:v2+s13+$0x0], $0xffff  }
0x12b: {  	v33 =	vmul.f32 v28, v26;
	v3 =	vadd.f32 v32, v3;
	_ =	sdelay $0x1  }
0x12c: {  	v34 =	vmul.f32 v31, v29;
	v3 =	vadd.f32 v33, v3;
	_ =	sdelay $0x1  }
0x12d: {  	v1 =	vmul.f32 v1, v2;
	v3 =	vadd.f32 v34, v3;
	_ =	sdelay $0x1  }
0x12e: {  	v1 =	vadd.f32 v1, v3;
	_ =	sdelay $0x1  }
0x12f: {  	v1 =	vsub.f32 $0.0e+00, v1;
	_ =	sdelay $0x1  }
0x130: {  	v1 =	vmul.f32 $1.442695020e+00, v1;
	_ =	sdelay $0x1  }
0x131: {  	(erf) = vpow2.f32 v1;
	_ =	sdelay $0x8  }
0x132: {  	v1 =	vpop (erf)  }
0x133: {  	v1 =	vadd.f32 $1.000000000e+00, v1;
	_ =	sdelay $0x1  }
0x134: {  	(erf) = vrcp.f32 v1;
	_ =	sdelay $0x8  }
0x135: {  	s0 =	sadd.s32 $0x10, s29;
	v1 =	vpop (erf)  }
0x136: {  	[tilespmem:s0+$0x0] =	vst v1;
	s0 =	simm.s32 $0x80  }
0x137: {  	[tilespmem:s13], [sflag:$0x1] =	stream.indirect.gather [hbm4b:s3+s0], $0x80, s22, s0, $0xb8;
	[tilespmem:$0x10A00] =	vst v63  }
0x138: {  	_ = 	snop  }
0x139: {  	[tilespmem:s15], [sflag:$0x2] =	stream.indirect.gather [hbm4b:s4+s0], $0x80, s23, s0, $0xb8;
	[tilespmem:$0x10A00] =	vst v63  }
0x13a: {  	_ =	swait.ge [sflag:s20], $0x4000  }
0x13b: {  	[sflag:s20] =	ssyncset.done $0x0  }
0x13c: {  	[sflag:s20] =	ssyncadd.s32 $0xFFFFC000  }
0x13d: {  	_ =	swait.ge [sflag:s21], $0x4000  }
0x13e: {  	[sflag:s21] =	ssyncset.done $0x0  }
0x13f: {  	[sflag:s21] =	ssyncadd.s32 $0xFFFFC000  }
0x140: {  	s2 =	simm.s32 $0x280;
	v1 =	vld [tilespmem:s0+$0x0]  }
0x141: {  	v2 =	vld [tilespmem:s2+$0x0];
	_ =	sdelay $0x1  }
0x142: {  	s2 =	simm.s32 $0x0  }
0x143: {  	v3 =	vmov s2  }
0x144: {  	v3 =	vshll.u32 v3, $0x7;
	v1 =	vshll.u32 v1, $0x5  }
0x145: {  	v3 =	vor.u32 v0, v3;
	v2 =	vshll.u32 v2, $0x5;
	v1 =	vand.u32 $0x60, v1  }
0x146: {  	v35 =	vand.u32 $0x60, v2;
	v2 =	vor.u32 v3, v1  }
0x147: {  	v1 =	vor.u32 v3, v35  }
0x148: {  	v3 =	vor.u32 $0x1, v2  }
0x149: {  	v4 =	vor.u32 $0x1, v1  }
0x14a: {  	v36 =	vor.u32 $0x2, v2  }
0x14b: {  	v38 =	vor.u32 $0x2, v1;
	v37 =	vld.idx.msk [tilespmem:v2+s17+$0x0], $0xffff  }
0x14c: {  	v40 =	vor.u32 $0x3, v2;
	v39 =	vld.idx.msk [tilespmem:v1+s19+$0x0], $0xffff  }
0x14d: {  	v41 =	vor.u32 $0x3, v1;
	v3 =	vld.idx.msk [tilespmem:v3+s17+$0x0], $0xffff  }
0x14e: {  	v42 =	vor.u32 $0x4, v2;
	v4 =	vld.idx.msk [tilespmem:v4+s19+$0x0], $0xffff  }
0x14f: {  	v43 =	vor.u32 $0x4, v1;
	v5 =	vld.idx.msk [tilespmem:v36+s17+$0x0], $0xffff  }
0x150: {  	v44 =	vor.u32 $0x5, v2;
	v7 =	vld.idx.msk [tilespmem:v38+s19+$0x0], $0xffff  }
0x151: {  	v45 =	vor.u32 $0x5, v1;
	v9 =	vld.idx.msk [tilespmem:v40+s17+$0x0], $0xffff;
	v6 =	vmul.f32 v39, v37  }
0x152: {  	v47 =	vor.u32 $0x6, v2;
	v46 =	vld.idx.msk [tilespmem:v41+s19+$0x0], $0xffff  }
0x153: {  	v48 =	vor.u32 $0x6, v1;
	v11 =	vld.idx.msk [tilespmem:v42+s17+$0x0], $0xffff;
	v3 =	vmul.f32 v4, v3;
	v6 =	vadd.f32 $0.0e+00, v6  }
0x154: {  	v50 =	vor.u32 $0x7, v2;
	v49 =	vld.idx.msk [tilespmem:v43+s19+$0x0], $0xffff  }
0x155: {  	v51 =	vor.u32 $0x7, v1;
	v13 =	vld.idx.msk [tilespmem:v44+s17+$0x0], $0xffff;
	v5 =	vmul.f32 v7, v5;
	v3 =	vadd.f32 v3, v6  }
0x156: {  	v54 =	vor.u32 $0x8, v1;
	v52 =	vld.idx.msk [tilespmem:v45+s19+$0x0], $0xffff  }
0x157: {  	v53 =	vor.u32 $0x8, v2;
	v10 =	vld.idx.msk [tilespmem:v47+s17+$0x0], $0xffff;
	v55 =	vmul.f32 v46, v9;
	v3 =	vadd.f32 v5, v3  }
0x158: {  	v58 =	vor.u32 $0x9, v1;
	v56 =	vld.idx.msk [tilespmem:v48+s19+$0x0], $0xffff  }
0x159: {  	v57 =	vor.u32 $0x9, v2;
	v12 =	vld.idx.msk [tilespmem:v50+s17+$0x0], $0xffff;
	v4 =	vmul.f32 v49, v11;
	v3 =	vadd.f32 v55, v3  }
0x15a: {  	v61 =	vor.u32 $0xA, v1;
	v59 =	vld.idx.msk [tilespmem:v51+s19+$0x0], $0xffff  }
0x15b: {  	v60 =	vor.u32 $0xA, v2;
	v63 =	vld.idx.msk [tilespmem:v54+s19+$0x0], $0xffff;
	v62 =	vmul.f32 v52, v13;
	v3 =	vadd.f32 v4, v3  }
0x15c: {  	v20 =	vor.u32 $0xB, v1;
	v7 =	vld.idx.msk [tilespmem:v53+s17+$0x0], $0xffff  }
0x15d: {  	v19 =	vor.u32 $0xB, v2;
	v22 =	vld.idx.msk [tilespmem:v58+s19+$0x0], $0xffff;
	v21 =	vmul.f32 v56, v10;
	v3 =	vadd.f32 v62, v3  }
0x15e: {  	v24 =	vor.u32 $0xC, v1;
	v9 =	vld.idx.msk [tilespmem:v57+s17+$0x0], $0xffff  }
0x15f: {  	v23 =	vor.u32 $0xC, v2;
	v26 =	vld.idx.msk [tilespmem:v61+s19+$0x0], $0xffff;
	v25 =	vmul.f32 v59, v12;
	v3 =	vadd.f32 v21, v3  }
0x160: {  	v28 =	vor.u32 $0xD, v1;
	v11 =	vld.idx.msk [tilespmem:v60+s17+$0x0], $0xffff  }
0x161: {  	v27 =	vor.u32 $0xD, v2;
	v30 =	vld.idx.msk [tilespmem:v20+s19+$0x0], $0xffff;
	v29 =	vmul.f32 v63, v7;
	v3 =	vadd.f32 v25, v3  }
0x162: {  	v32 =	vor.u32 $0xE, v1;
	v13 =	vld.idx.msk [tilespmem:v19+s17+$0x0], $0xffff  }
0x163: {  	v31 =	vor.u32 $0xE, v2;
	v34 =	vld.idx.msk [tilespmem:v24+s19+$0x0], $0xffff;
	v33 =	vmul.f32 v22, v9;
	v3 =	vadd.f32 v29, v3  }
0x164: {  	v36 =	vor.u32 $0xF, v1;
	v10 =	vld.idx.msk [tilespmem:v23+s17+$0x0], $0xffff  }
0x165: {  	v35 =	vor.u32 $0xF, v2;
	v38 =	vld.idx.msk [tilespmem:v28+s19+$0x0], $0xffff;
	v37 =	vmul.f32 v26, v11;
	v3 =	vadd.f32 v33, v3  }
0x166: {  	v40 =	vor.u32 $0x10, v1;
	v12 =	vld.idx.msk [tilespmem:v27+s17+$0x0], $0xffff  }
0x167: {  	v42 =	vld.idx.msk [tilespmem:v32+s19+$0x0], $0xffff;
	v39 =	vor.u32 $0x10, v2;
	v41 =	vmul.f32 v30, v13;
	v3 =	vadd.f32 v37, v3  }
0x168: {  	v44 =	vor.u32 $0x11, v1;
	v7 =	vld.idx.msk [tilespmem:v31+s17+$0x0], $0xffff  }
0x169: {  	v43 =	vor.u32 $0x11, v2;
	v46 =	vld.idx.msk [tilespmem:v36+s19+$0x0], $0xffff;
	v45 =	vmul.f32 v34, v10;
	v3 =	vadd.f32 v41, v3  }
0x16a: {  	v48 =	vor.u32 $0x12, v1;
	v9 =	vld.idx.msk [tilespmem:v35+s17+$0x0], $0xffff  }
0x16b: {  	v47 =	vor.u32 $0x12, v2;
	v50 =	vld.idx.msk [tilespmem:v40+s19+$0x0], $0xffff;
	v49 =	vmul.f32 v38, v12;
	v3 =	vadd.f32 v45, v3  }
0x16c: {  	v51 =	vor.u32 $0x13, v2;
	v11 =	vld.idx.msk [tilespmem:v39+s17+$0x0], $0xffff  }
0x16d: {  	v52 =	vor.u32 $0x13, v1;
	v54 =	vld.idx.msk [tilespmem:v44+s19+$0x0], $0xffff;
	v53 =	vmul.f32 v42, v7;
	v3 =	vadd.f32 v49, v3  }
0x16e: {  	v56 =	vor.u32 $0x14, v1;
	v13 =	vld.idx.msk [tilespmem:v43+s17+$0x0], $0xffff  }
0x16f: {  	v58 =	vld.idx.msk [tilespmem:v48+s19+$0x0], $0xffff;
	v55 =	vor.u32 $0x14, v2;
	v57 =	vmul.f32 v46, v9;
	v3 =	vadd.f32 v53, v3  }
0x170: {  	v60 =	vor.u32 $0x15, v1;
	v10 =	vld.idx.msk [tilespmem:v47+s17+$0x0], $0xffff  }
0x171: {  	v59 =	vor.u32 $0x15, v2;
	v12 =	vld.idx.msk [tilespmem:v51+s17+$0x0], $0xffff;
	v61 =	vmul.f32 v50, v11;
	v3 =	vadd.f32 v57, v3  }
0x172: {  	v20 =	vor.u32 $0x16, v1;
	v62 =	vld.idx.msk [tilespmem:v52+s19+$0x0], $0xffff  }
0x173: {  	v63 =	vor.u32 $0x16, v2;
	v22 =	vld.idx.msk [tilespmem:v56+s19+$0x0], $0xffff;
	v21 =	vmul.f32 v54, v13;
	v3 =	vadd.f32 v61, v3  }
0x174: {  	v24 =	vor.u32 $0x17, v1;
	v7 =	vld.idx.msk [tilespmem:v55+s17+$0x0], $0xffff  }
0x175: {  	v23 =	vor.u32 $0x17, v2;
	v26 =	vld.idx.msk [tilespmem:v60+s19+$0x0], $0xffff;
	v25 =	vmul.f32 v58, v10;
	v3 =	vadd.f32 v21, v3  }
0x176: {  	v28 =	vor.u32 $0x18, v1;
	v9 =	vld.idx.msk [tilespmem:v59+s17+$0x0], $0xffff  }
0x177: {  	v27 =	vor.u32 $0x18, v2;
	v30 =	vld.idx.msk [tilespmem:v20+s19+$0x0], $0xffff;
	v29 =	vmul.f32 v62, v12;
	v3 =	vadd.f32 v25, v3  }
0x178: {  	v32 =	vor.u32 $0x19, v1;
	v11 =	vld.idx.msk [tilespmem:v63+s17+$0x0], $0xffff  }
0x179: {  	v31 =	vor.u32 $0x19, v2;
	v34 =	vld.idx.msk [tilespmem:v24+s19+$0x0], $0xffff;
	v33 =	vmul.f32 v22, v7;
	v3 =	vadd.f32 v29, v3  }
0x17a: {  	v36 =	vor.u32 $0x1A, v1;
	v13 =	vld.idx.msk [tilespmem:v23+s17+$0x0], $0xffff  }
0x17b: {  	v35 =	vor.u32 $0x1A, v2;
	v38 =	vld.idx.msk [tilespmem:v28+s19+$0x0], $0xffff;
	v37 =	vmul.f32 v26, v9;
	v3 =	vadd.f32 v33, v3  }
0x17c: {  	v40 =	vor.u32 $0x1B, v1;
	v10 =	vld.idx.msk [tilespmem:v27+s17+$0x0], $0xffff  }
0x17d: {  	v39 =	vor.u32 $0x1B, v2;
	v42 =	vld.idx.msk [tilespmem:v32+s19+$0x0], $0xffff;
	v41 =	vmul.f32 v30, v11;
	v3 =	vadd.f32 v37, v3  }
0x17e: {  	v44 =	vor.u32 $0x1C, v1;
	v12 =	vld.idx.msk [tilespmem:v31+s17+$0x0], $0xffff  }
0x17f: {  	v43 =	vor.u32 $0x1C, v2;
	v46 =	vld.idx.msk [tilespmem:v36+s19+$0x0], $0xffff;
	v45 =	vmul.f32 v34, v13;
	v3 =	vadd.f32 v41, v3  }
0x180: {  	v47 =	vor.u32 $0x1D, v2;
	v7 =	vld.idx.msk [tilespmem:v35+s17+$0x0], $0xffff  }
0x181: {  	v48 =	vor.u32 $0x1D, v1;
	v50 =	vld.idx.msk [tilespmem:v40+s19+$0x0], $0xffff;
	v49 =	vmul.f32 v38, v10;
	v3 =	vadd.f32 v45, v3  }
0x182: {  	v51 =	vor.u32 $0x1E, v2;
	v9 =	vld.idx.msk [tilespmem:v39+s17+$0x0], $0xffff  }
0x183: {  	v52 =	vor.u32 $0x1E, v1;
	v54 =	vld.idx.msk [tilespmem:v44+s19+$0x0], $0xffff;
	v53 =	vmul.f32 v42, v12;
	v3 =	vadd.f32 v49, v3  }
0x184: {  	v2 =	vor.u32 $0x1F, v2;
	v11 =	vld.idx.msk [tilespmem:v43+s17+$0x0], $0xffff  }
0x185: {  	v1 =	vor.u32 $0x1F, v1;
	v55 =	vld.idx.msk [tilespmem:v47+s17+$0x0], $0xffff;
	v56 =	vmul.f32 v46, v7;
	v3 =	vadd.f32 v53, v3  }
0x186: {  	v57 =	vld.idx.msk [tilespmem:v48+s19+$0x0], $0xffff  }
0x187: {  	v58 =	vld.idx.msk [tilespmem:v51+s17+$0x0], $0xffff;
	v59 =	vmul.f32 v50, v9;
	v3 =	vadd.f32 v56, v3  }
0x188: {  	v60 =	vld.idx.msk [tilespmem:v52+s19+$0x0], $0xffff  }
0x189: {  	v2 =	vld.idx.msk [tilespmem:v2+s17+$0x0], $0xffff;
	v61 =	vmul.f32 v54, v11;
	v3 =	vadd.f32 v59, v3  }
0x18a: {  	v1 =	vld.idx.msk [tilespmem:v1+s19+$0x0], $0xffff  }
0x18b: {  	v62 =	vmul.f32 v57, v55;
	v3 =	vadd.f32 v61, v3;
	_ =	sdelay $0x1  }
0x18c: {  	v63 =	vmul.f32 v60, v58;
	v3 =	vadd.f32 v62, v3;
	_ =	sdelay $0x1  }
0x18d: {  	v1 =	vmul.f32 v1, v2;
	v3 =	vadd.f32 v63, v3;
	_ =	sdelay $0x1  }
0x18e: {  	v1 =	vadd.f32 v1, v3;
	_ =	sdelay $0x1  }
0x18f: {  	v1 =	vsub.f32 $0.0e+00, v1;
	_ =	sdelay $0x1  }
0x190: {  	v1 =	vmul.f32 $1.442695020e+00, v1;
	_ =	sdelay $0x1  }
0x191: {  	(erf) = vpow2.f32 v1;
	_ =	sdelay $0x8  }
0x192: {  	v1 =	vpop (erf)  }
0x193: {  	v1 =	vadd.f32 $1.000000000e+00, v1;
	_ =	sdelay $0x1  }
0x194: {  	(erf) = vrcp.f32 v1;
	_ =	sdelay $0x8  }
0x195: {  	s29 =	simm.s32 $0x10880;
	v1 =	vpop (erf)  }
0x196: {  	s30 =	simm.s32 $0x90;
	[tilespmem:s29+$0x0] =	vst v1  }
0x197: {  	s31 =	simm.s32 $0x290;
	v1 =	vld [tilespmem:s30+$0x0]  }
0x198: {  	s0 =	simm.s32 $0x10;
	s2 =	simm.s32 $0x20;
	v2 =	vld [tilespmem:s31+$0x0]  }
.LBB2_6:
0x199: {  	p0 =	sne.s32 s2, $0x70;
	_ =	sdelay $0x1  }
0x19a: {  	v3 =	vmov s0;
	s0 =	smov.u32 s2  }
0x19b: {  	v3 =	vshll.u32 v3, $0x7;
	v1 =	vshll.u32 v1, $0x5  }
0x19c: {  	v3 =	vor.u32 v0, v3;
	v1 =	vand.u32 $0x60, v1;
	v2 =	vshll.u32 v2, $0x5  }
0x19d: {  	v4 =	vand.u32 $0x60, v2;
	v2 =	vor.u32 v3, v1  }
0x19e: {  	v1 =	vor.u32 v3, v4  }
0x19f: {  	v3 =	vor.u32 $0x1, v2  }
0x1a0: {  	v4 =	vor.u32 $0x1, v1  }
0x1a1: {  	v5 =	vor.u32 $0x2, v2  }
0x1a2: {  	v7 =	vor.u32 $0x2, v1;
	v6 =	vld.idx.msk [tilespmem:v2+s17+$0x0], $0xffff  }
0x1a3: {  	v9 =	vor.u32 $0x3, v2;
	v8 =	vld.idx.msk [tilespmem:v1+s19+$0x0], $0xffff  }
0x1a4: {  	v10 =	vor.u32 $0x3, v1;
	v3 =	vld.idx.msk [tilespmem:v3+s17+$0x0], $0xffff  }
0x1a5: {  	v11 =	vor.u32 $0x4, v2;
	v4 =	vld.idx.msk [tilespmem:v4+s19+$0x0], $0xffff  }
0x1a6: {  	v12 =	vor.u32 $0x4, v1;
	v5 =	vld.idx.msk [tilespmem:v5+s17+$0x0], $0xffff  }
0x1a7: {  	v13 =	vor.u32 $0x5, v2;
	v7 =	vld.idx.msk [tilespmem:v7+s19+$0x0], $0xffff  }
0x1a8: {  	v14 =	vor.u32 $0x5, v1;
	v9 =	vld.idx.msk [tilespmem:v9+s17+$0x0], $0xffff  }
0x1a9: {  	v6 =	vmul.f32 v8, v6;
	v8 =	vld.idx.msk [tilespmem:v10+s19+$0x0], $0xffff;
	v10 =	vor.u32 $0x6, v2  }
0x1aa: {  	v15 =	vor.u32 $0x6, v1;
	v11 =	vld.idx.msk [tilespmem:v11+s17+$0x0], $0xffff  }
0x1ab: {  	v6 =	vadd.f32 $0.0e+00, v6;
	v3 =	vmul.f32 v4, v3;
	v4 =	vld.idx.msk [tilespmem:v12+s19+$0x0], $0xffff;
	v12 =	vor.u32 $0x7, v2  }
0x1ac: {  	v16 =	vor.u32 $0x7, v1;
	v13 =	vld.idx.msk [tilespmem:v13+s17+$0x0], $0xffff  }
0x1ad: {  	v3 =	vadd.f32 v3, v6;
	v5 =	vmul.f32 v7, v5;
	v7 =	vor.u32 $0x8, v2;
	v6 =	vld.idx.msk [tilespmem:v14+s19+$0x0], $0xffff  }
0x1ae: {  	v14 =	vor.u32 $0x8, v1;
	v10 =	vld.idx.msk [tilespmem:v10+s17+$0x0], $0xffff  }
0x1af: {  	v3 =	vadd.f32 v5, v3;
	v5 =	vmul.f32 v8, v9;
	v9 =	vor.u32 $0x9, v2;
	v8 =	vld.idx.msk [tilespmem:v15+s19+$0x0], $0xffff  }
0x1b0: {  	v15 =	vor.u32 $0x9, v1;
	v12 =	vld.idx.msk [tilespmem:v12+s17+$0x0], $0xffff  }
0x1b1: {  	v3 =	vadd.f32 v5, v3;
	v4 =	vmul.f32 v4, v11;
	v11 =	vor.u32 $0xA, v2;
	v5 =	vld.idx.msk [tilespmem:v16+s19+$0x0], $0xffff  }
0x1b2: {  	v16 =	vor.u32 $0xA, v1;
	v7 =	vld.idx.msk [tilespmem:v7+s17+$0x0], $0xffff  }
0x1b3: {  	v3 =	vadd.f32 v4, v3;
	v4 =	vmul.f32 v6, v13;
	v13 =	vor.u32 $0xB, v2;
	v6 =	vld.idx.msk [tilespmem:v14+s19+$0x0], $0xffff  }
0x1b4: {  	v14 =	vor.u32 $0xB, v1;
	v9 =	vld.idx.msk [tilespmem:v9+s17+$0x0], $0xffff  }
0x1b5: {  	v3 =	vadd.f32 v4, v3;
	v4 =	vmul.f32 v8, v10;
	v10 =	vor.u32 $0xC, v2;
	v8 =	vld.idx.msk [tilespmem:v15+s19+$0x0], $0xffff  }
0x1b6: {  	v15 =	vor.u32 $0xC, v1;
	v11 =	vld.idx.msk [tilespmem:v11+s17+$0x0], $0xffff  }
0x1b7: {  	v3 =	vadd.f32 v4, v3;
	v4 =	vmul.f32 v5, v12;
	v12 =	vor.u32 $0xD, v2;
	v5 =	vld.idx.msk [tilespmem:v16+s19+$0x0], $0xffff  }
0x1b8: {  	v16 =	vor.u32 $0xD, v1;
	v13 =	vld.idx.msk [tilespmem:v13+s17+$0x0], $0xffff  }
0x1b9: {  	v3 =	vadd.f32 v4, v3;
	v4 =	vmul.f32 v6, v7;
	v7 =	vor.u32 $0xE, v2;
	v6 =	vld.idx.msk [tilespmem:v14+s19+$0x0], $0xffff  }
0x1ba: {  	v14 =	vor.u32 $0xE, v1;
	v10 =	vld.idx.msk [tilespmem:v10+s17+$0x0], $0xffff  }
0x1bb: {  	v3 =	vadd.f32 v4, v3;
	v4 =	vmul.f32 v8, v9;
	v9 =	vor.u32 $0xF, v2;
	v8 =	vld.idx.msk [tilespmem:v15+s19+$0x0], $0xffff  }
0x1bc: {  	v15 =	vor.u32 $0xF, v1;
	v12 =	vld.idx.msk [tilespmem:v12+s17+$0x0], $0xffff  }
0x1bd: {  	v3 =	vadd.f32 v4, v3;
	v4 =	vmul.f32 v5, v11;
	v11 =	vor.u32 $0x10, v2;
	v5 =	vld.idx.msk [tilespmem:v16+s19+$0x0], $0xffff  }
0x1be: {  	v16 =	vor.u32 $0x10, v1;
	v7 =	vld.idx.msk [tilespmem:v7+s17+$0x0], $0xffff  }
0x1bf: {  	v3 =	vadd.f32 v4, v3;
	v4 =	vmul.f32 v6, v13;
	v13 =	vor.u32 $0x11, v2;
	v6 =	vld.idx.msk [tilespmem:v14+s19+$0x0], $0xffff  }
0x1c0: {  	v14 =	vor.u32 $0x11, v1;
	v9 =	vld.idx.msk [tilespmem:v9+s17+$0x0], $0xffff  }
0x1c1: {  	v3 =	vadd.f32 v4, v3;
	v4 =	vmul.f32 v8, v10;
	v10 =	vor.u32 $0x12, v2;
	v8 =	vld.idx.msk [tilespmem:v15+s19+$0x0], $0xffff  }
0x1c2: {  	v15 =	vor.u32 $0x12, v1;
	v11 =	vld.idx.msk [tilespmem:v11+s17+$0x0], $0xffff  }
0x1c3: {  	v3 =	vadd.f32 v4, v3;
	v4 =	vmul.f32 v5, v12;
	v12 =	vor.u32 $0x13, v2;
	v5 =	vld.idx.msk [tilespmem:v16+s19+$0x0], $0xffff  }
0x1c4: {  	v16 =	vor.u32 $0x13, v1;
	v13 =	vld.idx.msk [tilespmem:v13+s17+$0x0], $0xffff  }
0x1c5: {  	v3 =	vadd.f32 v4, v3;
	v4 =	vmul.f32 v6, v7;
	v7 =	vor.u32 $0x14, v2;
	v6 =	vld.idx.msk [tilespmem:v14+s19+$0x0], $0xffff  }
0x1c6: {  	v14 =	vor.u32 $0x14, v1;
	v10 =	vld.idx.msk [tilespmem:v10+s17+$0x0], $0xffff  }
0x1c7: {  	v3 =	vadd.f32 v4, v3;
	v4 =	vmul.f32 v8, v9;
	v9 =	vor.u32 $0x15, v2;
	v8 =	vld.idx.msk [tilespmem:v15+s19+$0x0], $0xffff  }
0x1c8: {  	v15 =	vor.u32 $0x15, v1;
	v12 =	vld.idx.msk [tilespmem:v12+s17+$0x0], $0xffff  }
0x1c9: {  	v3 =	vadd.f32 v4, v3;
	v4 =	vmul.f32 v5, v11;
	v11 =	vor.u32 $0x16, v2;
	v5 =	vld.idx.msk [tilespmem:v16+s19+$0x0], $0xffff  }
0x1ca: {  	v16 =	vor.u32 $0x16, v1;
	v7 =	vld.idx.msk [tilespmem:v7+s17+$0x0], $0xffff  }
0x1cb: {  	v3 =	vadd.f32 v4, v3;
	v4 =	vmul.f32 v6, v13;
	v13 =	vor.u32 $0x17, v2;
	v6 =	vld.idx.msk [tilespmem:v14+s19+$0x0], $0xffff  }
0x1cc: {  	v14 =	vor.u32 $0x17, v1;
	v9 =	vld.idx.msk [tilespmem:v9+s17+$0x0], $0xffff  }
0x1cd: {  	v3 =	vadd.f32 v4, v3;
	v4 =	vmul.f32 v8, v10;
	v10 =	vor.u32 $0x18, v2;
	v8 =	vld.idx.msk [tilespmem:v15+s19+$0x0], $0xffff  }
0x1ce: {  	v15 =	vor.u32 $0x18, v1;
	v11 =	vld.idx.msk [tilespmem:v11+s17+$0x0], $0xffff  }
0x1cf: {  	v3 =	vadd.f32 v4, v3;
	v4 =	vmul.f32 v5, v12;
	v12 =	vor.u32 $0x19, v2;
	v5 =	vld.idx.msk [tilespmem:v16+s19+$0x0], $0xffff  }
0x1d0: {  	v16 =	vor.u32 $0x19, v1;
	v13 =	vld.idx.msk [tilespmem:v13+s17+$0x0], $0xffff  }
0x1d1: {  	v3 =	vadd.f32 v4, v3;
	v4 =	vmul.f32 v6, v7;
	v7 =	vor.u32 $0x1A, v2;
	v6 =	vld.idx.msk [tilespmem:v14+s19+$0x0], $0xffff  }
0x1d2: {  	v14 =	vor.u32 $0x1A, v1;
	v10 =	vld.idx.msk [tilespmem:v10+s17+$0x0], $0xffff  }
0x1d3: {  	v3 =	vadd.f32 v4, v3;
	v4 =	vmul.f32 v8, v9;
	v9 =	vor.u32 $0x1B, v2;
	v8 =	vld.idx.msk [tilespmem:v15+s19+$0x0], $0xffff  }
0x1d4: {  	v15 =	vor.u32 $0x1B, v1;
	v12 =	vld.idx.msk [tilespmem:v12+s17+$0x0], $0xffff  }
0x1d5: {  	v3 =	vadd.f32 v4, v3;
	v4 =	vmul.f32 v5, v11;
	v11 =	vor.u32 $0x1C, v2;
	v5 =	vld.idx.msk [tilespmem:v16+s19+$0x0], $0xffff  }
0x1d6: {  	v16 =	vor.u32 $0x1C, v1;
	v7 =	vld.idx.msk [tilespmem:v7+s17+$0x0], $0xffff  }
0x1d7: {  	v3 =	vadd.f32 v4, v3;
	v4 =	vmul.f32 v6, v13;
	v13 =	vor.u32 $0x1D, v2;
	v6 =	vld.idx.msk [tilespmem:v14+s19+$0x0], $0xffff  }
0x1d8: {  	v14 =	vor.u32 $0x1D, v1;
	v9 =	vld.idx.msk [tilespmem:v9+s17+$0x0], $0xffff  }
0x1d9: {  	v3 =	vadd.f32 v4, v3;
	v4 =	vmul.f32 v8, v10;
	v10 =	vor.u32 $0x1E, v2;
	v8 =	vld.idx.msk [tilespmem:v15+s19+$0x0], $0xffff  }
0x1da: {  	v15 =	vor.u32 $0x1E, v1;
	v11 =	vld.idx.msk [tilespmem:v11+s17+$0x0], $0xffff  }
0x1db: {  	v2 =	vor.u32 $0x1F, v2;
	v3 =	vadd.f32 v4, v3;
	v4 =	vmul.f32 v5, v12;
	v5 =	vld.idx.msk [tilespmem:v16+s19+$0x0], $0xffff  }
0x1dc: {  	v1 =	vor.u32 $0x1F, v1;
	v12 =	vld.idx.msk [tilespmem:v13+s17+$0x0], $0xffff  }
0x1dd: {  	v3 =	vadd.f32 v4, v3;
	v4 =	vmul.f32 v6, v7;
	v6 =	vld.idx.msk [tilespmem:v14+s19+$0x0], $0xffff  }
0x1de: {  	v7 =	vld.idx.msk [tilespmem:v10+s17+$0x0], $0xffff  }
0x1df: {  	v3 =	vadd.f32 v4, v3;
	v4 =	vmul.f32 v8, v9;
	v8 =	vld.idx.msk [tilespmem:v15+s19+$0x0], $0xffff  }
0x1e0: {  	v2 =	vld.idx.msk [tilespmem:v2+s17+$0x0], $0xffff  }
0x1e1: {  	v3 =	vadd.f32 v4, v3;
	v4 =	vmul.f32 v5, v11;
	v1 =	vld.idx.msk [tilespmem:v1+s19+$0x0], $0xffff;
	_ =	sdelay $0x1  }
0x1e2: {  	v3 =	vadd.f32 v4, v3;
	v4 =	vmul.f32 v6, v12;
	_ =	sdelay $0x1  }
0x1e3: {  	v3 =	vadd.f32 v4, v3;
	v4 =	vmul.f32 v8, v7;
	_ =	sdelay $0x1  }
0x1e4: {  	v3 =	vadd.f32 v4, v3;
	v1 =	vmul.f32 v1, v2;
	_ =	sdelay $0x1  }
0x1e5: {  	v1 =	vadd.f32 v1, v3;
	_ =	sdelay $0x1  }
0x1e6: {  	v1 =	vsub.f32 $0.0e+00, v1;
	_ =	sdelay $0x1  }
0x1e7: {  	v1 =	vmul.f32 $1.442695020e+00, v1;
	_ =	sdelay $0x1  }
0x1e8: {  	(erf) = vpow2.f32 v1;
	_ =	sdelay $0x8  }
0x1e9: {  	v1 =	vpop (erf)  }
0x1ea: {  	v1 =	vadd.f32 $1.000000000e+00, v1;
	_ =	sdelay $0x1  }
0x1eb: {  	(erf) = vrcp.f32 v1;
	_ =	sdelay $0x7  }
.Ltmp2:
0x1ec: {  	(pc) =	sbr.rel @p0 .LBB2_6-.Ltmp2, $4  }
0x1ed: {  	s29 =	sadd.s32 $0x10, s29;
	v1 =	vpop (erf)  }
0x1ee: {  	s30 =	sadd.s32 $0x10, s30;
	[tilespmem:s29+$0x0] =	vst v1  }
0x1ef: {  	s31 =	sadd.s32 $0x10, s31;
	v1 =	vld [tilespmem:s30+$0x0]  }
0x1f0: {  	s2 =	sadd.s32 $0x10, s2;
	v2 =	vld [tilespmem:s31+$0x0]  }
0x1f1: {  	_ =	sdelay $0x1  }
0x1f2: {  	v3 =	vmov s0  }
0x1f3: {  	v3 =	vshll.u32 v3, $0x7;
	v1 =	vshll.u32 v1, $0x5  }
0x1f4: {  	v3 =	vor.u32 v0, v3;
	v1 =	vand.u32 $0x60, v1;
	v2 =	vshll.u32 v2, $0x5  }
0x1f5: {  	v4 =	vand.u32 $0x60, v2;
	v2 =	vor.u32 v3, v1  }
0x1f6: {  	v1 =	vor.u32 v3, v4  }
0x1f7: {  	v3 =	vor.u32 $0x1, v2  }
0x1f8: {  	v4 =	vor.u32 $0x1, v1  }
0x1f9: {  	v5 =	vor.u32 $0x2, v2  }
0x1fa: {  	v7 =	vor.u32 $0x2, v1;
	v6 =	vld.idx.msk [tilespmem:v2+s17+$0x0], $0xffff  }
0x1fb: {  	v9 =	vor.u32 $0x3, v2;
	v8 =	vld.idx.msk [tilespmem:v1+s19+$0x0], $0xffff  }
0x1fc: {  	v10 =	vor.u32 $0x3, v1;
	v3 =	vld.idx.msk [tilespmem:v3+s17+$0x0], $0xffff  }
0x1fd: {  	v11 =	vor.u32 $0x4, v2;
	v4 =	vld.idx.msk [tilespmem:v4+s19+$0x0], $0xffff  }
0x1fe: {  	v12 =	vor.u32 $0x4, v1;
	v5 =	vld.idx.msk [tilespmem:v5+s17+$0x0], $0xffff  }
0x1ff: {  	v13 =	vor.u32 $0x5, v2;
	v7 =	vld.idx.msk [tilespmem:v7+s19+$0x0], $0xffff  }
0x200: {  	v14 =	vor.u32 $0x5, v1;
	v9 =	vld.idx.msk [tilespmem:v9+s17+$0x0], $0xffff;
	v6 =	vmul.f32 v8, v6  }
0x201: {  	v21 =	vor.u32 $0x6, v2;
	v20 =	vld.idx.msk [tilespmem:v10+s19+$0x0], $0xffff  }
0x202: {  	v15 =	vor.u32 $0x6, v1;
	v11 =	vld.idx.msk [tilespmem:v11+s17+$0x0], $0xffff;
	v3 =	vmul.f32 v4, v3;
	v6 =	vadd.f32 $0.0e+00, v6  }
0x203: {  	v23 =	vor.u32 $0x7, v2;
	v22 =	vld.idx.msk [tilespmem:v12+s19+$0x0], $0xffff  }
0x204: {  	v16 =	vor.u32 $0x7, v1;
	v13 =	vld.idx.msk [tilespmem:v13+s17+$0x0], $0xffff;
	v5 =	vmul.f32 v7, v5;
	v3 =	vadd.f32 v3, v6  }
0x205: {  	v26 =	vor.u32 $0x8, v1;
	v24 =	vld.idx.msk [tilespmem:v14+s19+$0x0], $0xffff  }
0x206: {  	v25 =	vor.u32 $0x8, v2;
	v10 =	vld.idx.msk [tilespmem:v21+s17+$0x0], $0xffff;
	v27 =	vmul.f32 v20, v9;
	v3 =	vadd.f32 v5, v3  }
0x207: {  	v30 =	vor.u32 $0x9, v1;
	v28 =	vld.idx.msk [tilespmem:v15+s19+$0x0], $0xffff  }
0x208: {  	v29 =	vor.u32 $0x9, v2;
	v12 =	vld.idx.msk [tilespmem:v23+s17+$0x0], $0xffff;
	v4 =	vmul.f32 v22, v11;
	v3 =	vadd.f32 v27, v3  }
0x209: {  	v33 =	vor.u32 $0xA, v1;
	v31 =	vld.idx.msk [tilespmem:v16+s19+$0x0], $0xffff  }
0x20a: {  	v32 =	vor.u32 $0xA, v2;
	v35 =	vld.idx.msk [tilespmem:v26+s19+$0x0], $0xffff;
	v34 =	vmul.f32 v24, v13;
	v3 =	vadd.f32 v4, v3  }
0x20b: {  	v37 =	vor.u32 $0xB, v1;
	v7 =	vld.idx.msk [tilespmem:v25+s17+$0x0], $0xffff  }
0x20c: {  	v36 =	vor.u32 $0xB, v2;
	v39 =	vld.idx.msk [tilespmem:v30+s19+$0x0], $0xffff;
	v38 =	vmul.f32 v28, v10;
	v3 =	vadd.f32 v34, v3  }
0x20d: {  	v41 =	vor.u32 $0xC, v1;
	v9 =	vld.idx.msk [tilespmem:v29+s17+$0x0], $0xffff  }
0x20e: {  	v40 =	vor.u32 $0xC, v2;
	v43 =	vld.idx.msk [tilespmem:v33+s19+$0x0], $0xffff;
	v42 =	vmul.f32 v31, v12;
	v3 =	vadd.f32 v38, v3  }
0x20f: {  	v45 =	vor.u32 $0xD, v1;
	v11 =	vld.idx.msk [tilespmem:v32+s17+$0x0], $0xffff  }
0x210: {  	v44 =	vor.u32 $0xD, v2;
	v47 =	vld.idx.msk [tilespmem:v37+s19+$0x0], $0xffff;
	v46 =	vmul.f32 v35, v7;
	v3 =	vadd.f32 v42, v3  }
0x211: {  	v49 =	vor.u32 $0xE, v1;
	v13 =	vld.idx.msk [tilespmem:v36+s17+$0x0], $0xffff  }
0x212: {  	v48 =	vor.u32 $0xE, v2;
	v51 =	vld.idx.msk [tilespmem:v41+s19+$0x0], $0xffff;
	v50 =	vmul.f32 v39, v9;
	v3 =	vadd.f32 v46, v3  }
0x213: {  	v53 =	vor.u32 $0xF, v1;
	v10 =	vld.idx.msk [tilespmem:v40+s17+$0x0], $0xffff  }
0x214: {  	v52 =	vor.u32 $0xF, v2;
	v55 =	vld.idx.msk [tilespmem:v45+s19+$0x0], $0xffff;
	v54 =	vmul.f32 v43, v11;
	v3 =	vadd.f32 v50, v3  }
0x215: {  	v57 =	vor.u32 $0x10, v1;
	v12 =	vld.idx.msk [tilespmem:v44+s17+$0x0], $0xffff  }
0x216: {  	v56 =	vor.u32 $0x10, v2;
	v59 =	vld.idx.msk [tilespmem:v49+s19+$0x0], $0xffff;
	v58 =	vmul.f32 v47, v13;
	v3 =	vadd.f32 v54, v3  }
0x217: {  	v60 =	vor.u32 $0x11, v2;
	v7 =	vld.idx.msk [tilespmem:v48+s17+$0x0], $0xffff  }
0x218: {  	v61 =	vor.u32 $0x11, v1;
	v63 =	vld.idx.msk [tilespmem:v53+s19+$0x0], $0xffff;
	v62 =	vmul.f32 v51, v10;
	v3 =	vadd.f32 v58, v3  }
0x219: {  	v21 =	vor.u32 $0x12, v1;
	v9 =	vld.idx.msk [tilespmem:v52+s17+$0x0], $0xffff  }
0x21a: {  	v23 =	vld.idx.msk [tilespmem:v57+s19+$0x0], $0xffff;
	v20 =	vor.u32 $0x12, v2;
	v22 =	vmul.f32 v55, v12;
	v3 =	vadd.f32 v62, v3  }
0x21b: {  	v24 =	vor.u32 $0x13, v2;
	v11 =	vld.idx.msk [tilespmem:v56+s17+$0x0], $0xffff  }
0x21c: {  	v25 =	vor.u32 $0x13, v1;
	v13 =	vld.idx.msk [tilespmem:v60+s17+$0x0], $0xffff;
	v26 =	vmul.f32 v59, v7;
	v3 =	vadd.f32 v22, v3  }
0x21d: {  	v29 =	vor.u32 $0x14, v1;
	v27 =	vld.idx.msk [tilespmem:v61+s19+$0x0], $0xffff  }
0x21e: {  	v28 =	vor.u32 $0x14, v2;
	v31 =	vld.idx.msk [tilespmem:v21+s19+$0x0], $0xffff;
	v30 =	vmul.f32 v63, v9;
	v3 =	vadd.f32 v26, v3  }
0x21f: {  	v33 =	vor.u32 $0x15, v1;
	v10 =	vld.idx.msk [tilespmem:v20+s17+$0x0], $0xffff  }
0x220: {  	v32 =	vor.u32 $0x15, v2;
	v12 =	vld.idx.msk [tilespmem:v24+s17+$0x0], $0xffff;
	v34 =	vmul.f32 v23, v11;
	v3 =	vadd.f32 v30, v3  }
0x221: {  	v37 =	vor.u32 $0x16, v1;
	v35 =	vld.idx.msk [tilespmem:v25+s19+$0x0], $0xffff  }
0x222: {  	v36 =	vor.u32 $0x16, v2;
	v39 =	vld.idx.msk [tilespmem:v29+s19+$0x0], $0xffff;
	v38 =	vmul.f32 v27, v13;
	v3 =	vadd.f32 v34, v3  }
0x223: {  	v41 =	vor.u32 $0x17, v1;
	v7 =	vld.idx.msk [tilespmem:v28+s17+$0x0], $0xffff  }
0x224: {  	v40 =	vor.u32 $0x17, v2;
	v43 =	vld.idx.msk [tilespmem:v33+s19+$0x0], $0xffff;
	v42 =	vmul.f32 v31, v10;
	v3 =	vadd.f32 v38, v3  }
0x225: {  	v45 =	vor.u32 $0x18, v1;
	v9 =	vld.idx.msk [tilespmem:v32+s17+$0x0], $0xffff  }
0x226: {  	v44 =	vor.u32 $0x18, v2;
	v47 =	vld.idx.msk [tilespmem:v37+s19+$0x0], $0xffff;
	v46 =	vmul.f32 v35, v12;
	v3 =	vadd.f32 v42, v3  }
0x227: {  	v49 =	vor.u32 $0x19, v1;
	v11 =	vld.idx.msk [tilespmem:v36+s17+$0x0], $0xffff  }
0x228: {  	v48 =	vor.u32 $0x19, v2;
	v51 =	vld.idx.msk [tilespmem:v41+s19+$0x0], $0xffff;
	v50 =	vmul.f32 v39, v7;
	v3 =	vadd.f32 v46, v3  }
0x229: {  	v53 =	vor.u32 $0x1A, v1;
	v13 =	vld.idx.msk [tilespmem:v40+s17+$0x0], $0xffff  }
0x22a: {  	v52 =	vor.u32 $0x1A, v2;
	v55 =	vld.idx.msk [tilespmem:v45+s19+$0x0], $0xffff;
	v54 =	vmul.f32 v43, v9;
	v3 =	vadd.f32 v50, v3  }
0x22b: {  	v57 =	vor.u32 $0x1B, v1;
	v10 =	vld.idx.msk [tilespmem:v44+s17+$0x0], $0xffff  }
0x22c: {  	v56 =	vor.u32 $0x1B, v2;
	v59 =	vld.idx.msk [tilespmem:v49+s19+$0x0], $0xffff;
	v58 =	vmul.f32 v47, v11;
	v3 =	vadd.f32 v54, v3  }
0x22d: {  	v61 =	vor.u32 $0x1C, v1;
	v12 =	vld.idx.msk [tilespmem:v48+s17+$0x0], $0xffff  }
0x22e: {  	v60 =	vor.u32 $0x1C, v2;
	v63 =	vld.idx.msk [tilespmem:v53+s19+$0x0], $0xffff;
	v62 =	vmul.f32 v51, v13;
	v3 =	vadd.f32 v58, v3  }
0x22f: {  	v19 =	vor.u32 $0x1D, v1;
	v7 =	vld.idx.msk [tilespmem:v52+s17+$0x0], $0xffff  }
0x230: {  	v18 =	vor.u32 $0x1D, v2;
	v21 =	vld.idx.msk [tilespmem:v57+s19+$0x0], $0xffff;
	v20 =	vmul.f32 v55, v10;
	v3 =	vadd.f32 v62, v3  }
0x231: {  	v23 =	vor.u32 $0x1E, v1;
	v9 =	vld.idx.msk [tilespmem:v56+s17+$0x0], $0xffff  }
0x232: {  	v25 =	vld.idx.msk [tilespmem:v61+s19+$0x0], $0xffff;
	v24 =	vmul.f32 v59, v12;
	v22 =	vor.u32 $0x1E, v2;
	v3 =	vadd.f32 v20, v3  }
0x233: {  	v1 =	vor.u32 $0x1F, v1;
	v11 =	vld.idx.msk [tilespmem:v60+s17+$0x0], $0xffff  }
0x234: {  	v28 =	vld.idx.msk [tilespmem:v19+s19+$0x0], $0xffff;
	v27 =	vmul.f32 v63, v7;
	v2 =	vor.u32 $0x1F, v2;
	v3 =	vadd.f32 v24, v3  }
0x235: {  	v26 =	vld.idx.msk [tilespmem:v18+s17+$0x0], $0xffff  }
0x236: {  	v31 =	vld.idx.msk [tilespmem:v23+s19+$0x0], $0xffff;
	v30 =	vmul.f32 v21, v9;
	v3 =	vadd.f32 v27, v3  }
0x237: {  	v29 =	vld.idx.msk [tilespmem:v22+s17+$0x0], $0xffff  }
0x238: {  	v1 =	vld.idx.msk [tilespmem:v1+s19+$0x0], $0xffff;
	v32 =	vmul.f32 v25, v11;
	v3 =	vadd.f32 v30, v3  }
0x239: {  	v2 =	vld.idx.msk [tilespmem:v2+s17+$0x0], $0xffff  }
0x23a: {  	v33 =	vmul.f32 v28, v26;
	v3 =	vadd.f32 v32, v3;
	_ =	sdelay $0x1  }
0x23b: {  	v34 =	vmul.f32 v31, v29;
	v3 =	vadd.f32 v33, v3;
	_ =	sdelay $0x1  }
0x23c: {  	v1 =	vmul.f32 v1, v2;
	v3 =	vadd.f32 v34, v3;
	_ =	sdelay $0x1  }
0x23d: {  	v1 =	vadd.f32 v1, v3;
	_ =	sdelay $0x1  }
0x23e: {  	v1 =	vsub.f32 $0.0e+00, v1;
	_ =	sdelay $0x1  }
0x23f: {  	v1 =	vmul.f32 $1.442695020e+00, v1;
	_ =	sdelay $0x1  }
0x240: {  	(erf) = vpow2.f32 v1;
	_ =	sdelay $0x8  }
0x241: {  	v1 =	vpop (erf)  }
0x242: {  	v1 =	vadd.f32 $1.000000000e+00, v1;
	_ =	sdelay $0x1  }
0x243: {  	(erf) = vrcp.f32 v1;
	_ =	sdelay $0x8  }
0x244: {  	s2 =	sadd.s32 $0x10, s29;
	v1 =	vpop (erf)  }
0x245: {  	[tilespmem:s2+$0x0] =	vst v1  }
0x246: {  	[tilespmem:s17], [sflag:$0x1] =	stream.indirect.gather [hbm4b:s3+s11], $0x80, s24, s11, $0xb8;
	[tilespmem:$0x10A00] =	vst v63  }
0x247: {  	_ = 	snop  }
0x248: {  	[tilespmem:s19], [sflag:$0x2] =	stream.indirect.gather [hbm4b:s4+s11], $0x80, s25, s11, $0xb8;
	[tilespmem:$0x10A00] =	vst v63  }
0x249: {  	_ =	swait.ge [sflag:s20], $0x4000  }
0x24a: {  	[sflag:s20] =	ssyncset.done $0x0  }
0x24b: {  	[sflag:s20] =	ssyncadd.s32 $0xFFFFC000  }
0x24c: {  	_ =	swait.ge [sflag:s21], $0x4000  }
0x24d: {  	[sflag:s21] =	ssyncset.done $0x0  }
0x24e: {  	s0 =	simm.s32 $0x100;
	[sflag:s21] =	ssyncadd.s32 $0xFFFFC000  }
0x24f: {  	s2 =	simm.s32 $0x300;
	v1 =	vld [tilespmem:s0+$0x0]  }
0x250: {  	v2 =	vld [tilespmem:s2+$0x0];
	_ =	sdelay $0x1  }
0x251: {  	s2 =	simm.s32 $0x0  }
0x252: {  	v3 =	vmov s2  }
0x253: {  	v3 =	vshll.u32 v3, $0x7;
	v1 =	vshll.u32 v1, $0x5  }
0x254: {  	v3 =	vor.u32 v0, v3;
	v2 =	vshll.u32 v2, $0x5;
	v1 =	vand.u32 $0x60, v1  }
0x255: {  	v35 =	vand.u32 $0x60, v2;
	v2 =	vor.u32 v3, v1  }
0x256: {  	v1 =	vor.u32 v3, v35  }
0x257: {  	v3 =	vor.u32 $0x1, v2  }
0x258: {  	v4 =	vor.u32 $0x1, v1  }
0x259: {  	v36 =	vor.u32 $0x2, v2  }
0x25a: {  	v38 =	vor.u32 $0x2, v1;
	v37 =	vld.idx.msk [tilespmem:v2+s13+$0x0], $0xffff  }
0x25b: {  	v40 =	vor.u32 $0x3, v2;
	v39 =	vld.idx.msk [tilespmem:v1+s15+$0x0], $0xffff  }
0x25c: {  	v41 =	vor.u32 $0x3, v1;
	v3 =	vld.idx.msk [tilespmem:v3+s13+$0x0], $0xffff  }
0x25d: {  	v42 =	vor.u32 $0x4, v2;
	v4 =	vld.idx.msk [tilespmem:v4+s15+$0x0], $0xffff  }
0x25e: {  	v43 =	vor.u32 $0x4, v1;
	v5 =	vld.idx.msk [tilespmem:v36+s13+$0x0], $0xffff  }
0x25f: {  	v44 =	vor.u32 $0x5, v2;
	v7 =	vld.idx.msk [tilespmem:v38+s15+$0x0], $0xffff  }
0x260: {  	v45 =	vor.u32 $0x5, v1;
	v9 =	vld.idx.msk [tilespmem:v40+s13+$0x0], $0xffff;
	v6 =	vmul.f32 v39, v37  }
0x261: {  	v47 =	vor.u32 $0x6, v2;
	v46 =	vld.idx.msk [tilespmem:v41+s15+$0x0], $0xffff  }
0x262: {  	v48 =	vor.u32 $0x6, v1;
	v11 =	vld.idx.msk [tilespmem:v42+s13+$0x0], $0xffff;
	v3 =	vmul.f32 v4, v3;
	v6 =	vadd.f32 $0.0e+00, v6  }
0x263: {  	v50 =	vor.u32 $0x7, v2;
	v49 =	vld.idx.msk [tilespmem:v43+s15+$0x0], $0xffff  }
0x264: {  	v51 =	vor.u32 $0x7, v1;
	v13 =	vld.idx.msk [tilespmem:v44+s13+$0x0], $0xffff;
	v5 =	vmul.f32 v7, v5;
	v3 =	vadd.f32 v3, v6  }
0x265: {  	v54 =	vor.u32 $0x8, v1;
	v52 =	vld.idx.msk [tilespmem:v45+s15+$0x0], $0xffff  }
0x266: {  	v53 =	vor.u32 $0x8, v2;
	v10 =	vld.idx.msk [tilespmem:v47+s13+$0x0], $0xffff;
	v55 =	vmul.f32 v46, v9;
	v3 =	vadd.f32 v5, v3  }
0x267: {  	v58 =	vor.u32 $0x9, v1;
	v56 =	vld.idx.msk [tilespmem:v48+s15+$0x0], $0xffff  }
0x268: {  	v57 =	vor.u32 $0x9, v2;
	v12 =	vld.idx.msk [tilespmem:v50+s13+$0x0], $0xffff;
	v4 =	vmul.f32 v49, v11;
	v3 =	vadd.f32 v55, v3  }
0x269: {  	v61 =	vor.u32 $0xA, v1;
	v59 =	vld.idx.msk [tilespmem:v51+s15+$0x0], $0xffff  }
0x26a: {  	v60 =	vor.u32 $0xA, v2;
	v63 =	vld.idx.msk [tilespmem:v54+s15+$0x0], $0xffff;
	v62 =	vmul.f32 v52, v13;
	v3 =	vadd.f32 v4, v3  }
0x26b: {  	v20 =	vor.u32 $0xB, v1;
	v7 =	vld.idx.msk [tilespmem:v53+s13+$0x0], $0xffff  }
0x26c: {  	v19 =	vor.u32 $0xB, v2;
	v22 =	vld.idx.msk [tilespmem:v58+s15+$0x0], $0xffff;
	v21 =	vmul.f32 v56, v10;
	v3 =	vadd.f32 v62, v3  }
0x26d: {  	v24 =	vor.u32 $0xC, v1;
	v9 =	vld.idx.msk [tilespmem:v57+s13+$0x0], $0xffff  }
0x26e: {  	v23 =	vor.u32 $0xC, v2;
	v26 =	vld.idx.msk [tilespmem:v61+s15+$0x0], $0xffff;
	v25 =	vmul.f32 v59, v12;
	v3 =	vadd.f32 v21, v3  }
0x26f: {  	v28 =	vor.u32 $0xD, v1;
	v11 =	vld.idx.msk [tilespmem:v60+s13+$0x0], $0xffff  }
0x270: {  	v27 =	vor.u32 $0xD, v2;
	v30 =	vld.idx.msk [tilespmem:v20+s15+$0x0], $0xffff;
	v29 =	vmul.f32 v63, v7;
	v3 =	vadd.f32 v25, v3  }
0x271: {  	v32 =	vor.u32 $0xE, v1;
	v13 =	vld.idx.msk [tilespmem:v19+s13+$0x0], $0xffff  }
0x272: {  	v31 =	vor.u32 $0xE, v2;
	v34 =	vld.idx.msk [tilespmem:v24+s15+$0x0], $0xffff;
	v33 =	vmul.f32 v22, v9;
	v3 =	vadd.f32 v29, v3  }
0x273: {  	v36 =	vor.u32 $0xF, v1;
	v10 =	vld.idx.msk [tilespmem:v23+s13+$0x0], $0xffff  }
0x274: {  	v35 =	vor.u32 $0xF, v2;
	v38 =	vld.idx.msk [tilespmem:v28+s15+$0x0], $0xffff;
	v37 =	vmul.f32 v26, v11;
	v3 =	vadd.f32 v33, v3  }
0x275: {  	v40 =	vor.u32 $0x10, v1;
	v12 =	vld.idx.msk [tilespmem:v27+s13+$0x0], $0xffff  }
0x276: {  	v42 =	vld.idx.msk [tilespmem:v32+s15+$0x0], $0xffff;
	v39 =	vor.u32 $0x10, v2;
	v41 =	vmul.f32 v30, v13;
	v3 =	vadd.f32 v37, v3  }
0x277: {  	v44 =	vor.u32 $0x11, v1;
	v7 =	vld.idx.msk [tilespmem:v31+s13+$0x0], $0xffff  }
0x278: {  	v43 =	vor.u32 $0x11, v2;
	v46 =	vld.idx.msk [tilespmem:v36+s15+$0x0], $0xffff;
	v45 =	vmul.f32 v34, v10;
	v3 =	vadd.f32 v41, v3  }
0x279: {  	v48 =	vor.u32 $0x12, v1;
	v9 =	vld.idx.msk [tilespmem:v35+s13+$0x0], $0xffff  }
0x27a: {  	v47 =	vor.u32 $0x12, v2;
	v50 =	vld.idx.msk [tilespmem:v40+s15+$0x0], $0xffff;
	v49 =	vmul.f32 v38, v12;
	v3 =	vadd.f32 v45, v3  }
0x27b: {  	v51 =	vor.u32 $0x13, v2;
	v11 =	vld.idx.msk [tilespmem:v39+s13+$0x0], $0xffff  }
0x27c: {  	v52 =	vor.u32 $0x13, v1;
	v54 =	vld.idx.msk [tilespmem:v44+s15+$0x0], $0xffff;
	v53 =	vmul.f32 v42, v7;
	v3 =	vadd.f32 v49, v3  }
0x27d: {  	v56 =	vor.u32 $0x14, v1;
	v13 =	vld.idx.msk [tilespmem:v43+s13+$0x0], $0xffff  }
0x27e: {  	v58 =	vld.idx.msk [tilespmem:v48+s15+$0x0], $0xffff;
	v55 =	vor.u32 $0x14, v2;
	v57 =	vmul.f32 v46, v9;
	v3 =	vadd.f32 v53, v3  }
0x27f: {  	v60 =	vor.u32 $0x15, v1;
	v10 =	vld.idx.msk [tilespmem:v47+s13+$0x0], $0xffff  }
0x280: {  	v59 =	vor.u32 $0x15, v2;
	v12 =	vld.idx.msk [tilespmem:v51+s13+$0x0], $0xffff;
	v61 =	vmul.f32 v50, v11;
	v3 =	vadd.f32 v57, v3  }
0x281: {  	v20 =	vor.u32 $0x16, v1;
	v62 =	vld.idx.msk [tilespmem:v52+s15+$0x0], $0xffff  }
0x282: {  	v63 =	vor.u32 $0x16, v2;
	v22 =	vld.idx.msk [tilespmem:v56+s15+$0x0], $0xffff;
	v21 =	vmul.f32 v54, v13;
	v3 =	vadd.f32 v61, v3  }
0x283: {  	v24 =	vor.u32 $0x17, v1;
	v7 =	vld.idx.msk [tilespmem:v55+s13+$0x0], $0xffff  }
0x284: {  	v23 =	vor.u32 $0x17, v2;
	v26 =	vld.idx.msk [tilespmem:v60+s15+$0x0], $0xffff;
	v25 =	vmul.f32 v58, v10;
	v3 =	vadd.f32 v21, v3  }
0x285: {  	v28 =	vor.u32 $0x18, v1;
	v9 =	vld.idx.msk [tilespmem:v59+s13+$0x0], $0xffff  }
0x286: {  	v27 =	vor.u32 $0x18, v2;
	v30 =	vld.idx.msk [tilespmem:v20+s15+$0x0], $0xffff;
	v29 =	vmul.f32 v62, v12;
	v3 =	vadd.f32 v25, v3  }
0x287: {  	v32 =	vor.u32 $0x19, v1;
	v11 =	vld.idx.msk [tilespmem:v63+s13+$0x0], $0xffff  }
0x288: {  	v31 =	vor.u32 $0x19, v2;
	v34 =	vld.idx.msk [tilespmem:v24+s15+$0x0], $0xffff;
	v33 =	vmul.f32 v22, v7;
	v3 =	vadd.f32 v29, v3  }
0x289: {  	v36 =	vor.u32 $0x1A, v1;
	v13 =	vld.idx.msk [tilespmem:v23+s13+$0x0], $0xffff  }
0x28a: {  	v35 =	vor.u32 $0x1A, v2;
	v38 =	vld.idx.msk [tilespmem:v28+s15+$0x0], $0xffff;
	v37 =	vmul.f32 v26, v9;
	v3 =	vadd.f32 v33, v3  }
0x28b: {  	v40 =	vor.u32 $0x1B, v1;
	v10 =	vld.idx.msk [tilespmem:v27+s13+$0x0], $0xffff  }
0x28c: {  	v39 =	vor.u32 $0x1B, v2;
	v42 =	vld.idx.msk [tilespmem:v32+s15+$0x0], $0xffff;
	v41 =	vmul.f32 v30, v11;
	v3 =	vadd.f32 v37, v3  }
0x28d: {  	v44 =	vor.u32 $0x1C, v1;
	v12 =	vld.idx.msk [tilespmem:v31+s13+$0x0], $0xffff  }
0x28e: {  	v43 =	vor.u32 $0x1C, v2;
	v46 =	vld.idx.msk [tilespmem:v36+s15+$0x0], $0xffff;
	v45 =	vmul.f32 v34, v13;
	v3 =	vadd.f32 v41, v3  }
0x28f: {  	v47 =	vor.u32 $0x1D, v2;
	v7 =	vld.idx.msk [tilespmem:v35+s13+$0x0], $0xffff  }
0x290: {  	v48 =	vor.u32 $0x1D, v1;
	v50 =	vld.idx.msk [tilespmem:v40+s15+$0x0], $0xffff;
	v49 =	vmul.f32 v38, v10;
	v3 =	vadd.f32 v45, v3  }
0x291: {  	v51 =	vor.u32 $0x1E, v2;
	v9 =	vld.idx.msk [tilespmem:v39+s13+$0x0], $0xffff  }
0x292: {  	v52 =	vor.u32 $0x1E, v1;
	v54 =	vld.idx.msk [tilespmem:v44+s15+$0x0], $0xffff;
	v53 =	vmul.f32 v42, v12;
	v3 =	vadd.f32 v49, v3  }
0x293: {  	v2 =	vor.u32 $0x1F, v2;
	v11 =	vld.idx.msk [tilespmem:v43+s13+$0x0], $0xffff  }
0x294: {  	v1 =	vor.u32 $0x1F, v1;
	v55 =	vld.idx.msk [tilespmem:v47+s13+$0x0], $0xffff;
	v56 =	vmul.f32 v46, v7;
	v3 =	vadd.f32 v53, v3  }
0x295: {  	v57 =	vld.idx.msk [tilespmem:v48+s15+$0x0], $0xffff  }
0x296: {  	v58 =	vld.idx.msk [tilespmem:v51+s13+$0x0], $0xffff;
	v59 =	vmul.f32 v50, v9;
	v3 =	vadd.f32 v56, v3  }
0x297: {  	v60 =	vld.idx.msk [tilespmem:v52+s15+$0x0], $0xffff  }
0x298: {  	v2 =	vld.idx.msk [tilespmem:v2+s13+$0x0], $0xffff;
	v61 =	vmul.f32 v54, v11;
	v3 =	vadd.f32 v59, v3  }
0x299: {  	v1 =	vld.idx.msk [tilespmem:v1+s15+$0x0], $0xffff  }
0x29a: {  	v62 =	vmul.f32 v57, v55;
	v3 =	vadd.f32 v61, v3;
	_ =	sdelay $0x1  }
0x29b: {  	v63 =	vmul.f32 v60, v58;
	v3 =	vadd.f32 v62, v3;
	_ =	sdelay $0x1  }
0x29c: {  	v1 =	vmul.f32 v1, v2;
	v3 =	vadd.f32 v63, v3;
	_ =	sdelay $0x1  }
0x29d: {  	v1 =	vadd.f32 v1, v3;
	_ =	sdelay $0x1  }
0x29e: {  	v1 =	vsub.f32 $0.0e+00, v1;
	_ =	sdelay $0x1  }
0x29f: {  	v1 =	vmul.f32 $1.442695020e+00, v1;
	_ =	sdelay $0x1  }
0x2a0: {  	(erf) = vpow2.f32 v1;
	_ =	sdelay $0x8  }
0x2a1: {  	v1 =	vpop (erf)  }
0x2a2: {  	v1 =	vadd.f32 $1.000000000e+00, v1;
	_ =	sdelay $0x1  }
0x2a3: {  	(erf) = vrcp.f32 v1;
	_ =	sdelay $0x8  }
0x2a4: {  	s29 =	simm.s32 $0x10900;
	v1 =	vpop (erf)  }
0x2a5: {  	s30 =	simm.s32 $0x110;
	[tilespmem:s29+$0x0] =	vst v1  }
0x2a6: {  	s31 =	simm.s32 $0x310;
	v1 =	vld [tilespmem:s30+$0x0]  }
0x2a7: {  	s0 =	simm.s32 $0x10;
	s2 =	simm.s32 $0x20;
	v2 =	vld [tilespmem:s31+$0x0]  }
.LBB2_8:
0x2a8: {  	p0 =	sne.s32 s2, $0x70;
	_ =	sdelay $0x1  }
0x2a9: {  	v3 =	vmov s0;
	s0 =	smov.u32 s2  }
0x2aa: {  	v3 =	vshll.u32 v3, $0x7;
	v1 =	vshll.u32 v1, $0x5  }
0x2ab: {  	v3 =	vor.u32 v0, v3;
	v1 =	vand.u32 $0x60, v1;
	v2 =	vshll.u32 v2, $0x5  }
0x2ac: {  	v4 =	vand.u32 $0x60, v2;
	v2 =	vor.u32 v3, v1  }
0x2ad: {  	v1 =	vor.u32 v3, v4  }
0x2ae: {  	v3 =	vor.u32 $0x1, v2  }
0x2af: {  	v4 =	vor.u32 $0x1, v1  }
0x2b0: {  	v5 =	vor.u32 $0x2, v2  }
0x2b1: {  	v7 =	vor.u32 $0x2, v1;
	v6 =	vld.idx.msk [tilespmem:v2+s13+$0x0], $0xffff  }
0x2b2: {  	v9 =	vor.u32 $0x3, v2;
	v8 =	vld.idx.msk [tilespmem:v1+s15+$0x0], $0xffff  }
0x2b3: {  	v10 =	vor.u32 $0x3, v1;
	v3 =	vld.idx.msk [tilespmem:v3+s13+$0x0], $0xffff  }
0x2b4: {  	v11 =	vor.u32 $0x4, v2;
	v4 =	vld.idx.msk [tilespmem:v4+s15+$0x0], $0xffff  }
0x2b5: {  	v12 =	vor.u32 $0x4, v1;
	v5 =	vld.idx.msk [tilespmem:v5+s13+$0x0], $0xffff  }
0x2b6: {  	v13 =	vor.u32 $0x5, v2;
	v7 =	vld.idx.msk [tilespmem:v7+s15+$0x0], $0xffff  }
0x2b7: {  	v14 =	vor.u32 $0x5, v1;
	v9 =	vld.idx.msk [tilespmem:v9+s13+$0x0], $0xffff  }
0x2b8: {  	v6 =	vmul.f32 v8, v6;
	v8 =	vld.idx.msk [tilespmem:v10+s15+$0x0], $0xffff;
	v10 =	vor.u32 $0x6, v2  }
0x2b9: {  	v15 =	vor.u32 $0x6, v1;
	v11 =	vld.idx.msk [tilespmem:v11+s13+$0x0], $0xffff  }
0x2ba: {  	v6 =	vadd.f32 $0.0e+00, v6;
	v3 =	vmul.f32 v4, v3;
	v4 =	vld.idx.msk [tilespmem:v12+s15+$0x0], $0xffff;
	v12 =	vor.u32 $0x7, v2  }
0x2bb: {  	v16 =	vor.u32 $0x7, v1;
	v13 =	vld.idx.msk [tilespmem:v13+s13+$0x0], $0xffff  }
0x2bc: {  	v3 =	vadd.f32 v3, v6;
	v5 =	vmul.f32 v7, v5;
	v7 =	vor.u32 $0x8, v2;
	v6 =	vld.idx.msk [tilespmem:v14+s15+$0x0], $0xffff  }
0x2bd: {  	v14 =	vor.u32 $0x8, v1;
	v10 =	vld.idx.msk [tilespmem:v10+s13+$0x0], $0xffff  }
0x2be: {  	v3 =	vadd.f32 v5, v3;
	v5 =	vmul.f32 v8, v9;
	v9 =	vor.u32 $0x9, v2;
	v8 =	vld.idx.msk [tilespmem:v15+s15+$0x0], $0xffff  }
0x2bf: {  	v15 =	vor.u32 $0x9, v1;
	v12 =	vld.idx.msk [tilespmem:v12+s13+$0x0], $0xffff  }
0x2c0: {  	v3 =	vadd.f32 v5, v3;
	v4 =	vmul.f32 v4, v11;
	v11 =	vor.u32 $0xA, v2;
	v5 =	vld.idx.msk [tilespmem:v16+s15+$0x0], $0xffff  }
0x2c1: {  	v16 =	vor.u32 $0xA, v1;
	v7 =	vld.idx.msk [tilespmem:v7+s13+$0x0], $0xffff  }
0x2c2: {  	v3 =	vadd.f32 v4, v3;
	v4 =	vmul.f32 v6, v13;
	v13 =	vor.u32 $0xB, v2;
	v6 =	vld.idx.msk [tilespmem:v14+s15+$0x0], $0xffff  }
0x2c3: {  	v14 =	vor.u32 $0xB, v1;
	v9 =	vld.idx.msk [tilespmem:v9+s13+$0x0], $0xffff  }
0x2c4: {  	v3 =	vadd.f32 v4, v3;
	v4 =	vmul.f32 v8, v10;
	v10 =	vor.u32 $0xC, v2;
	v8 =	vld.idx.msk [tilespmem:v15+s15+$0x0], $0xffff  }
0x2c5: {  	v15 =	vor.u32 $0xC, v1;
	v11 =	vld.idx.msk [tilespmem:v11+s13+$0x0], $0xffff  }
0x2c6: {  	v3 =	vadd.f32 v4, v3;
	v4 =	vmul.f32 v5, v12;
	v12 =	vor.u32 $0xD, v2;
	v5 =	vld.idx.msk [tilespmem:v16+s15+$0x0], $0xffff  }
0x2c7: {  	v16 =	vor.u32 $0xD, v1;
	v13 =	vld.idx.msk [tilespmem:v13+s13+$0x0], $0xffff  }
0x2c8: {  	v3 =	vadd.f32 v4, v3;
	v4 =	vmul.f32 v6, v7;
	v7 =	vor.u32 $0xE, v2;
	v6 =	vld.idx.msk [tilespmem:v14+s15+$0x0], $0xffff  }
0x2c9: {  	v14 =	vor.u32 $0xE, v1;
	v10 =	vld.idx.msk [tilespmem:v10+s13+$0x0], $0xffff  }
0x2ca: {  	v3 =	vadd.f32 v4, v3;
	v4 =	vmul.f32 v8, v9;
	v9 =	vor.u32 $0xF, v2;
	v8 =	vld.idx.msk [tilespmem:v15+s15+$0x0], $0xffff  }
0x2cb: {  	v15 =	vor.u32 $0xF, v1;
	v12 =	vld.idx.msk [tilespmem:v12+s13+$0x0], $0xffff  }
0x2cc: {  	v3 =	vadd.f32 v4, v3;
	v4 =	vmul.f32 v5, v11;
	v11 =	vor.u32 $0x10, v2;
	v5 =	vld.idx.msk [tilespmem:v16+s15+$0x0], $0xffff  }
0x2cd: {  	v16 =	vor.u32 $0x10, v1;
	v7 =	vld.idx.msk [tilespmem:v7+s13+$0x0], $0xffff  }
0x2ce: {  	v3 =	vadd.f32 v4, v3;
	v4 =	vmul.f32 v6, v13;
	v13 =	vor.u32 $0x11, v2;
	v6 =	vld.idx.msk [tilespmem:v14+s15+$0x0], $0xffff  }
0x2cf: {  	v14 =	vor.u32 $0x11, v1;
	v9 =	vld.idx.msk [tilespmem:v9+s13+$0x0], $0xffff  }
0x2d0: {  	v3 =	vadd.f32 v4, v3;
	v4 =	vmul.f32 v8, v10;
	v10 =	vor.u32 $0x12, v2;
	v8 =	vld.idx.msk [tilespmem:v15+s15+$0x0], $0xffff  }
0x2d1: {  	v15 =	vor.u32 $0x12, v1;
	v11 =	vld.idx.msk [tilespmem:v11+s13+$0x0], $0xffff  }
0x2d2: {  	v3 =	vadd.f32 v4, v3;
	v4 =	vmul.f32 v5, v12;
	v12 =	vor.u32 $0x13, v2;
	v5 =	vld.idx.msk [tilespmem:v16+s15+$0x0], $0xffff  }
0x2d3: {  	v16 =	vor.u32 $0x13, v1;
	v13 =	vld.idx.msk [tilespmem:v13+s13+$0x0], $0xffff  }
0x2d4: {  	v3 =	vadd.f32 v4, v3;
	v4 =	vmul.f32 v6, v7;
	v7 =	vor.u32 $0x14, v2;
	v6 =	vld.idx.msk [tilespmem:v14+s15+$0x0], $0xffff  }
0x2d5: {  	v14 =	vor.u32 $0x14, v1;
	v10 =	vld.idx.msk [tilespmem:v10+s13+$0x0], $0xffff  }
0x2d6: {  	v3 =	vadd.f32 v4, v3;
	v4 =	vmul.f32 v8, v9;
	v9 =	vor.u32 $0x15, v2;
	v8 =	vld.idx.msk [tilespmem:v15+s15+$0x0], $0xffff  }
0x2d7: {  	v15 =	vor.u32 $0x15, v1;
	v12 =	vld.idx.msk [tilespmem:v12+s13+$0x0], $0xffff  }
0x2d8: {  	v3 =	vadd.f32 v4, v3;
	v4 =	vmul.f32 v5, v11;
	v11 =	vor.u32 $0x16, v2;
	v5 =	vld.idx.msk [tilespmem:v16+s15+$0x0], $0xffff  }
0x2d9: {  	v16 =	vor.u32 $0x16, v1;
	v7 =	vld.idx.msk [tilespmem:v7+s13+$0x0], $0xffff  }
0x2da: {  	v3 =	vadd.f32 v4, v3;
	v4 =	vmul.f32 v6, v13;
	v13 =	vor.u32 $0x17, v2;
	v6 =	vld.idx.msk [tilespmem:v14+s15+$0x0], $0xffff  }
0x2db: {  	v14 =	vor.u32 $0x17, v1;
	v9 =	vld.idx.msk [tilespmem:v9+s13+$0x0], $0xffff  }
0x2dc: {  	v3 =	vadd.f32 v4, v3;
	v4 =	vmul.f32 v8, v10;
	v10 =	vor.u32 $0x18, v2;
	v8 =	vld.idx.msk [tilespmem:v15+s15+$0x0], $0xffff  }
0x2dd: {  	v15 =	vor.u32 $0x18, v1;
	v11 =	vld.idx.msk [tilespmem:v11+s13+$0x0], $0xffff  }
0x2de: {  	v3 =	vadd.f32 v4, v3;
	v4 =	vmul.f32 v5, v12;
	v12 =	vor.u32 $0x19, v2;
	v5 =	vld.idx.msk [tilespmem:v16+s15+$0x0], $0xffff  }
0x2df: {  	v16 =	vor.u32 $0x19, v1;
	v13 =	vld.idx.msk [tilespmem:v13+s13+$0x0], $0xffff  }
0x2e0: {  	v3 =	vadd.f32 v4, v3;
	v4 =	vmul.f32 v6, v7;
	v7 =	vor.u32 $0x1A, v2;
	v6 =	vld.idx.msk [tilespmem:v14+s15+$0x0], $0xffff  }
0x2e1: {  	v14 =	vor.u32 $0x1A, v1;
	v10 =	vld.idx.msk [tilespmem:v10+s13+$0x0], $0xffff  }
0x2e2: {  	v3 =	vadd.f32 v4, v3;
	v4 =	vmul.f32 v8, v9;
	v9 =	vor.u32 $0x1B, v2;
	v8 =	vld.idx.msk [tilespmem:v15+s15+$0x0], $0xffff  }
0x2e3: {  	v15 =	vor.u32 $0x1B, v1;
	v12 =	vld.idx.msk [tilespmem:v12+s13+$0x0], $0xffff  }
0x2e4: {  	v3 =	vadd.f32 v4, v3;
	v4 =	vmul.f32 v5, v11;
	v11 =	vor.u32 $0x1C, v2;
	v5 =	vld.idx.msk [tilespmem:v16+s15+$0x0], $0xffff  }
0x2e5: {  	v16 =	vor.u32 $0x1C, v1;
	v7 =	vld.idx.msk [tilespmem:v7+s13+$0x0], $0xffff  }
0x2e6: {  	v3 =	vadd.f32 v4, v3;
	v4 =	vmul.f32 v6, v13;
	v13 =	vor.u32 $0x1D, v2;
	v6 =	vld.idx.msk [tilespmem:v14+s15+$0x0], $0xffff  }
0x2e7: {  	v14 =	vor.u32 $0x1D, v1;
	v9 =	vld.idx.msk [tilespmem:v9+s13+$0x0], $0xffff  }
0x2e8: {  	v3 =	vadd.f32 v4, v3;
	v4 =	vmul.f32 v8, v10;
	v10 =	vor.u32 $0x1E, v2;
	v8 =	vld.idx.msk [tilespmem:v15+s15+$0x0], $0xffff  }
0x2e9: {  	v15 =	vor.u32 $0x1E, v1;
	v11 =	vld.idx.msk [tilespmem:v11+s13+$0x0], $0xffff  }
0x2ea: {  	v2 =	vor.u32 $0x1F, v2;
	v3 =	vadd.f32 v4, v3;
	v4 =	vmul.f32 v5, v12;
	v5 =	vld.idx.msk [tilespmem:v16+s15+$0x0], $0xffff  }
0x2eb: {  	v1 =	vor.u32 $0x1F, v1;
	v12 =	vld.idx.msk [tilespmem:v13+s13+$0x0], $0xffff  }
0x2ec: {  	v3 =	vadd.f32 v4, v3;
	v4 =	vmul.f32 v6, v7;
	v6 =	vld.idx.msk [tilespmem:v14+s15+$0x0], $0xffff  }
0x2ed: {  	v7 =	vld.idx.msk [tilespmem:v10+s13+$0x0], $0xffff  }
0x2ee: {  	v3 =	vadd.f32 v4, v3;
	v4 =	vmul.f32 v8, v9;
	v8 =	vld.idx.msk [tilespmem:v15+s15+$0x0], $0xffff  }
0x2ef: {  	v2 =	vld.idx.msk [tilespmem:v2+s13+$0x0], $0xffff  }
0x2f0: {  	v3 =	vadd.f32 v4, v3;
	v4 =	vmul.f32 v5, v11;
	v1 =	vld.idx.msk [tilespmem:v1+s15+$0x0], $0xffff;
	_ =	sdelay $0x1  }
0x2f1: {  	v3 =	vadd.f32 v4, v3;
	v4 =	vmul.f32 v6, v12;
	_ =	sdelay $0x1  }
0x2f2: {  	v3 =	vadd.f32 v4, v3;
	v4 =	vmul.f32 v8, v7;
	_ =	sdelay $0x1  }
0x2f3: {  	v3 =	vadd.f32 v4, v3;
	v1 =	vmul.f32 v1, v2;
	_ =	sdelay $0x1  }
0x2f4: {  	v1 =	vadd.f32 v1, v3;
	_ =	sdelay $0x1  }
0x2f5: {  	v1 =	vsub.f32 $0.0e+00, v1;
	_ =	sdelay $0x1  }
0x2f6: {  	v1 =	vmul.f32 $1.442695020e+00, v1;
	_ =	sdelay $0x1  }
0x2f7: {  	(erf) = vpow2.f32 v1;
	_ =	sdelay $0x8  }
0x2f8: {  	v1 =	vpop (erf)  }
0x2f9: {  	v1 =	vadd.f32 $1.000000000e+00, v1;
	_ =	sdelay $0x1  }
0x2fa: {  	(erf) = vrcp.f32 v1;
	_ =	sdelay $0x7  }
.Ltmp3:
0x2fb: {  	(pc) =	sbr.rel @p0 .LBB2_8-.Ltmp3, $4  }
0x2fc: {  	s29 =	sadd.s32 $0x10, s29;
	v1 =	vpop (erf)  }
0x2fd: {  	s30 =	sadd.s32 $0x10, s30;
	[tilespmem:s29+$0x0] =	vst v1  }
0x2fe: {  	s31 =	sadd.s32 $0x10, s31;
	v1 =	vld [tilespmem:s30+$0x0]  }
0x2ff: {  	s2 =	sadd.s32 $0x10, s2;
	v2 =	vld [tilespmem:s31+$0x0]  }
0x300: {  	_ =	sdelay $0x1  }
0x301: {  	v3 =	vmov s0  }
0x302: {  	v3 =	vshll.u32 v3, $0x7;
	v1 =	vshll.u32 v1, $0x5  }
0x303: {  	v3 =	vor.u32 v0, v3;
	v1 =	vand.u32 $0x60, v1;
	v2 =	vshll.u32 v2, $0x5  }
0x304: {  	v4 =	vand.u32 $0x60, v2;
	v2 =	vor.u32 v3, v1  }
0x305: {  	v1 =	vor.u32 v3, v4  }
0x306: {  	v3 =	vor.u32 $0x1, v2  }
0x307: {  	v4 =	vor.u32 $0x1, v1  }
0x308: {  	v5 =	vor.u32 $0x2, v2  }
0x309: {  	v7 =	vor.u32 $0x2, v1;
	v6 =	vld.idx.msk [tilespmem:v2+s13+$0x0], $0xffff  }
0x30a: {  	v9 =	vor.u32 $0x3, v2;
	v8 =	vld.idx.msk [tilespmem:v1+s15+$0x0], $0xffff  }
0x30b: {  	v10 =	vor.u32 $0x3, v1;
	v3 =	vld.idx.msk [tilespmem:v3+s13+$0x0], $0xffff  }
0x30c: {  	v11 =	vor.u32 $0x4, v2;
	v4 =	vld.idx.msk [tilespmem:v4+s15+$0x0], $0xffff  }
0x30d: {  	v12 =	vor.u32 $0x4, v1;
	v5 =	vld.idx.msk [tilespmem:v5+s13+$0x0], $0xffff  }
0x30e: {  	v13 =	vor.u32 $0x5, v2;
	v7 =	vld.idx.msk [tilespmem:v7+s15+$0x0], $0xffff  }
0x30f: {  	v14 =	vor.u32 $0x5, v1;
	v9 =	vld.idx.msk [tilespmem:v9+s13+$0x0], $0xffff;
	v6 =	vmul.f32 v8, v6  }
0x310: {  	v21 =	vor.u32 $0x6, v2;
	v20 =	vld.idx.msk [tilespmem:v10+s15+$0x0], $0xffff  }
0x311: {  	v15 =	vor.u32 $0x6, v1;
	v11 =	vld.idx.msk [tilespmem:v11+s13+$0x0], $0xffff;
	v3 =	vmul.f32 v4, v3;
	v6 =	vadd.f32 $0.0e+00, v6  }
0x312: {  	v23 =	vor.u32 $0x7, v2;
	v22 =	vld.idx.msk [tilespmem:v12+s15+$0x0], $0xffff  }
0x313: {  	v16 =	vor.u32 $0x7, v1;
	v13 =	vld.idx.msk [tilespmem:v13+s13+$0x0], $0xffff;
	v5 =	vmul.f32 v7, v5;
	v3 =	vadd.f32 v3, v6  }
0x314: {  	v26 =	vor.u32 $0x8, v1;
	v24 =	vld.idx.msk [tilespmem:v14+s15+$0x0], $0xffff  }
0x315: {  	v25 =	vor.u32 $0x8, v2;
	v10 =	vld.idx.msk [tilespmem:v21+s13+$0x0], $0xffff;
	v27 =	vmul.f32 v20, v9;
	v3 =	vadd.f32 v5, v3  }
0x316: {  	v30 =	vor.u32 $0x9, v1;
	v28 =	vld.idx.msk [tilespmem:v15+s15+$0x0], $0xffff  }
0x317: {  	v29 =	vor.u32 $0x9, v2;
	v12 =	vld.idx.msk [tilespmem:v23+s13+$0x0], $0xffff;
	v4 =	vmul.f32 v22, v11;
	v3 =	vadd.f32 v27, v3  }
0x318: {  	v33 =	vor.u32 $0xA, v1;
	v31 =	vld.idx.msk [tilespmem:v16+s15+$0x0], $0xffff  }
0x319: {  	v32 =	vor.u32 $0xA, v2;
	v35 =	vld.idx.msk [tilespmem:v26+s15+$0x0], $0xffff;
	v34 =	vmul.f32 v24, v13;
	v3 =	vadd.f32 v4, v3  }
0x31a: {  	v37 =	vor.u32 $0xB, v1;
	v7 =	vld.idx.msk [tilespmem:v25+s13+$0x0], $0xffff  }
0x31b: {  	v36 =	vor.u32 $0xB, v2;
	v39 =	vld.idx.msk [tilespmem:v30+s15+$0x0], $0xffff;
	v38 =	vmul.f32 v28, v10;
	v3 =	vadd.f32 v34, v3  }
0x31c: {  	v41 =	vor.u32 $0xC, v1;
	v9 =	vld.idx.msk [tilespmem:v29+s13+$0x0], $0xffff  }
0x31d: {  	v40 =	vor.u32 $0xC, v2;
	v43 =	vld.idx.msk [tilespmem:v33+s15+$0x0], $0xffff;
	v42 =	vmul.f32 v31, v12;
	v3 =	vadd.f32 v38, v3  }
0x31e: {  	v45 =	vor.u32 $0xD, v1;
	v11 =	vld.idx.msk [tilespmem:v32+s13+$0x0], $0xffff  }
0x31f: {  	v44 =	vor.u32 $0xD, v2;
	v47 =	vld.idx.msk [tilespmem:v37+s15+$0x0], $0xffff;
	v46 =	vmul.f32 v35, v7;
	v3 =	vadd.f32 v42, v3  }
0x320: {  	v49 =	vor.u32 $0xE, v1;
	v13 =	vld.idx.msk [tilespmem:v36+s13+$0x0], $0xffff  }
0x321: {  	v48 =	vor.u32 $0xE, v2;
	v51 =	vld.idx.msk [tilespmem:v41+s15+$0x0], $0xffff;
	v50 =	vmul.f32 v39, v9;
	v3 =	vadd.f32 v46, v3  }
0x322: {  	v53 =	vor.u32 $0xF, v1;
	v10 =	vld.idx.msk [tilespmem:v40+s13+$0x0], $0xffff  }
0x323: {  	v52 =	vor.u32 $0xF, v2;
	v55 =	vld.idx.msk [tilespmem:v45+s15+$0x0], $0xffff;
	v54 =	vmul.f32 v43, v11;
	v3 =	vadd.f32 v50, v3  }
0x324: {  	v57 =	vor.u32 $0x10, v1;
	v12 =	vld.idx.msk [tilespmem:v44+s13+$0x0], $0xffff  }
0x325: {  	v56 =	vor.u32 $0x10, v2;
	v59 =	vld.idx.msk [tilespmem:v49+s15+$0x0], $0xffff;
	v58 =	vmul.f32 v47, v13;
	v3 =	vadd.f32 v54, v3  }
0x326: {  	v60 =	vor.u32 $0x11, v2;
	v7 =	vld.idx.msk [tilespmem:v48+s13+$0x0], $0xffff  }
0x327: {  	v61 =	vor.u32 $0x11, v1;
	v63 =	vld.idx.msk [tilespmem:v53+s15+$0x0], $0xffff;
	v62 =	vmul.f32 v51, v10;
	v3 =	vadd.f32 v58, v3  }
0x328: {  	v21 =	vor.u32 $0x12, v1;
	v9 =	vld.idx.msk [tilespmem:v52+s13+$0x0], $0xffff  }
0x329: {  	v23 =	vld.idx.msk [tilespmem:v57+s15+$0x0], $0xffff;
	v20 =	vor.u32 $0x12, v2;
	v22 =	vmul.f32 v55, v12;
	v3 =	vadd.f32 v62, v3  }
0x32a: {  	v24 =	vor.u32 $0x13, v2;
	v11 =	vld.idx.msk [tilespmem:v56+s13+$0x0], $0xffff  }
0x32b: {  	v25 =	vor.u32 $0x13, v1;
	v13 =	vld.idx.msk [tilespmem:v60+s13+$0x0], $0xffff;
	v26 =	vmul.f32 v59, v7;
	v3 =	vadd.f32 v22, v3  }
0x32c: {  	v29 =	vor.u32 $0x14, v1;
	v27 =	vld.idx.msk [tilespmem:v61+s15+$0x0], $0xffff  }
0x32d: {  	v28 =	vor.u32 $0x14, v2;
	v31 =	vld.idx.msk [tilespmem:v21+s15+$0x0], $0xffff;
	v30 =	vmul.f32 v63, v9;
	v3 =	vadd.f32 v26, v3  }
0x32e: {  	v33 =	vor.u32 $0x15, v1;
	v10 =	vld.idx.msk [tilespmem:v20+s13+$0x0], $0xffff  }
0x32f: {  	v32 =	vor.u32 $0x15, v2;
	v12 =	vld.idx.msk [tilespmem:v24+s13+$0x0], $0xffff;
	v34 =	vmul.f32 v23, v11;
	v3 =	vadd.f32 v30, v3  }
0x330: {  	v37 =	vor.u32 $0x16, v1;
	v35 =	vld.idx.msk [tilespmem:v25+s15+$0x0], $0xffff  }
0x331: {  	v36 =	vor.u32 $0x16, v2;
	v39 =	vld.idx.msk [tilespmem:v29+s15+$0x0], $0xffff;
	v38 =	vmul.f32 v27, v13;
	v3 =	vadd.f32 v34, v3  }
0x332: {  	v41 =	vor.u32 $0x17, v1;
	v7 =	vld.idx.msk [tilespmem:v28+s13+$0x0], $0xffff  }
0x333: {  	v40 =	vor.u32 $0x17, v2;
	v43 =	vld.idx.msk [tilespmem:v33+s15+$0x0], $0xffff;
	v42 =	vmul.f32 v31, v10;
	v3 =	vadd.f32 v38, v3  }
0x334: {  	v45 =	vor.u32 $0x18, v1;
	v9 =	vld.idx.msk [tilespmem:v32+s13+$0x0], $0xffff  }
0x335: {  	v44 =	vor.u32 $0x18, v2;
	v47 =	vld.idx.msk [tilespmem:v37+s15+$0x0], $0xffff;
	v46 =	vmul.f32 v35, v12;
	v3 =	vadd.f32 v42, v3  }
0x336: {  	v49 =	vor.u32 $0x19, v1;
	v11 =	vld.idx.msk [tilespmem:v36+s13+$0x0], $0xffff  }
0x337: {  	v48 =	vor.u32 $0x19, v2;
	v51 =	vld.idx.msk [tilespmem:v41+s15+$0x0], $0xffff;
	v50 =	vmul.f32 v39, v7;
	v3 =	vadd.f32 v46, v3  }
0x338: {  	v53 =	vor.u32 $0x1A, v1;
	v13 =	vld.idx.msk [tilespmem:v40+s13+$0x0], $0xffff  }
0x339: {  	v52 =	vor.u32 $0x1A, v2;
	v55 =	vld.idx.msk [tilespmem:v45+s15+$0x0], $0xffff;
	v54 =	vmul.f32 v43, v9;
	v3 =	vadd.f32 v50, v3  }
0x33a: {  	v57 =	vor.u32 $0x1B, v1;
	v10 =	vld.idx.msk [tilespmem:v44+s13+$0x0], $0xffff  }
0x33b: {  	v56 =	vor.u32 $0x1B, v2;
	v59 =	vld.idx.msk [tilespmem:v49+s15+$0x0], $0xffff;
	v58 =	vmul.f32 v47, v11;
	v3 =	vadd.f32 v54, v3  }
0x33c: {  	v61 =	vor.u32 $0x1C, v1;
	v12 =	vld.idx.msk [tilespmem:v48+s13+$0x0], $0xffff  }
0x33d: {  	v60 =	vor.u32 $0x1C, v2;
	v63 =	vld.idx.msk [tilespmem:v53+s15+$0x0], $0xffff;
	v62 =	vmul.f32 v51, v13;
	v3 =	vadd.f32 v58, v3  }
0x33e: {  	v19 =	vor.u32 $0x1D, v1;
	v7 =	vld.idx.msk [tilespmem:v52+s13+$0x0], $0xffff  }
0x33f: {  	v18 =	vor.u32 $0x1D, v2;
	v21 =	vld.idx.msk [tilespmem:v57+s15+$0x0], $0xffff;
	v20 =	vmul.f32 v55, v10;
	v3 =	vadd.f32 v62, v3  }
0x340: {  	v23 =	vor.u32 $0x1E, v1;
	v9 =	vld.idx.msk [tilespmem:v56+s13+$0x0], $0xffff  }
0x341: {  	v25 =	vld.idx.msk [tilespmem:v61+s15+$0x0], $0xffff;
	v24 =	vmul.f32 v59, v12;
	v22 =	vor.u32 $0x1E, v2;
	v3 =	vadd.f32 v20, v3  }
0x342: {  	v1 =	vor.u32 $0x1F, v1;
	v11 =	vld.idx.msk [tilespmem:v60+s13+$0x0], $0xffff  }
0x343: {  	v28 =	vld.idx.msk [tilespmem:v19+s15+$0x0], $0xffff;
	v27 =	vmul.f32 v63, v7;
	v2 =	vor.u32 $0x1F, v2;
	v3 =	vadd.f32 v24, v3  }
0x344: {  	v26 =	vld.idx.msk [tilespmem:v18+s13+$0x0], $0xffff  }
0x345: {  	v31 =	vld.idx.msk [tilespmem:v23+s15+$0x0], $0xffff;
	v30 =	vmul.f32 v21, v9;
	v3 =	vadd.f32 v27, v3  }
0x346: {  	v29 =	vld.idx.msk [tilespmem:v22+s13+$0x0], $0xffff  }
0x347: {  	v1 =	vld.idx.msk [tilespmem:v1+s15+$0x0], $0xffff;
	v32 =	vmul.f32 v25, v11;
	v3 =	vadd.f32 v30, v3  }
0x348: {  	v2 =	vld.idx.msk [tilespmem:v2+s13+$0x0], $0xffff  }
0x349: {  	v33 =	vmul.f32 v28, v26;
	v3 =	vadd.f32 v32, v3;
	_ =	sdelay $0x1  }
0x34a: {  	v34 =	vmul.f32 v31, v29;
	v3 =	vadd.f32 v33, v3;
	_ =	sdelay $0x1  }
0x34b: {  	v1 =	vmul.f32 v1, v2;
	v3 =	vadd.f32 v34, v3;
	_ =	sdelay $0x1  }
0x34c: {  	v1 =	vadd.f32 v1, v3;
	_ =	sdelay $0x1  }
0x34d: {  	v1 =	vsub.f32 $0.0e+00, v1;
	_ =	sdelay $0x1  }
0x34e: {  	v1 =	vmul.f32 $1.442695020e+00, v1;
	_ =	sdelay $0x1  }
0x34f: {  	(erf) = vpow2.f32 v1;
	_ =	sdelay $0x8  }
0x350: {  	v1 =	vpop (erf)  }
0x351: {  	v1 =	vadd.f32 $1.000000000e+00, v1;
	_ =	sdelay $0x1  }
0x352: {  	(erf) = vrcp.f32 v1;
	_ =	sdelay $0x8  }
0x353: {  	s2 =	sadd.s32 $0x10, s29;
	v1 =	vpop (erf)  }
0x354: {  	[tilespmem:s2+$0x0] =	vst v1  }
0x355: {  	_ =	swait.ge [sflag:s20], $0x4000  }
0x356: {  	[sflag:s20] =	ssyncset.done $0x0  }
0x357: {  	[sflag:s20] =	ssyncadd.s32 $0xFFFFC000  }
0x358: {  	_ =	swait.ge [sflag:s21], $0x4000  }
0x359: {  	[sflag:s21] =	ssyncset.done $0x0  }
0x35a: {  	s0 =	simm.s32 $0x180;
	[sflag:s21] =	ssyncadd.s32 $0xFFFFC000  }
0x35b: {  	s2 =	simm.s32 $0x380;
	v1 =	vld [tilespmem:s0+$0x0]  }
0x35c: {  	v2 =	vld [tilespmem:s2+$0x0];
	_ =	sdelay $0x1  }
0x35d: {  	s2 =	simm.s32 $0x0  }
0x35e: {  	v3 =	vmov s2  }
0x35f: {  	v3 =	vshll.u32 v3, $0x7;
	v1 =	vshll.u32 v1, $0x5  }
0x360: {  	v3 =	vor.u32 v0, v3;
	v2 =	vshll.u32 v2, $0x5;
	v1 =	vand.u32 $0x60, v1  }
0x361: {  	v35 =	vand.u32 $0x60, v2;
	v2 =	vor.u32 v3, v1  }
0x362: {  	v1 =	vor.u32 v3, v35  }
0x363: {  	v3 =	vor.u32 $0x1, v2  }
0x364: {  	v4 =	vor.u32 $0x1, v1  }
0x365: {  	v36 =	vor.u32 $0x2, v2  }
0x366: {  	v38 =	vor.u32 $0x2, v1;
	v37 =	vld.idx.msk [tilespmem:v2+s17+$0x0], $0xffff  }
0x367: {  	v40 =	vor.u32 $0x3, v2;
	v39 =	vld.idx.msk [tilespmem:v1+s19+$0x0], $0xffff  }
0x368: {  	v41 =	vor.u32 $0x3, v1;
	v3 =	vld.idx.msk [tilespmem:v3+s17+$0x0], $0xffff  }
0x369: {  	v42 =	vor.u32 $0x4, v2;
	v4 =	vld.idx.msk [tilespmem:v4+s19+$0x0], $0xffff  }
0x36a: {  	v43 =	vor.u32 $0x4, v1;
	v5 =	vld.idx.msk [tilespmem:v36+s17+$0x0], $0xffff  }
0x36b: {  	v44 =	vor.u32 $0x5, v2;
	v7 =	vld.idx.msk [tilespmem:v38+s19+$0x0], $0xffff  }
0x36c: {  	v45 =	vor.u32 $0x5, v1;
	v9 =	vld.idx.msk [tilespmem:v40+s17+$0x0], $0xffff;
	v6 =	vmul.f32 v39, v37  }
0x36d: {  	v47 =	vor.u32 $0x6, v2;
	v46 =	vld.idx.msk [tilespmem:v41+s19+$0x0], $0xffff  }
0x36e: {  	v48 =	vor.u32 $0x6, v1;
	v11 =	vld.idx.msk [tilespmem:v42+s17+$0x0], $0xffff;
	v3 =	vmul.f32 v4, v3;
	v6 =	vadd.f32 $0.0e+00, v6  }
0x36f: {  	v50 =	vor.u32 $0x7, v2;
	v49 =	vld.idx.msk [tilespmem:v43+s19+$0x0], $0xffff  }
0x370: {  	v51 =	vor.u32 $0x7, v1;
	v13 =	vld.idx.msk [tilespmem:v44+s17+$0x0], $0xffff;
	v5 =	vmul.f32 v7, v5;
	v3 =	vadd.f32 v3, v6  }
0x371: {  	v54 =	vor.u32 $0x8, v1;
	v52 =	vld.idx.msk [tilespmem:v45+s19+$0x0], $0xffff  }
0x372: {  	v53 =	vor.u32 $0x8, v2;
	v10 =	vld.idx.msk [tilespmem:v47+s17+$0x0], $0xffff;
	v55 =	vmul.f32 v46, v9;
	v3 =	vadd.f32 v5, v3  }
0x373: {  	v58 =	vor.u32 $0x9, v1;
	v56 =	vld.idx.msk [tilespmem:v48+s19+$0x0], $0xffff  }
0x374: {  	v57 =	vor.u32 $0x9, v2;
	v12 =	vld.idx.msk [tilespmem:v50+s17+$0x0], $0xffff;
	v4 =	vmul.f32 v49, v11;
	v3 =	vadd.f32 v55, v3  }
0x375: {  	v61 =	vor.u32 $0xA, v1;
	v59 =	vld.idx.msk [tilespmem:v51+s19+$0x0], $0xffff  }
0x376: {  	v60 =	vor.u32 $0xA, v2;
	v63 =	vld.idx.msk [tilespmem:v54+s19+$0x0], $0xffff;
	v62 =	vmul.f32 v52, v13;
	v3 =	vadd.f32 v4, v3  }
0x377: {  	v20 =	vor.u32 $0xB, v1;
	v7 =	vld.idx.msk [tilespmem:v53+s17+$0x0], $0xffff  }
0x378: {  	v19 =	vor.u32 $0xB, v2;
	v22 =	vld.idx.msk [tilespmem:v58+s19+$0x0], $0xffff;
	v21 =	vmul.f32 v56, v10;
	v3 =	vadd.f32 v62, v3  }
0x379: {  	v24 =	vor.u32 $0xC, v1;
	v9 =	vld.idx.msk [tilespmem:v57+s17+$0x0], $0xffff  }
0x37a: {  	v23 =	vor.u32 $0xC, v2;
	v26 =	vld.idx.msk [tilespmem:v61+s19+$0x0], $0xffff;
	v25 =	vmul.f32 v59, v12;
	v3 =	vadd.f32 v21, v3  }
0x37b: {  	v28 =	vor.u32 $0xD, v1;
	v11 =	vld.idx.msk [tilespmem:v60+s17+$0x0], $0xffff  }
0x37c: {  	v27 =	vor.u32 $0xD, v2;
	v30 =	vld.idx.msk [tilespmem:v20+s19+$0x0], $0xffff;
	v29 =	vmul.f32 v63, v7;
	v3 =	vadd.f32 v25, v3  }
0x37d: {  	v32 =	vor.u32 $0xE, v1;
	v13 =	vld.idx.msk [tilespmem:v19+s17+$0x0], $0xffff  }
0x37e: {  	v31 =	vor.u32 $0xE, v2;
	v34 =	vld.idx.msk [tilespmem:v24+s19+$0x0], $0xffff;
	v33 =	vmul.f32 v22, v9;
	v3 =	vadd.f32 v29, v3  }
0x37f: {  	v36 =	vor.u32 $0xF, v1;
	v10 =	vld.idx.msk [tilespmem:v23+s17+$0x0], $0xffff  }
0x380: {  	v35 =	vor.u32 $0xF, v2;
	v38 =	vld.idx.msk [tilespmem:v28+s19+$0x0], $0xffff;
	v37 =	vmul.f32 v26, v11;
	v3 =	vadd.f32 v33, v3  }
0x381: {  	v40 =	vor.u32 $0x10, v1;
	v12 =	vld.idx.msk [tilespmem:v27+s17+$0x0], $0xffff  }
0x382: {  	v42 =	vld.idx.msk [tilespmem:v32+s19+$0x0], $0xffff;
	v39 =	vor.u32 $0x10, v2;
	v41 =	vmul.f32 v30, v13;
	v3 =	vadd.f32 v37, v3  }
0x383: {  	v44 =	vor.u32 $0x11, v1;
	v7 =	vld.idx.msk [tilespmem:v31+s17+$0x0], $0xffff  }
0x384: {  	v43 =	vor.u32 $0x11, v2;
	v46 =	vld.idx.msk [tilespmem:v36+s19+$0x0], $0xffff;
	v45 =	vmul.f32 v34, v10;
	v3 =	vadd.f32 v41, v3  }
0x385: {  	v48 =	vor.u32 $0x12, v1;
	v9 =	vld.idx.msk [tilespmem:v35+s17+$0x0], $0xffff  }
0x386: {  	v47 =	vor.u32 $0x12, v2;
	v50 =	vld.idx.msk [tilespmem:v40+s19+$0x0], $0xffff;
	v49 =	vmul.f32 v38, v12;
	v3 =	vadd.f32 v45, v3  }
0x387: {  	v51 =	vor.u32 $0x13, v2;
	v11 =	vld.idx.msk [tilespmem:v39+s17+$0x0], $0xffff  }
0x388: {  	v52 =	vor.u32 $0x13, v1;
	v54 =	vld.idx.msk [tilespmem:v44+s19+$0x0], $0xffff;
	v53 =	vmul.f32 v42, v7;
	v3 =	vadd.f32 v49, v3  }
0x389: {  	v56 =	vor.u32 $0x14, v1;
	v13 =	vld.idx.msk [tilespmem:v43+s17+$0x0], $0xffff  }
0x38a: {  	v58 =	vld.idx.msk [tilespmem:v48+s19+$0x0], $0xffff;
	v55 =	vor.u32 $0x14, v2;
	v57 =	vmul.f32 v46, v9;
	v3 =	vadd.f32 v53, v3  }
0x38b: {  	v60 =	vor.u32 $0x15, v1;
	v10 =	vld.idx.msk [tilespmem:v47+s17+$0x0], $0xffff  }
0x38c: {  	v59 =	vor.u32 $0x15, v2;
	v12 =	vld.idx.msk [tilespmem:v51+s17+$0x0], $0xffff;
	v61 =	vmul.f32 v50, v11;
	v3 =	vadd.f32 v57, v3  }
0x38d: {  	v20 =	vor.u32 $0x16, v1;
	v62 =	vld.idx.msk [tilespmem:v52+s19+$0x0], $0xffff  }
0x38e: {  	v63 =	vor.u32 $0x16, v2;
	v22 =	vld.idx.msk [tilespmem:v56+s19+$0x0], $0xffff;
	v21 =	vmul.f32 v54, v13;
	v3 =	vadd.f32 v61, v3  }
0x38f: {  	v24 =	vor.u32 $0x17, v1;
	v7 =	vld.idx.msk [tilespmem:v55+s17+$0x0], $0xffff  }
0x390: {  	v23 =	vor.u32 $0x17, v2;
	v26 =	vld.idx.msk [tilespmem:v60+s19+$0x0], $0xffff;
	v25 =	vmul.f32 v58, v10;
	v3 =	vadd.f32 v21, v3  }
0x391: {  	v28 =	vor.u32 $0x18, v1;
	v9 =	vld.idx.msk [tilespmem:v59+s17+$0x0], $0xffff  }
0x392: {  	v27 =	vor.u32 $0x18, v2;
	v30 =	vld.idx.msk [tilespmem:v20+s19+$0x0], $0xffff;
	v29 =	vmul.f32 v62, v12;
	v3 =	vadd.f32 v25, v3  }
0x393: {  	v32 =	vor.u32 $0x19, v1;
	v11 =	vld.idx.msk [tilespmem:v63+s17+$0x0], $0xffff  }
0x394: {  	v31 =	vor.u32 $0x19, v2;
	v34 =	vld.idx.msk [tilespmem:v24+s19+$0x0], $0xffff;
	v33 =	vmul.f32 v22, v7;
	v3 =	vadd.f32 v29, v3  }
0x395: {  	v36 =	vor.u32 $0x1A, v1;
	v13 =	vld.idx.msk [tilespmem:v23+s17+$0x0], $0xffff  }
0x396: {  	v35 =	vor.u32 $0x1A, v2;
	v38 =	vld.idx.msk [tilespmem:v28+s19+$0x0], $0xffff;
	v37 =	vmul.f32 v26, v9;
	v3 =	vadd.f32 v33, v3  }
0x397: {  	v40 =	vor.u32 $0x1B, v1;
	v10 =	vld.idx.msk [tilespmem:v27+s17+$0x0], $0xffff  }
0x398: {  	v39 =	vor.u32 $0x1B, v2;
	v42 =	vld.idx.msk [tilespmem:v32+s19+$0x0], $0xffff;
	v41 =	vmul.f32 v30, v11;
	v3 =	vadd.f32 v37, v3  }
0x399: {  	v44 =	vor.u32 $0x1C, v1;
	v12 =	vld.idx.msk [tilespmem:v31+s17+$0x0], $0xffff  }
0x39a: {  	v43 =	vor.u32 $0x1C, v2;
	v46 =	vld.idx.msk [tilespmem:v36+s19+$0x0], $0xffff;
	v45 =	vmul.f32 v34, v13;
	v3 =	vadd.f32 v41, v3  }
0x39b: {  	v47 =	vor.u32 $0x1D, v2;
	v7 =	vld.idx.msk [tilespmem:v35+s17+$0x0], $0xffff  }
0x39c: {  	v48 =	vor.u32 $0x1D, v1;
	v50 =	vld.idx.msk [tilespmem:v40+s19+$0x0], $0xffff;
	v49 =	vmul.f32 v38, v10;
	v3 =	vadd.f32 v45, v3  }
0x39d: {  	v51 =	vor.u32 $0x1E, v2;
	v9 =	vld.idx.msk [tilespmem:v39+s17+$0x0], $0xffff  }
0x39e: {  	v52 =	vor.u32 $0x1E, v1;
	v54 =	vld.idx.msk [tilespmem:v44+s19+$0x0], $0xffff;
	v53 =	vmul.f32 v42, v12;
	v3 =	vadd.f32 v49, v3  }
0x39f: {  	v2 =	vor.u32 $0x1F, v2;
	v11 =	vld.idx.msk [tilespmem:v43+s17+$0x0], $0xffff  }
0x3a0: {  	v1 =	vor.u32 $0x1F, v1;
	v55 =	vld.idx.msk [tilespmem:v47+s17+$0x0], $0xffff;
	v56 =	vmul.f32 v46, v7;
	v3 =	vadd.f32 v53, v3  }
0x3a1: {  	v57 =	vld.idx.msk [tilespmem:v48+s19+$0x0], $0xffff  }
0x3a2: {  	v58 =	vld.idx.msk [tilespmem:v51+s17+$0x0], $0xffff;
	v59 =	vmul.f32 v50, v9;
	v3 =	vadd.f32 v56, v3  }
0x3a3: {  	v60 =	vld.idx.msk [tilespmem:v52+s19+$0x0], $0xffff  }
0x3a4: {  	v2 =	vld.idx.msk [tilespmem:v2+s17+$0x0], $0xffff;
	v61 =	vmul.f32 v54, v11;
	v3 =	vadd.f32 v59, v3  }
0x3a5: {  	v1 =	vld.idx.msk [tilespmem:v1+s19+$0x0], $0xffff  }
0x3a6: {  	v62 =	vmul.f32 v57, v55;
	v3 =	vadd.f32 v61, v3;
	_ =	sdelay $0x1  }
0x3a7: {  	v63 =	vmul.f32 v60, v58;
	v3 =	vadd.f32 v62, v3;
	_ =	sdelay $0x1  }
0x3a8: {  	v1 =	vmul.f32 v1, v2;
	v3 =	vadd.f32 v63, v3;
	_ =	sdelay $0x1  }
0x3a9: {  	v1 =	vadd.f32 v1, v3;
	_ =	sdelay $0x1  }
0x3aa: {  	v1 =	vsub.f32 $0.0e+00, v1;
	_ =	sdelay $0x1  }
0x3ab: {  	v1 =	vmul.f32 $1.442695020e+00, v1;
	_ =	sdelay $0x1  }
0x3ac: {  	(erf) = vpow2.f32 v1;
	_ =	sdelay $0x8  }
0x3ad: {  	v1 =	vpop (erf)  }
0x3ae: {  	v1 =	vadd.f32 $1.000000000e+00, v1;
	_ =	sdelay $0x1  }
0x3af: {  	(erf) = vrcp.f32 v1;
	_ =	sdelay $0x8  }
0x3b0: {  	s29 =	simm.s32 $0x10980;
	v1 =	vpop (erf)  }
0x3b1: {  	s30 =	simm.s32 $0x190;
	[tilespmem:s29+$0x0] =	vst v1  }
0x3b2: {  	s31 =	simm.s32 $0x390;
	v1 =	vld [tilespmem:s30+$0x0]  }
0x3b3: {  	s0 =	simm.s32 $0x10;
	s2 =	simm.s32 $0x20;
	v2 =	vld [tilespmem:s31+$0x0]  }
.LBB2_10:
0x3b4: {  	p0 =	sne.s32 s2, $0x70;
	_ =	sdelay $0x1  }
0x3b5: {  	v3 =	vmov s0;
	s0 =	smov.u32 s2  }
0x3b6: {  	v3 =	vshll.u32 v3, $0x7;
	v1 =	vshll.u32 v1, $0x5  }
0x3b7: {  	v3 =	vor.u32 v0, v3;
	v1 =	vand.u32 $0x60, v1;
	v2 =	vshll.u32 v2, $0x5  }
0x3b8: {  	v4 =	vand.u32 $0x60, v2;
	v2 =	vor.u32 v3, v1  }
0x3b9: {  	v1 =	vor.u32 v3, v4  }
0x3ba: {  	v3 =	vor.u32 $0x1, v2  }
0x3bb: {  	v4 =	vor.u32 $0x1, v1  }
0x3bc: {  	v5 =	vor.u32 $0x2, v2  }
0x3bd: {  	v7 =	vor.u32 $0x2, v1;
	v6 =	vld.idx.msk [tilespmem:v2+s17+$0x0], $0xffff  }
0x3be: {  	v9 =	vor.u32 $0x3, v2;
	v8 =	vld.idx.msk [tilespmem:v1+s19+$0x0], $0xffff  }
0x3bf: {  	v10 =	vor.u32 $0x3, v1;
	v3 =	vld.idx.msk [tilespmem:v3+s17+$0x0], $0xffff  }
0x3c0: {  	v11 =	vor.u32 $0x4, v2;
	v4 =	vld.idx.msk [tilespmem:v4+s19+$0x0], $0xffff  }
0x3c1: {  	v12 =	vor.u32 $0x4, v1;
	v5 =	vld.idx.msk [tilespmem:v5+s17+$0x0], $0xffff  }
0x3c2: {  	v13 =	vor.u32 $0x5, v2;
	v7 =	vld.idx.msk [tilespmem:v7+s19+$0x0], $0xffff  }
0x3c3: {  	v14 =	vor.u32 $0x5, v1;
	v9 =	vld.idx.msk [tilespmem:v9+s17+$0x0], $0xffff  }
0x3c4: {  	v6 =	vmul.f32 v8, v6;
	v8 =	vld.idx.msk [tilespmem:v10+s19+$0x0], $0xffff;
	v10 =	vor.u32 $0x6, v2  }
0x3c5: {  	v15 =	vor.u32 $0x6, v1;
	v11 =	vld.idx.msk [tilespmem:v11+s17+$0x0], $0xffff  }
0x3c6: {  	v6 =	vadd.f32 $0.0e+00, v6;
	v3 =	vmul.f32 v4, v3;
	v4 =	vld.idx.msk [tilespmem:v12+s19+$0x0], $0xffff;
	v12 =	vor.u32 $0x7, v2  }
0x3c7: {  	v16 =	vor.u32 $0x7, v1;
	v13 =	vld.idx.msk [tilespmem:v13+s17+$0x0], $0xffff  }
0x3c8: {  	v3 =	vadd.f32 v3, v6;
	v5 =	vmul.f32 v7, v5;
	v7 =	vor.u32 $0x8, v2;
	v6 =	vld.idx.msk [tilespmem:v14+s19+$0x0], $0xffff  }
0x3c9: {  	v14 =	vor.u32 $0x8, v1;
	v10 =	vld.idx.msk [tilespmem:v10+s17+$0x0], $0xffff  }
0x3ca: {  	v3 =	vadd.f32 v5, v3;
	v5 =	vmul.f32 v8, v9;
	v9 =	vor.u32 $0x9, v2;
	v8 =	vld.idx.msk [tilespmem:v15+s19+$0x0], $0xffff  }
0x3cb: {  	v15 =	vor.u32 $0x9, v1;
	v12 =	vld.idx.msk [tilespmem:v12+s17+$0x0], $0xffff  }
0x3cc: {  	v3 =	vadd.f32 v5, v3;
	v4 =	vmul.f32 v4, v11;
	v11 =	vor.u32 $0xA, v2;
	v5 =	vld.idx.msk [tilespmem:v16+s19+$0x0], $0xffff  }
0x3cd: {  	v16 =	vor.u32 $0xA, v1;
	v7 =	vld.idx.msk [tilespmem:v7+s17+$0x0], $0xffff  }
0x3ce: {  	v3 =	vadd.f32 v4, v3;
	v4 =	vmul.f32 v6, v13;
	v13 =	vor.u32 $0xB, v2;
	v6 =	vld.idx.msk [tilespmem:v14+s19+$0x0], $0xffff  }
0x3cf: {  	v14 =	vor.u32 $0xB, v1;
	v9 =	vld.idx.msk [tilespmem:v9+s17+$0x0], $0xffff  }
0x3d0: {  	v3 =	vadd.f32 v4, v3;
	v4 =	vmul.f32 v8, v10;
	v10 =	vor.u32 $0xC, v2;
	v8 =	vld.idx.msk [tilespmem:v15+s19+$0x0], $0xffff  }
0x3d1: {  	v15 =	vor.u32 $0xC, v1;
	v11 =	vld.idx.msk [tilespmem:v11+s17+$0x0], $0xffff  }
0x3d2: {  	v3 =	vadd.f32 v4, v3;
	v4 =	vmul.f32 v5, v12;
	v12 =	vor.u32 $0xD, v2;
	v5 =	vld.idx.msk [tilespmem:v16+s19+$0x0], $0xffff  }
0x3d3: {  	v16 =	vor.u32 $0xD, v1;
	v13 =	vld.idx.msk [tilespmem:v13+s17+$0x0], $0xffff  }
0x3d4: {  	v3 =	vadd.f32 v4, v3;
	v4 =	vmul.f32 v6, v7;
	v7 =	vor.u32 $0xE, v2;
	v6 =	vld.idx.msk [tilespmem:v14+s19+$0x0], $0xffff  }
0x3d5: {  	v14 =	vor.u32 $0xE, v1;
	v10 =	vld.idx.msk [tilespmem:v10+s17+$0x0], $0xffff  }
0x3d6: {  	v3 =	vadd.f32 v4, v3;
	v4 =	vmul.f32 v8, v9;
	v9 =	vor.u32 $0xF, v2;
	v8 =	vld.idx.msk [tilespmem:v15+s19+$0x0], $0xffff  }
0x3d7: {  	v15 =	vor.u32 $0xF, v1;
	v12 =	vld.idx.msk [tilespmem:v12+s17+$0x0], $0xffff  }
0x3d8: {  	v3 =	vadd.f32 v4, v3;
	v4 =	vmul.f32 v5, v11;
	v11 =	vor.u32 $0x10, v2;
	v5 =	vld.idx.msk [tilespmem:v16+s19+$0x0], $0xffff  }
0x3d9: {  	v16 =	vor.u32 $0x10, v1;
	v7 =	vld.idx.msk [tilespmem:v7+s17+$0x0], $0xffff  }
0x3da: {  	v3 =	vadd.f32 v4, v3;
	v4 =	vmul.f32 v6, v13;
	v13 =	vor.u32 $0x11, v2;
	v6 =	vld.idx.msk [tilespmem:v14+s19+$0x0], $0xffff  }
0x3db: {  	v14 =	vor.u32 $0x11, v1;
	v9 =	vld.idx.msk [tilespmem:v9+s17+$0x0], $0xffff  }
0x3dc: {  	v3 =	vadd.f32 v4, v3;
	v4 =	vmul.f32 v8, v10;
	v10 =	vor.u32 $0x12, v2;
	v8 =	vld.idx.msk [tilespmem:v15+s19+$0x0], $0xffff  }
0x3dd: {  	v15 =	vor.u32 $0x12, v1;
	v11 =	vld.idx.msk [tilespmem:v11+s17+$0x0], $0xffff  }
0x3de: {  	v3 =	vadd.f32 v4, v3;
	v4 =	vmul.f32 v5, v12;
	v12 =	vor.u32 $0x13, v2;
	v5 =	vld.idx.msk [tilespmem:v16+s19+$0x0], $0xffff  }
0x3df: {  	v16 =	vor.u32 $0x13, v1;
	v13 =	vld.idx.msk [tilespmem:v13+s17+$0x0], $0xffff  }
0x3e0: {  	v3 =	vadd.f32 v4, v3;
	v4 =	vmul.f32 v6, v7;
	v7 =	vor.u32 $0x14, v2;
	v6 =	vld.idx.msk [tilespmem:v14+s19+$0x0], $0xffff  }
0x3e1: {  	v14 =	vor.u32 $0x14, v1;
	v10 =	vld.idx.msk [tilespmem:v10+s17+$0x0], $0xffff  }
0x3e2: {  	v3 =	vadd.f32 v4, v3;
	v4 =	vmul.f32 v8, v9;
	v9 =	vor.u32 $0x15, v2;
	v8 =	vld.idx.msk [tilespmem:v15+s19+$0x0], $0xffff  }
0x3e3: {  	v15 =	vor.u32 $0x15, v1;
	v12 =	vld.idx.msk [tilespmem:v12+s17+$0x0], $0xffff  }
0x3e4: {  	v3 =	vadd.f32 v4, v3;
	v4 =	vmul.f32 v5, v11;
	v11 =	vor.u32 $0x16, v2;
	v5 =	vld.idx.msk [tilespmem:v16+s19+$0x0], $0xffff  }
0x3e5: {  	v16 =	vor.u32 $0x16, v1;
	v7 =	vld.idx.msk [tilespmem:v7+s17+$0x0], $0xffff  }
0x3e6: {  	v3 =	vadd.f32 v4, v3;
	v4 =	vmul.f32 v6, v13;
	v13 =	vor.u32 $0x17, v2;
	v6 =	vld.idx.msk [tilespmem:v14+s19+$0x0], $0xffff  }
0x3e7: {  	v14 =	vor.u32 $0x17, v1;
	v9 =	vld.idx.msk [tilespmem:v9+s17+$0x0], $0xffff  }
0x3e8: {  	v3 =	vadd.f32 v4, v3;
	v4 =	vmul.f32 v8, v10;
	v10 =	vor.u32 $0x18, v2;
	v8 =	vld.idx.msk [tilespmem:v15+s19+$0x0], $0xffff  }
0x3e9: {  	v15 =	vor.u32 $0x18, v1;
	v11 =	vld.idx.msk [tilespmem:v11+s17+$0x0], $0xffff  }
0x3ea: {  	v3 =	vadd.f32 v4, v3;
	v4 =	vmul.f32 v5, v12;
	v12 =	vor.u32 $0x19, v2;
	v5 =	vld.idx.msk [tilespmem:v16+s19+$0x0], $0xffff  }
0x3eb: {  	v16 =	vor.u32 $0x19, v1;
	v13 =	vld.idx.msk [tilespmem:v13+s17+$0x0], $0xffff  }
0x3ec: {  	v3 =	vadd.f32 v4, v3;
	v4 =	vmul.f32 v6, v7;
	v7 =	vor.u32 $0x1A, v2;
	v6 =	vld.idx.msk [tilespmem:v14+s19+$0x0], $0xffff  }
0x3ed: {  	v14 =	vor.u32 $0x1A, v1;
	v10 =	vld.idx.msk [tilespmem:v10+s17+$0x0], $0xffff  }
0x3ee: {  	v3 =	vadd.f32 v4, v3;
	v4 =	vmul.f32 v8, v9;
	v9 =	vor.u32 $0x1B, v2;
	v8 =	vld.idx.msk [tilespmem:v15+s19+$0x0], $0xffff  }
0x3ef: {  	v15 =	vor.u32 $0x1B, v1;
	v12 =	vld.idx.msk [tilespmem:v12+s17+$0x0], $0xffff  }
0x3f0: {  	v3 =	vadd.f32 v4, v3;
	v4 =	vmul.f32 v5, v11;
	v11 =	vor.u32 $0x1C, v2;
	v5 =	vld.idx.msk [tilespmem:v16+s19+$0x0], $0xffff  }
0x3f1: {  	v16 =	vor.u32 $0x1C, v1;
	v7 =	vld.idx.msk [tilespmem:v7+s17+$0x0], $0xffff  }
0x3f2: {  	v3 =	vadd.f32 v4, v3;
	v4 =	vmul.f32 v6, v13;
	v13 =	vor.u32 $0x1D, v2;
	v6 =	vld.idx.msk [tilespmem:v14+s19+$0x0], $0xffff  }
0x3f3: {  	v14 =	vor.u32 $0x1D, v1;
	v9 =	vld.idx.msk [tilespmem:v9+s17+$0x0], $0xffff  }
0x3f4: {  	v3 =	vadd.f32 v4, v3;
	v4 =	vmul.f32 v8, v10;
	v10 =	vor.u32 $0x1E, v2;
	v8 =	vld.idx.msk [tilespmem:v15+s19+$0x0], $0xffff  }
0x3f5: {  	v15 =	vor.u32 $0x1E, v1;
	v11 =	vld.idx.msk [tilespmem:v11+s17+$0x0], $0xffff  }
0x3f6: {  	v2 =	vor.u32 $0x1F, v2;
	v3 =	vadd.f32 v4, v3;
	v4 =	vmul.f32 v5, v12;
	v5 =	vld.idx.msk [tilespmem:v16+s19+$0x0], $0xffff  }
0x3f7: {  	v1 =	vor.u32 $0x1F, v1;
	v12 =	vld.idx.msk [tilespmem:v13+s17+$0x0], $0xffff  }
0x3f8: {  	v3 =	vadd.f32 v4, v3;
	v4 =	vmul.f32 v6, v7;
	v6 =	vld.idx.msk [tilespmem:v14+s19+$0x0], $0xffff  }
0x3f9: {  	v7 =	vld.idx.msk [tilespmem:v10+s17+$0x0], $0xffff  }
0x3fa: {  	v3 =	vadd.f32 v4, v3;
	v4 =	vmul.f32 v8, v9;
	v8 =	vld.idx.msk [tilespmem:v15+s19+$0x0], $0xffff  }
0x3fb: {  	v2 =	vld.idx.msk [tilespmem:v2+s17+$0x0], $0xffff  }
0x3fc: {  	v3 =	vadd.f32 v4, v3;
	v4 =	vmul.f32 v5, v11;
	v1 =	vld.idx.msk [tilespmem:v1+s19+$0x0], $0xffff;
	_ =	sdelay $0x1  }
0x3fd: {  	v3 =	vadd.f32 v4, v3;
	v4 =	vmul.f32 v6, v12;
	_ =	sdelay $0x1  }
0x3fe: {  	v3 =	vadd.f32 v4, v3;
	v4 =	vmul.f32 v8, v7;
	_ =	sdelay $0x1  }
0x3ff: {  	v3 =	vadd.f32 v4, v3;
	v1 =	vmul.f32 v1, v2;
	_ =	sdelay $0x1  }
0x400: {  	v1 =	vadd.f32 v1, v3;
	_ =	sdelay $0x1  }
0x401: {  	v1 =	vsub.f32 $0.0e+00, v1;
	_ =	sdelay $0x1  }
0x402: {  	v1 =	vmul.f32 $1.442695020e+00, v1;
	_ =	sdelay $0x1  }
0x403: {  	(erf) = vpow2.f32 v1;
	_ =	sdelay $0x8  }
0x404: {  	v1 =	vpop (erf)  }
0x405: {  	v1 =	vadd.f32 $1.000000000e+00, v1;
	_ =	sdelay $0x1  }
0x406: {  	(erf) = vrcp.f32 v1;
	_ =	sdelay $0x7  }
.Ltmp4:
0x407: {  	(pc) =	sbr.rel @p0 .LBB2_10-.Ltmp4, $4  }
0x408: {  	s29 =	sadd.s32 $0x10, s29;
	v1 =	vpop (erf)  }
0x409: {  	s30 =	sadd.s32 $0x10, s30;
	[tilespmem:s29+$0x0] =	vst v1  }
0x40a: {  	s31 =	sadd.s32 $0x10, s31;
	v1 =	vld [tilespmem:s30+$0x0]  }
0x40b: {  	s2 =	sadd.s32 $0x10, s2;
	v2 =	vld [tilespmem:s31+$0x0]  }
0x40c: {  	_ =	sdelay $0x1  }
0x40d: {  	v3 =	vmov s0  }
0x40e: {  	v3 =	vshll.u32 v3, $0x7;
	v1 =	vshll.u32 v1, $0x5  }
0x40f: {  	v3 =	vor.u32 v0, v3;
	v1 =	vand.u32 $0x60, v1;
	v2 =	vshll.u32 v2, $0x5  }
0x410: {  	v4 =	vand.u32 $0x60, v2;
	v2 =	vor.u32 v3, v1  }
0x411: {  	v1 =	vor.u32 v3, v4  }
0x412: {  	v3 =	vor.u32 $0x1, v2  }
0x413: {  	v4 =	vor.u32 $0x1, v1  }
0x414: {  	v5 =	vor.u32 $0x2, v2  }
0x415: {  	v7 =	vor.u32 $0x2, v1;
	v6 =	vld.idx.msk [tilespmem:v2+s17+$0x0], $0xffff  }
0x416: {  	v9 =	vor.u32 $0x3, v2;
	v8 =	vld.idx.msk [tilespmem:v1+s19+$0x0], $0xffff  }
0x417: {  	v10 =	vor.u32 $0x3, v1;
	v3 =	vld.idx.msk [tilespmem:v3+s17+$0x0], $0xffff  }
0x418: {  	v11 =	vor.u32 $0x4, v2;
	v4 =	vld.idx.msk [tilespmem:v4+s19+$0x0], $0xffff  }
0x419: {  	v12 =	vor.u32 $0x4, v1;
	v5 =	vld.idx.msk [tilespmem:v5+s17+$0x0], $0xffff  }
0x41a: {  	v13 =	vor.u32 $0x5, v2;
	v7 =	vld.idx.msk [tilespmem:v7+s19+$0x0], $0xffff  }
0x41b: {  	v14 =	vor.u32 $0x5, v1;
	v9 =	vld.idx.msk [tilespmem:v9+s17+$0x0], $0xffff;
	v6 =	vmul.f32 v8, v6  }
0x41c: {  	v49 =	vor.u32 $0x6, v2;
	v48 =	vld.idx.msk [tilespmem:v10+s19+$0x0], $0xffff  }
0x41d: {  	v15 =	vor.u32 $0x6, v1;
	v11 =	vld.idx.msk [tilespmem:v11+s17+$0x0], $0xffff;
	v3 =	vmul.f32 v4, v3;
	v6 =	vadd.f32 $0.0e+00, v6  }
0x41e: {  	v51 =	vor.u32 $0x7, v2;
	v50 =	vld.idx.msk [tilespmem:v12+s19+$0x0], $0xffff  }
0x41f: {  	v16 =	vor.u32 $0x7, v1;
	v13 =	vld.idx.msk [tilespmem:v13+s17+$0x0], $0xffff;
	v5 =	vmul.f32 v7, v5;
	v3 =	vadd.f32 v3, v6  }
0x420: {  	v54 =	vor.u32 $0x8, v1;
	v52 =	vld.idx.msk [tilespmem:v14+s19+$0x0], $0xffff  }
0x421: {  	v53 =	vor.u32 $0x8, v2;
	v10 =	vld.idx.msk [tilespmem:v49+s17+$0x0], $0xffff;
	v55 =	vmul.f32 v48, v9;
	v3 =	vadd.f32 v5, v3  }
0x422: {  	v58 =	vor.u32 $0x9, v1;
	v56 =	vld.idx.msk [tilespmem:v15+s19+$0x0], $0xffff  }
0x423: {  	v57 =	vor.u32 $0x9, v2;
	v12 =	vld.idx.msk [tilespmem:v51+s17+$0x0], $0xffff;
	v4 =	vmul.f32 v50, v11;
	v3 =	vadd.f32 v55, v3  }
0x424: {  	v61 =	vor.u32 $0xA, v1;
	v59 =	vld.idx.msk [tilespmem:v16+s19+$0x0], $0xffff  }
0x425: {  	v60 =	vor.u32 $0xA, v2;
	v63 =	vld.idx.msk [tilespmem:v54+s19+$0x0], $0xffff;
	v62 =	vmul.f32 v52, v13;
	v3 =	vadd.f32 v4, v3  }
0x426: {  	v20 =	vor.u32 $0xB, v1;
	v7 =	vld.idx.msk [tilespmem:v53+s17+$0x0], $0xffff  }
0x427: {  	v19 =	vor.u32 $0xB, v2;
	v22 =	vld.idx.msk [tilespmem:v58+s19+$0x0], $0xffff;
	v21 =	vmul.f32 v56, v10;
	v3 =	vadd.f32 v62, v3  }
0x428: {  	v24 =	vor.u32 $0xC, v1;
	v9 =	vld.idx.msk [tilespmem:v57+s17+$0x0], $0xffff  }
0x429: {  	v23 =	vor.u32 $0xC, v2;
	v26 =	vld.idx.msk [tilespmem:v61+s19+$0x0], $0xffff;
	v25 =	vmul.f32 v59, v12;
	v3 =	vadd.f32 v21, v3  }
0x42a: {  	v28 =	vor.u32 $0xD, v1;
	v11 =	vld.idx.msk [tilespmem:v60+s17+$0x0], $0xffff  }
0x42b: {  	v27 =	vor.u32 $0xD, v2;
	v30 =	vld.idx.msk [tilespmem:v20+s19+$0x0], $0xffff;
	v29 =	vmul.f32 v63, v7;
	v3 =	vadd.f32 v25, v3  }
0x42c: {  	v32 =	vor.u32 $0xE, v1;
	v13 =	vld.idx.msk [tilespmem:v19+s17+$0x0], $0xffff  }
0x42d: {  	v31 =	vor.u32 $0xE, v2;
	v34 =	vld.idx.msk [tilespmem:v24+s19+$0x0], $0xffff;
	v33 =	vmul.f32 v22, v9;
	v3 =	vadd.f32 v29, v3  }
0x42e: {  	v36 =	vor.u32 $0xF, v1;
	v10 =	vld.idx.msk [tilespmem:v23+s17+$0x0], $0xffff  }
0x42f: {  	v35 =	vor.u32 $0xF, v2;
	v38 =	vld.idx.msk [tilespmem:v28+s19+$0x0], $0xffff;
	v37 =	vmul.f32 v26, v11;
	v3 =	vadd.f32 v33, v3  }
0x430: {  	v40 =	vor.u32 $0x10, v1;
	v12 =	vld.idx.msk [tilespmem:v27+s17+$0x0], $0xffff  }
0x431: {  	v39 =	vor.u32 $0x10, v2;
	v42 =	vld.idx.msk [tilespmem:v32+s19+$0x0], $0xffff;
	v41 =	vmul.f32 v30, v13;
	v3 =	vadd.f32 v37, v3  }
0x432: {  	v44 =	vor.u32 $0x11, v1;
	v7 =	vld.idx.msk [tilespmem:v31+s17+$0x0], $0xffff  }
0x433: {  	v43 =	vor.u32 $0x11, v2;
	v46 =	vld.idx.msk [tilespmem:v36+s19+$0x0], $0xffff;
	v45 =	vmul.f32 v34, v10;
	v3 =	vadd.f32 v41, v3  }
0x434: {  	v47 =	vor.u32 $0x12, v2;
	v9 =	vld.idx.msk [tilespmem:v35+s17+$0x0], $0xffff  }
0x435: {  	v48 =	vor.u32 $0x12, v1;
	v50 =	vld.idx.msk [tilespmem:v40+s19+$0x0], $0xffff;
	v49 =	vmul.f32 v38, v12;
	v3 =	vadd.f32 v45, v3  }
0x436: {  	v51 =	vor.u32 $0x13, v2;
	v11 =	vld.idx.msk [tilespmem:v39+s17+$0x0], $0xffff  }
0x437: {  	v54 =	vld.idx.msk [tilespmem:v44+s19+$0x0], $0xffff;
	v52 =	vor.u32 $0x13, v1;
	v53 =	vmul.f32 v42, v7;
	v3 =	vadd.f32 v49, v3  }
0x438: {  	v56 =	vor.u32 $0x14, v1;
	v13 =	vld.idx.msk [tilespmem:v43+s17+$0x0], $0xffff  }
0x439: {  	v10 =	vld.idx.msk [tilespmem:v47+s17+$0x0], $0xffff;
	v55 =	vor.u32 $0x14, v2;
	v57 =	vmul.f32 v46, v9;
	v3 =	vadd.f32 v53, v3  }
0x43a: {  	v60 =	vor.u32 $0x15, v1;
	v58 =	vld.idx.msk [tilespmem:v48+s19+$0x0], $0xffff  }
0x43b: {  	v59 =	vor.u32 $0x15, v2;
	v12 =	vld.idx.msk [tilespmem:v51+s17+$0x0], $0xffff;
	v61 =	vmul.f32 v50, v11;
	v3 =	vadd.f32 v57, v3  }
0x43c: {  	v20 =	vor.u32 $0x16, v1;
	v62 =	vld.idx.msk [tilespmem:v52+s19+$0x0], $0xffff  }
0x43d: {  	v63 =	vor.u32 $0x16, v2;
	v22 =	vld.idx.msk [tilespmem:v56+s19+$0x0], $0xffff;
	v21 =	vmul.f32 v54, v13;
	v3 =	vadd.f32 v61, v3  }
0x43e: {  	v24 =	vor.u32 $0x17, v1;
	v7 =	vld.idx.msk [tilespmem:v55+s17+$0x0], $0xffff  }
0x43f: {  	v23 =	vor.u32 $0x17, v2;
	v26 =	vld.idx.msk [tilespmem:v60+s19+$0x0], $0xffff;
	v25 =	vmul.f32 v58, v10;
	v3 =	vadd.f32 v21, v3  }
0x440: {  	v28 =	vor.u32 $0x18, v1;
	v9 =	vld.idx.msk [tilespmem:v59+s17+$0x0], $0xffff  }
0x441: {  	v27 =	vor.u32 $0x18, v2;
	v30 =	vld.idx.msk [tilespmem:v20+s19+$0x0], $0xffff;
	v29 =	vmul.f32 v62, v12;
	v3 =	vadd.f32 v25, v3  }
0x442: {  	v32 =	vor.u32 $0x19, v1;
	v11 =	vld.idx.msk [tilespmem:v63+s17+$0x0], $0xffff  }
0x443: {  	v31 =	vor.u32 $0x19, v2;
	v34 =	vld.idx.msk [tilespmem:v24+s19+$0x0], $0xffff;
	v33 =	vmul.f32 v22, v7;
	v3 =	vadd.f32 v29, v3  }
0x444: {  	v36 =	vor.u32 $0x1A, v1;
	v13 =	vld.idx.msk [tilespmem:v23+s17+$0x0], $0xffff  }
0x445: {  	v35 =	vor.u32 $0x1A, v2;
	v38 =	vld.idx.msk [tilespmem:v28+s19+$0x0], $0xffff;
	v37 =	vmul.f32 v26, v9;
	v3 =	vadd.f32 v33, v3  }
0x446: {  	v40 =	vor.u32 $0x1B, v1;
	v10 =	vld.idx.msk [tilespmem:v27+s17+$0x0], $0xffff  }
0x447: {  	v39 =	vor.u32 $0x1B, v2;
	v42 =	vld.idx.msk [tilespmem:v32+s19+$0x0], $0xffff;
	v41 =	vmul.f32 v30, v11;
	v3 =	vadd.f32 v37, v3  }
0x448: {  	v44 =	vor.u32 $0x1C, v1;
	v12 =	vld.idx.msk [tilespmem:v31+s17+$0x0], $0xffff  }
0x449: {  	v43 =	vor.u32 $0x1C, v2;
	v46 =	vld.idx.msk [tilespmem:v36+s19+$0x0], $0xffff;
	v45 =	vmul.f32 v34, v13;
	v3 =	vadd.f32 v41, v3  }
0x44a: {  	v47 =	vor.u32 $0x1D, v2;
	v7 =	vld.idx.msk [tilespmem:v35+s17+$0x0], $0xffff  }
0x44b: {  	v48 =	vor.u32 $0x1D, v1;
	v50 =	vld.idx.msk [tilespmem:v40+s19+$0x0], $0xffff;
	v49 =	vmul.f32 v38, v10;
	v3 =	vadd.f32 v45, v3  }
0x44c: {  	v51 =	vor.u32 $0x1E, v2;
	v9 =	vld.idx.msk [tilespmem:v39+s17+$0x0], $0xffff  }
0x44d: {  	v52 =	vor.u32 $0x1E, v1;
	v54 =	vld.idx.msk [tilespmem:v44+s19+$0x0], $0xffff;
	v53 =	vmul.f32 v42, v12;
	v3 =	vadd.f32 v49, v3  }
0x44e: {  	v2 =	vor.u32 $0x1F, v2;
	v11 =	vld.idx.msk [tilespmem:v43+s17+$0x0], $0xffff  }
0x44f: {  	v1 =	vor.u32 $0x1F, v1;
	v55 =	vld.idx.msk [tilespmem:v47+s17+$0x0], $0xffff;
	v56 =	vmul.f32 v46, v7;
	v3 =	vadd.f32 v53, v3  }
0x450: {  	v57 =	vld.idx.msk [tilespmem:v48+s19+$0x0], $0xffff  }
0x451: {  	v58 =	vld.idx.msk [tilespmem:v51+s17+$0x0], $0xffff;
	v59 =	vmul.f32 v50, v9;
	v3 =	vadd.f32 v56, v3  }
0x452: {  	v60 =	vld.idx.msk [tilespmem:v52+s19+$0x0], $0xffff  }
0x453: {  	v2 =	vld.idx.msk [tilespmem:v2+s17+$0x0], $0xffff;
	v61 =	vmul.f32 v54, v11;
	v3 =	vadd.f32 v59, v3  }
0x454: {  	v1 =	vld.idx.msk [tilespmem:v1+s19+$0x0], $0xffff  }
0x455: {  	v62 =	vmul.f32 v57, v55;
	v3 =	vadd.f32 v61, v3;
	_ =	sdelay $0x1  }
0x456: {  	v63 =	vmul.f32 v60, v58;
	v3 =	vadd.f32 v62, v3;
	_ =	sdelay $0x1  }
0x457: {  	v1 =	vmul.f32 v1, v2;
	v3 =	vadd.f32 v63, v3;
	_ =	sdelay $0x1  }
0x458: {  	v1 =	vadd.f32 v1, v3;
	_ =	sdelay $0x1  }
0x459: {  	v1 =	vsub.f32 $0.0e+00, v1;
	_ =	sdelay $0x1  }
0x45a: {  	v1 =	vmul.f32 $1.442695020e+00, v1;
	_ =	sdelay $0x1  }
0x45b: {  	(erf) = vpow2.f32 v1;
	_ =	sdelay $0x8  }
0x45c: {  	v1 =	vpop (erf)  }
0x45d: {  	v1 =	vadd.f32 $1.000000000e+00, v1;
	_ =	sdelay $0x1  }
0x45e: {  	(erf) = vrcp.f32 v1;
	_ =	sdelay $0x7  }
0x45f: {  	s28 =	sadd.s32 $0x1, s28  }
0x460: {  	s31 =	sadd.s32 $0x10, s29;
	p0 =	sne.s32 s28, s8;
	v1 =	vpop (erf)  }
.Ltmp5:
0x461: {  	[tilespmem:s31+$0x0] =	vst v1;
	(pc) =	sbr.rel @p0 .LBB2_1-.Ltmp5, $4  }
0x462: {  	[hbm4b:s7+s1] =	stream.linear.scatter [tilespmem:s26], [sflag:$0x3], $0x200, $0x38;
	[tilespmem:$0x10A00] =	vst v63  }
0x463: {  	_ =	swait.ge [sflag:s9], $0x200  }
0x464: {  	[sflag:s9] =	ssyncset.done $0x0  }
0x465: {  	[sflag:s9] =	ssyncadd.s32 $0xFFFFFE00  }
0x466: {  	_ =	sfence.sel $0x180000  }
0x467: {  	[bflag:$0x0] =	sbarrier.arrive $0xFFFF  }
0x468: {  	_ =	strace $0x90000047  }
0x469: {  	s0 =	stileid.u32;
	[bflag:$0x2] =	sbarrier.arrive $0xFFFF  }
0x46a: {  	p0 =	sne.s32 s0, $0x0;
	s0 =	rddreg [dreg:$0x4]  }
0x46b: {  	s0 =	sadd.s32 @!p0 $0x100000, s0  }
0x46c: {  	[sflag:s0] =	ssyncadd.tile.s32 @!p0 $0x1;
	_ =	shalt  }
.Lfunc_end2:
_tile_overlayer_lowered:
.L_overlay_start_2:
0x46d: {  	(tag) =	ssettag $0x2  }
0x46e: {  	s0 =	rddreg [dreg:$0x0];
	s2 =	stileid.u32  }
0x46f: {  	s1 =	rddreg [dreg:$0x1];
	p0 =	sne.s32 s2, $0x0  }
0x470: {  	s3 =	rddreg [dreg:$0x2];
	[bflag:$0x3] =	sbarrier.arrive $0xFFFF;
	s2 =	simm.s32 @!p0 $0x1C03  }
0x471: {  	[timem:s3], [sflag:s2] =	dma.local @!p0 [hbm:s0], s1  }
0x472: {  	s0 =	simm.s32 @!p0 $0x3  }
0x473: {  	_ =	swait.ge @!p0 [sflag:s0], s1  }
0x474: {  	s1 =	ssub.s32 @!p0 $0x0, s1;
	[sflag:s0] =	ssyncset.done @!p0 $0x0  }
0x475: {  	[sflag:s0] =	ssyncadd.s32 @!p0 s1  }
0x476: {  	[bflag:$0x3] =	sbarrier.arrive $0xFFFF  }
0x477: {  	_ =	shalt  }

</sc_bundles>
